<compile_context>
chip_gen: v7x
topology: tpu7x:2x2x1
jax: 0.10.2.dev20260603
libtpu: 0.0.44.dev20260713+nightly
codegen_flags: <defaults>
</compile_context>

<pallas_src>
import functools

import jax
import jax.numpy as jnp
from jax import lax
from jax.experimental import pallas as pl
from jax.experimental.pallas import tpu as pltpu
from jax.experimental.pallas import tpu_sc as plsc

DIM = 1024
NE = 8
TOPK = 2
DFF = 4096
BT = 256
GB = 512
BF = 1024
NB = 24
NBL = 32
NBV = 2
NC = 2
NS = 16
NW = NC * NS
L = 16


def _router_body(x_ref, wr_ref, idx_ref, val_ref):
    xb = x_ref[...]
    logits = lax.dot_general(xb, wr_ref[...], (((1,), (1,)), ((), ())),
                             preferred_element_type=jnp.float32)
    m = jnp.max(logits, axis=-1, keepdims=True)
    ex = jnp.exp(logits - m)
    probs = ex / jnp.sum(ex, axis=-1, keepdims=True)
    bt, ne = probs.shape
    lane = lax.broadcasted_iota(jnp.int32, (bt, ne), 1)
    i1 = jnp.argmax(probs, axis=-1).astype(jnp.int32)[:, None]
    v1 = jnp.max(probs, axis=-1, keepdims=True)
    masked = jnp.where(lane == i1, -jnp.inf, probs)
    i2 = jnp.argmax(masked, axis=-1).astype(jnp.int32)[:, None]
    v2 = jnp.max(masked, axis=-1, keepdims=True)
    idx_ref[...] = jnp.concatenate([i1, i2], axis=1)
    val_ref[...] = jnp.concatenate([v1, v2], axis=1)


def _dispatch_body(eids_hbm, x_hbm, pos_hbm, be_hbm, nbu_hbm, xs_hbm,
                   ids_v, pos2_v, tok2_v, be_v, nbu_v, tot_v, rows_v, sem_g, sem_s):
    wid = lax.axis_index("s") * NC + lax.axis_index("c")
    pair_base = wid * 256
    lane = lax.iota(jnp.int32, L)
    zero16 = jnp.zeros((L,), jnp.int32)
    lane_eq = [lane == e for e in range(NE)]

    pltpu.sync_copy(eids_hbm, ids_v)

    tot_v[...] = zero16
    ones16 = jnp.ones((L,), jnp.int32)

    def hist_body(r, prefix):
        prefix = jnp.where(r == wid, tot_v[...], prefix)
        for j in range(16):
            v = ids_v[pl.ds(r * 256 + j * L, L)]
            plsc.addupdate_scatter(tot_v, [v], ones16)
        return prefix

    prefix = lax.fori_loop(0, NW, hist_body, zero16, unroll=False)
    totals = tot_v[...]

    nblk = (totals + (GB - 1)) // GB
    cum = plsc.cumsum(nblk)
    blk_off = cum - nblk
    pad_off = blk_off * GB
    start = pad_off + prefix

    tb = jnp.sum(nblk)
    offs = [jnp.sum(jnp.where(lane_eq[e], blk_off, zero16)) for e in range(NE)]
    for jj in range(NBV):
        jv = lane + jj * L
        acc = jnp.full((L,), -1, jnp.int32)
        for e in range(NE):
            acc = acc + jnp.where(jv >= offs[e], 1, 0)
        be_v[pl.ds(jj * L, L)] = acc
    nbu_v[...] = jnp.full((L,), tb, jnp.int32)

    @pl.when(wid == 0)
    def _publish():
        pltpu.sync_copy(be_v, be_hbm)
        pltpu.sync_copy(nbu_v, nbu_hbm)

    starts = tuple(
        jnp.sum(jnp.where(lane_eq[e], start, zero16)) for e in range(NE))

    def pos_body(c, cursors):
        for jj in range(4):
            off = c * 64 + jj * L
            v = ids_v[pl.ds(pair_base + off, L)]
            posv = zero16
            cur = list(cursors)
            for e in range(NE):
                mi = jnp.where(v == e, 1, 0)
                rank = plsc.cumsum(mi) - mi
                posv = posv + (rank + cur[e]) * mi
                cur[e] = cur[e] + jnp.sum(mi)
            cursors = tuple(cur)
            pos2_v[c, pl.ds(jj * L, L)] = posv
            tok2_v[c, pl.ds(jj * L, L)] = (pair_base + off + lane) // TOPK
        return cursors

    lax.fori_loop(0, 4, pos_body, starts, unroll=False)
    pltpu.sync_copy(pos2_v, pos_hbm.at[pl.ds(wid * 4, 4)])

    def move_body(c, carry):
        pltpu.async_copy(x_hbm.at[tok2_v.at[c]], rows_v, sem_g).wait()
        pltpu.async_copy(rows_v, xs_hbm.at[pos2_v.at[c]], sem_s).wait()
        return carry

    lax.fori_loop(0, 4, move_body, 0, unroll=False)


def _gemm_body(be_ref, nbu_ref, xs_ref, w1_ref, w2_ref, ys_ref):
    b = pl.program_id(0)
    f = pl.program_id(1)

    @pl.when(f == 0)
    def _init():
        ys_ref[...] = jnp.zeros_like(ys_ref)

    @pl.when(b < nbu_ref[0])
    def _compute():
        h = lax.dot_general(xs_ref[...], w1_ref[0],
                            (((1,), (1,)), ((), ())),
                            preferred_element_type=jnp.float32)
        h = 0.5 * h * (1.0 + jnp.tanh(0.7978845608028654 *
                                      (h + 0.044715 * h * h * h)))
        ys_ref[...] += lax.dot_general(h, w2_ref[0],
                                       (((1,), (1,)), ((), ())),
                                       preferred_element_type=jnp.float32)


def _regather_body(ys_hbm, pos_hbm, yg_hbm, pix_v, rows_v, sem_g):
    wid = lax.axis_index("s") * NC + lax.axis_index("c")
    pltpu.sync_copy(pos_hbm.at[pl.ds(wid * 4, 4)], pix_v)

    def move_body(c, carry):
        pltpu.async_copy(ys_hbm.at[pix_v.at[c]], rows_v, sem_g).wait()
        pltpu.sync_copy(rows_v, yg_hbm.at[pl.ds(wid * 256 + c * 64, 64)])
        return carry

    lax.fori_loop(0, 4, move_body, 0, unroll=False)


def _combine_body(yg_ref, val_ref, out_ref):
    y = yg_ref[...]
    w = val_ref[...]
    out_ref[...] = w[:, 0:1] * y[:, 0, :] + w[:, 1:2] * y[:, 1, :]


def kernel(x, W_router, W1, W2):
    batch, seq, dim = x.shape
    T = batch * seq
    P = T * TOPK
    S = NB * GB
    xf = x.reshape(T, dim)


    idx, vals = pl.pallas_call(
        _router_body,
        grid=(T // BT,),
        in_specs=[
            pl.BlockSpec((BT, dim), lambda t: (t, 0)),
            pl.BlockSpec((NE, dim), lambda t: (0, 0)),
        ],
        out_specs=[
            pl.BlockSpec((BT, TOPK), lambda t: (t, 0)),
            pl.BlockSpec((BT, TOPK), lambda t: (t, 0)),
        ],
        out_shape=[
            jax.ShapeDtypeStruct((T, TOPK), jnp.int32),
            jax.ShapeDtypeStruct((T, TOPK), jnp.float32),
        ],
    )(xf, W_router)

    eids = idx.reshape(P)

    mesh = plsc.VectorSubcoreMesh(core_axis_name="c", subcore_axis_name="s", num_cores=NC, num_subcores=NS)
    dispatch = pl.kernel(
        _dispatch_body,
        out_type=[
            jax.ShapeDtypeStruct((P // 64, 64), jnp.int32),
            jax.ShapeDtypeStruct((NBL,), jnp.int32),
            jax.ShapeDtypeStruct((L,), jnp.int32),
            jax.ShapeDtypeStruct((S, dim), jnp.float32),
        ],
        mesh=mesh,
        compiler_params=pltpu.CompilerParams(needs_layout_passes=False),
        scratch_types=[
            pltpu.VMEM((P,), jnp.int32),
            pltpu.VMEM((4, 64), jnp.int32),
            pltpu.VMEM((4, 64), jnp.int32),
            pltpu.VMEM((NBL,), jnp.int32),
            pltpu.VMEM((L,), jnp.int32),
            pltpu.VMEM((L,), jnp.int32),
            pltpu.VMEM((64, dim), jnp.float32),
            pltpu.SemaphoreType.DMA,
            pltpu.SemaphoreType.DMA,
        ],
    )
    pos, be, nbu, xs = dispatch(eids, xf)

    ys = pl.pallas_call(
        _gemm_body,
        grid_spec=pltpu.PrefetchScalarGridSpec(
            num_scalar_prefetch=2,
            grid=(NB, DFF // BF),
            in_specs=[
                pl.BlockSpec((GB, dim),
                             lambda b, f, be, nbu: (jnp.where(b < nbu[0], b, 0), 0)),
                pl.BlockSpec((1, BF, dim),
                             lambda b, f, be, nbu: (be[b], jnp.where(b < nbu[0], f, 0), 0)),
                pl.BlockSpec((1, dim, BF),
                             lambda b, f, be, nbu: (be[b], 0, jnp.where(b < nbu[0], f, 0))),
            ],
            out_specs=pl.BlockSpec((GB, dim), lambda b, f, be, nbu: (b, 0)),
        ),
        out_shape=jax.ShapeDtypeStruct((S, dim), jnp.float32),
        compiler_params=pltpu.CompilerParams(
            vmem_limit_bytes=100 * 1024 * 1024),
    )(be, nbu, xs, W1, W2)

    regather = pl.kernel(
        _regather_body,
        out_type=[jax.ShapeDtypeStruct((P, dim), jnp.float32)],
        mesh=plsc.VectorSubcoreMesh(core_axis_name="c", subcore_axis_name="s", num_cores=NC, num_subcores=NS),
        compiler_params=pltpu.CompilerParams(needs_layout_passes=False),
        scratch_types=[
            pltpu.VMEM((4, 64), jnp.int32),
            pltpu.VMEM((64, dim), jnp.float32),
            pltpu.SemaphoreType.DMA,
        ],
    )
    (yg,) = regather(ys, pos)

    out = pl.pallas_call(
        _combine_body,
        grid=(T // BT,),
        in_specs=[
            pl.BlockSpec((BT, TOPK, dim), lambda t: (t, 0, 0)),
            pl.BlockSpec((BT, TOPK), lambda t: (t, 0)),
        ],
        out_specs=pl.BlockSpec((BT, dim), lambda t: (t, 0)),
        out_shape=jax.ShapeDtypeStruct((T, dim), jnp.float32),
    )(yg.reshape(T, TOPK, dim), vals)

    return out.reshape(batch, seq, dim)

# --- scband reference (transcript-rebuilt; emitter-appended) ---
"""Pipeline reference for scband-mo-elayer-25366076850383 (READ-ONLY COPY).

The authoritative reference and input builder live on the scoring server;
editing this copy changes nothing except your own understanding.
"""

import jax, jax.numpy as jnp
import numpy as np

DIM = 1024
NUM_EXPERTS = 8
TOP_K = 2
D_FF = 4 * DIM


def setup_inputs(seed: int = 0) -> dict:
    key = jax.random.key(seed)
    ks = jax.random.split(key, 4)
    x = jax.random.normal(ks[0], (2, 2048, DIM), dtype=jnp.float32)
    # router: nn.Linear(dim, num_experts, bias=False), weight [E, dim], init std=0.02
    W_router = jax.random.normal(ks[1], (NUM_EXPERTS, DIM), dtype=jnp.float32) * 0.02
    # expert fc1: nn.Linear(dim, 4*dim, bias=False) -> weight [4*dim, dim]
    W1 = jax.random.normal(ks[2], (NUM_EXPERTS, D_FF, DIM), dtype=jnp.float32) * (1.0 / np.sqrt(DIM))
    # expert fc2: nn.Linear(4*dim, dim, bias=False) -> weight [dim, 4*dim]
    W2 = jax.random.normal(ks[3], (NUM_EXPERTS, DIM, D_FF), dtype=jnp.float32) * (1.0 / np.sqrt(D_FF))
    return {"x": x, "W_router": W_router, "W1": W1, "W2": W2}


def reference(x, W_router, W1, W2):
    batch, seq, dim = x.shape
    # router logits and softmax probs
    logits = jnp.einsum('bsd,ed->bse', x, W_router)
    probs = jax.nn.softmax(logits, axis=-1)
    # top-k routing (values and expert indices)
    topk_vals, topk_idx = jax.lax.top_k(probs, TOP_K)
    x_flat = x.reshape(batch * seq, dim)
    idx_flat = topk_idx.reshape(batch * seq, TOP_K)
    vals_flat = topk_vals.reshape(batch * seq, TOP_K)
    outputs = jnp.zeros_like(x_flat)
    for e in range(NUM_EXPERTS):
        # ExpertMLP: fc2(gelu(fc1(x))), bias=False, exact gelu (torch default)
        h = jax.nn.gelu(x_flat @ W1[e].T, approximate=False) @ W2[e].T
        # combined weight for this expert across the k routing slots
        w = jnp.sum(jnp.where(idx_flat == e, vals_flat, 0.0), axis=-1)
        outputs = outputs + w[:, None] * h
    return outputs.reshape(batch, seq, dim)

if __name__ == "__main__":
    import jax
    _d = setup_inputs()
    print(jax.jit(kernel)(*tuple(_d.values())))

</pallas_src>

<mosaic_0001>
#map = affine_map<(d0, d1) -> (0)>
#map1 = affine_map<(d0, d1) -> (0, 0)>
module attributes {stable_mosaic.version = 14 : i64} {
  func.func @_dispatch_body(%arg0: i32, %arg1: i32, %arg2: memref<8192xi32, #tpu.memory_space<hbm>>, %arg3: memref<4096x1024xf32, #tpu.memory_space<hbm>>, %arg4: memref<128x64xi32, #tpu.memory_space<hbm>>, %arg5: memref<32xi32, #tpu.memory_space<hbm>>, %arg6: memref<16xi32, #tpu.memory_space<hbm>>, %arg7: memref<12288x1024xf32, #tpu.memory_space<hbm>>, %arg8: memref<8192xi32, #tpu.memory_space<vmem>>, %arg9: memref<4x64xi32, #tpu.memory_space<vmem>>, %arg10: memref<4x64xi32, #tpu.memory_space<vmem>>, %arg11: memref<32xi32, #tpu.memory_space<vmem>>, %arg12: memref<16xi32, #tpu.memory_space<vmem>>, %arg13: memref<16xi32, #tpu.memory_space<vmem>>, %arg14: memref<64x1024xf32, #tpu.memory_space<vmem>>, %arg15: memref<!tpu.dma_semaphore, #tpu.memory_space<semaphore_mem>>, %arg16: memref<!tpu.dma_semaphore, #tpu.memory_space<semaphore_mem>>) attributes {dimension_semantics = [#tpu.dimension_semantics<core_parallel>, #tpu.dimension_semantics<subcore_parallel>], iteration_bounds = array<i64: 2, 16>, scalar_prefetch = 0 : i64, scratch_operands = 9 : i64, tpu.core_type = #tpu.core_type<sc_vector_subcore>, window_params = [{transform_indices = #map}, {transform_indices = #map1}, {transform_indices = #map1}, {transform_indices = #map}, {transform_indices = #map}, {transform_indices = #map1}]} {
    %mul3A = arith.constant 2 : i32
    %mul3A_0 = arith.muli %arg1, %mul3A : i32
    %add3A = arith.addi %mul3A_0, %arg0 : i32
    %mul3A_1 = arith.constant 256 : i32
    %mul3A_2 = arith.muli %add3A, %mul3A_1 : i32
    %iota3A = tpu.iota {dimensions = array<i32: 0>} : vector<16xi32>
    %broadcast_in_dim3A = arith.constant 0 : i32
    %broadcast_in_dim3A_3 = vector.broadcast %broadcast_in_dim3A : i32 to vector<16xi32>
    %eq3A = arith.constant 0 : i32
    %eq3A_4 = vector.broadcast %eq3A : i32 to vector<16xi32>
    %eq3A_5 = arith.cmpi eq, %iota3A, %eq3A_4 : vector<16xi32>
    %eq3A_6 = arith.constant 1 : i32
    %eq3A_7 = vector.broadcast %eq3A_6 : i32 to vector<16xi32>
    %eq3A_8 = arith.cmpi eq, %iota3A, %eq3A_7 : vector<16xi32>
    %eq3A_9 = arith.constant 2 : i32
    %eq3A_10 = vector.broadcast %eq3A_9 : i32 to vector<16xi32>
    %eq3A_11 = arith.cmpi eq, %iota3A, %eq3A_10 : vector<16xi32>
    %eq3A_12 = arith.constant 3 : i32
    %eq3A_13 = vector.broadcast %eq3A_12 : i32 to vector<16xi32>
    %eq3A_14 = arith.cmpi eq, %iota3A, %eq3A_13 : vector<16xi32>
    %eq3A_15 = arith.constant 4 : i32
    %eq3A_16 = vector.broadcast %eq3A_15 : i32 to vector<16xi32>
    %eq3A_17 = arith.cmpi eq, %iota3A, %eq3A_16 : vector<16xi32>
    %eq3A_18 = arith.constant 5 : i32
    %eq3A_19 = vector.broadcast %eq3A_18 : i32 to vector<16xi32>
    %eq3A_20 = arith.cmpi eq, %iota3A, %eq3A_19 : vector<16xi32>
    %eq3A_21 = arith.constant 6 : i32
    %eq3A_22 = vector.broadcast %eq3A_21 : i32 to vector<16xi32>
    %eq3A_23 = arith.cmpi eq, %iota3A, %eq3A_22 : vector<16xi32>
    %eq3A_24 = arith.constant 7 : i32
    %eq3A_25 = vector.broadcast %eq3A_24 : i32 to vector<16xi32>
    %eq3A_26 = arith.cmpi eq, %iota3A, %eq3A_25 : vector<16xi32>
    "tpu.region"() ({
      %run_scoped3A = tpu.sem_alloc : memref<!tpu.dma_semaphore, #tpu.memory_space<semaphore_mem>>
      tpu.enqueue_dma source(%arg2 : memref<8192xi32, #tpu.memory_space<hbm>>) target(%arg8 : memref<8192xi32, #tpu.memory_space<vmem>>) target_semaphore(%run_scoped3A : memref<!tpu.dma_semaphore, #tpu.memory_space<semaphore_mem>>)
      tpu.wait_dma2 semaphore(%run_scoped3A : memref<!tpu.dma_semaphore, #tpu.memory_space<semaphore_mem>>) src(%arg2 : memref<8192xi32, #tpu.memory_space<hbm>>) dst(%arg8 : memref<8192xi32, #tpu.memory_space<vmem>>)
      tpu.yield
    }) : () -> ()
    %swap3A = arith.constant 0 : index
    %swap3A_27 = tpu.vector_load %arg13[%swap3A] {strides = array<i32>} : memref<16xi32, #tpu.memory_space<vmem>>, vector<16xi32>,
    tpu.vector_store %arg13[%swap3A], %broadcast_in_dim3A_3 {strides = array<i32>} : memref<16xi32, #tpu.memory_space<vmem>>, vector<16xi32>,
    %broadcast_in_dim3A_28 = arith.constant 1 : i32
    %broadcast_in_dim3A_29 = vector.broadcast %broadcast_in_dim3A_28 : i32 to vector<16xi32>
    %scan3A = arith.constant 0 : i32
    %scan3A_30 = arith.constant 32 : i32
    %scan3A_31 = arith.addi %scan3A, %scan3A_30 : i32
    %scan3A_32 = arith.constant 1 : i32
    %scan3A_33 = scf.for %scan3A_313 = %scan3A to %scan3A_31 step %scan3A_32 iter_args(%scan3A_314 = %broadcast_in_dim3A_3) -> (vector<16xi32>)  : i32 {
      %eq3A_315 = arith.cmpi eq, %scan3A_313, %add3A : i32
      %get3A_316 = arith.constant 0 : index
      %get3A_317 = tpu.vector_load %arg13[%get3A_316] {strides = array<i32>} : memref<16xi32, #tpu.memory_space<vmem>>, vector<16xi32>,
      %select_n3A_318 = arith.select %eq3A_315, %get3A_317, %scan3A_314 : vector<16xi32>
      %mul3A_319 = arith.constant 256 : i32
      %mul3A_320 = arith.muli %scan3A_313, %mul3A_319 : i32
      %add3A_321 = arith.constant 0 : i32
      %add3A_322 = arith.addi %mul3A_320, %add3A_321 : i32
      %get3A_323 = arith.index_cast %add3A_322 : i32 to index
      %get3A_324 = tpu.vector_load %arg8[%get3A_323] {strides = array<i32>} : memref<8192xi32, #tpu.memory_space<vmem>>, vector<16xi32>,
      tpu.vector_store_idx %arg13[%get3A_324], %broadcast_in_dim3A_29 {add = true} : memref<16xi32, #tpu.memory_space<vmem>>[vector<16xi32>], vector<16xi32>,
      %mul3A_325 = arith.constant 256 : i32
      %mul3A_326 = arith.muli %scan3A_313, %mul3A_325 : i32
      %add3A_327 = arith.constant 16 : i32
      %add3A_328 = arith.addi %mul3A_326, %add3A_327 : i32
      %get3A_329 = arith.index_cast %add3A_328 : i32 to index
      %get3A_330 = tpu.vector_load %arg8[%get3A_329] {strides = array<i32>} : memref<8192xi32, #tpu.memory_space<vmem>>, vector<16xi32>,
      tpu.vector_store_idx %arg13[%get3A_330], %broadcast_in_dim3A_29 {add = true} : memref<16xi32, #tpu.memory_space<vmem>>[vector<16xi32>], vector<16xi32>,
      %mul3A_331 = arith.constant 256 : i32
      %mul3A_332 = arith.muli %scan3A_313, %mul3A_331 : i32
      %add3A_333 = arith.constant 32 : i32
      %add3A_334 = arith.addi %mul3A_332, %add3A_333 : i32
      %get3A_335 = arith.index_cast %add3A_334 : i32 to index
      %get3A_336 = tpu.vector_load %arg8[%get3A_335] {strides = array<i32>} : memref<8192xi32, #tpu.memory_space<vmem>>, vector<16xi32>,
      tpu.vector_store_idx %arg13[%get3A_336], %broadcast_in_dim3A_29 {add = true} : memref<16xi32, #tpu.memory_space<vmem>>[vector<16xi32>], vector<16xi32>,
      %mul3A_337 = arith.constant 256 : i32
      %mul3A_338 = arith.muli %scan3A_313, %mul3A_337 : i32
      %add3A_339 = arith.constant 48 : i32
      %add3A_340 = arith.addi %mul3A_338, %add3A_339 : i32
      %get3A_341 = arith.index_cast %add3A_340 : i32 to index
      %get3A_342 = tpu.vector_load %arg8[%get3A_341] {strides = array<i32>} : memref<8192xi32, #tpu.memory_space<vmem>>, vector<16xi32>,
      tpu.vector_store_idx %arg13[%get3A_342], %broadcast_in_dim3A_29 {add = true} : memref<16xi32, #tpu.memory_space<vmem>>[vector<16xi32>], vector<16xi32>,
      %mul3A_343 = arith.constant 256 : i32
      %mul3A_344 = arith.muli %scan3A_313, %mul3A_343 : i32
      %add3A_345 = arith.constant 64 : i32
      %add3A_346 = arith.addi %mul3A_344, %add3A_345 : i32
      %get3A_347 = arith.index_cast %add3A_346 : i32 to index
      %get3A_348 = tpu.vector_load %arg8[%get3A_347] {strides = array<i32>} : memref<8192xi32, #tpu.memory_space<vmem>>, vector<16xi32>,
      tpu.vector_store_idx %arg13[%get3A_348], %broadcast_in_dim3A_29 {add = true} : memref<16xi32, #tpu.memory_space<vmem>>[vector<16xi32>], vector<16xi32>,
      %mul3A_349 = arith.constant 256 : i32
      %mul3A_350 = arith.muli %scan3A_313, %mul3A_349 : i32
      %add3A_351 = arith.constant 80 : i32
      %add3A_352 = arith.addi %mul3A_350, %add3A_351 : i32
      %get3A_353 = arith.index_cast %add3A_352 : i32 to index
      %get3A_354 = tpu.vector_load %arg8[%get3A_353] {strides = array<i32>} : memref<8192xi32, #tpu.memory_space<vmem>>, vector<16xi32>,
      tpu.vector_store_idx %arg13[%get3A_354], %broadcast_in_dim3A_29 {add = true} : memref<16xi32, #tpu.memory_space<vmem>>[vector<16xi32>], vector<16xi32>,
      %mul3A_355 = arith.constant 256 : i32
      %mul3A_356 = arith.muli %scan3A_313, %mul3A_355 : i32
      %add3A_357 = arith.constant 96 : i32
      %add3A_358 = arith.addi %mul3A_356, %add3A_357 : i32
      %get3A_359 = arith.index_cast %add3A_358 : i32 to index
      %get3A_360 = tpu.vector_load %arg8[%get3A_359] {strides = array<i32>} : memref<8192xi32, #tpu.memory_space<vmem>>, vector<16xi32>,
      tpu.vector_store_idx %arg13[%get3A_360], %broadcast_in_dim3A_29 {add = true} : memref<16xi32, #tpu.memory_space<vmem>>[vector<16xi32>], vector<16xi32>,
      %mul3A_361 = arith.constant 256 : i32
      %mul3A_362 = arith.muli %scan3A_313, %mul3A_361 : i32
      %add3A_363 = arith.constant 112 : i32
      %add3A_364 = arith.addi %mul3A_362, %add3A_363 : i32
      %get3A_365 = arith.index_cast %add3A_364 : i32 to index
      %get3A_366 = tpu.vector_load %arg8[%get3A_365] {strides = array<i32>} : memref<8192xi32, #tpu.memory_space<vmem>>, vector<16xi32>,
      tpu.vector_store_idx %arg13[%get3A_366], %broadcast_in_dim3A_29 {add = true} : memref<16xi32, #tpu.memory_space<vmem>>[vector<16xi32>], vector<16xi32>,
      %mul3A_367 = arith.constant 256 : i32
      %mul3A_368 = arith.muli %scan3A_313, %mul3A_367 : i32
      %add3A_369 = arith.constant 128 : i32
      %add3A_370 = arith.addi %mul3A_368, %add3A_369 : i32
      %get3A_371 = arith.index_cast %add3A_370 : i32 to index
      %get3A_372 = tpu.vector_load %arg8[%get3A_371] {strides = array<i32>} : memref<8192xi32, #tpu.memory_space<vmem>>, vector<16xi32>,
      tpu.vector_store_idx %arg13[%get3A_372], %broadcast_in_dim3A_29 {add = true} : memref<16xi32, #tpu.memory_space<vmem>>[vector<16xi32>], vector<16xi32>,
      %mul3A_373 = arith.constant 256 : i32
      %mul3A_374 = arith.muli %scan3A_313, %mul3A_373 : i32
      %add3A_375 = arith.constant 144 : i32
      %add3A_376 = arith.addi %mul3A_374, %add3A_375 : i32
      %get3A_377 = arith.index_cast %add3A_376 : i32 to index
      %get3A_378 = tpu.vector_load %arg8[%get3A_377] {strides = array<i32>} : memref<8192xi32, #tpu.memory_space<vmem>>, vector<16xi32>,
      tpu.vector_store_idx %arg13[%get3A_378], %broadcast_in_dim3A_29 {add = true} : memref<16xi32, #tpu.memory_space<vmem>>[vector<16xi32>], vector<16xi32>,
      %mul3A_379 = arith.constant 256 : i32
      %mul3A_380 = arith.muli %scan3A_313, %mul3A_379 : i32
      %add3A_381 = arith.constant 160 : i32
      %add3A_382 = arith.addi %mul3A_380, %add3A_381 : i32
      %get3A_383 = arith.index_cast %add3A_382 : i32 to index
      %get3A_384 = tpu.vector_load %arg8[%get3A_383] {strides = array<i32>} : memref<8192xi32, #tpu.memory_space<vmem>>, vector<16xi32>,
      tpu.vector_store_idx %arg13[%get3A_384], %broadcast_in_dim3A_29 {add = true} : memref<16xi32, #tpu.memory_space<vmem>>[vector<16xi32>], vector<16xi32>,
      %mul3A_385 = arith.constant 256 : i32
      %mul3A_386 = arith.muli %scan3A_313, %mul3A_385 : i32
      %add3A_387 = arith.constant 176 : i32
      %add3A_388 = arith.addi %mul3A_386, %add3A_387 : i32
      %get3A_389 = arith.index_cast %add3A_388 : i32 to index
      %get3A_390 = tpu.vector_load %arg8[%get3A_389] {strides = array<i32>} : memref<8192xi32, #tpu.memory_space<vmem>>, vector<16xi32>,
      tpu.vector_store_idx %arg13[%get3A_390], %broadcast_in_dim3A_29 {add = true} : memref<16xi32, #tpu.memory_space<vmem>>[vector<16xi32>], vector<16xi32>,
      %mul3A_391 = arith.constant 256 : i32
      %mul3A_392 = arith.muli %scan3A_313, %mul3A_391 : i32
      %add3A_393 = arith.constant 192 : i32
      %add3A_394 = arith.addi %mul3A_392, %add3A_393 : i32
      %get3A_395 = arith.index_cast %add3A_394 : i32 to index
      %get3A_396 = tpu.vector_load %arg8[%get3A_395] {strides = array<i32>} : memref<8192xi32, #tpu.memory_space<vmem>>, vector<16xi32>,
      tpu.vector_store_idx %arg13[%get3A_396], %broadcast_in_dim3A_29 {add = true} : memref<16xi32, #tpu.memory_space<vmem>>[vector<16xi32>], vector<16xi32>,
      %mul3A_397 = arith.constant 256 : i32
      %mul3A_398 = arith.muli %scan3A_313, %mul3A_397 : i32
      %add3A_399 = arith.constant 208 : i32
      %add3A_400 = arith.addi %mul3A_398, %add3A_399 : i32
      %get3A_401 = arith.index_cast %add3A_400 : i32 to index
      %get3A_402 = tpu.vector_load %arg8[%get3A_401] {strides = array<i32>} : memref<8192xi32, #tpu.memory_space<vmem>>, vector<16xi32>,
      tpu.vector_store_idx %arg13[%get3A_402], %broadcast_in_dim3A_29 {add = true} : memref<16xi32, #tpu.memory_space<vmem>>[vector<16xi32>], vector<16xi32>,
      %mul3A_403 = arith.constant 256 : i32
      %mul3A_404 = arith.muli %scan3A_313, %mul3A_403 : i32
      %add3A_405 = arith.constant 224 : i32
      %add3A_406 = arith.addi %mul3A_404, %add3A_405 : i32
      %get3A_407 = arith.index_cast %add3A_406 : i32 to index
      %get3A_408 = tpu.vector_load %arg8[%get3A_407] {strides = array<i32>} : memref<8192xi32, #tpu.memory_space<vmem>>, vector<16xi32>,
      tpu.vector_store_idx %arg13[%get3A_408], %broadcast_in_dim3A_29 {add = true} : memref<16xi32, #tpu.memory_space<vmem>>[vector<16xi32>], vector<16xi32>,
      %mul3A_409 = arith.constant 256 : i32
      %mul3A_410 = arith.muli %scan3A_313, %mul3A_409 : i32
      %add3A_411 = arith.constant 240 : i32
      %add3A_412 = arith.addi %mul3A_410, %add3A_411 : i32
      %get3A_413 = arith.index_cast %add3A_412 : i32 to index
      %get3A_414 = tpu.vector_load %arg8[%get3A_413] {strides = array<i32>} : memref<8192xi32, #tpu.memory_space<vmem>>, vector<16xi32>,
      tpu.vector_store_idx %arg13[%get3A_414], %broadcast_in_dim3A_29 {add = true} : memref<16xi32, #tpu.memory_space<vmem>>[vector<16xi32>], vector<16xi32>,
      scf.yield %select_n3A_318 : vector<16xi32>
    }
    %scan3A_34 = arith.constant 32 : i32
    %get3A = arith.constant 0 : index
    %get3A_35 = tpu.vector_load %arg13[%get3A] {strides = array<i32>} : memref<16xi32, #tpu.memory_space<vmem>>, vector<16xi32>,
    %add3A_36 = arith.constant 511 : i32
    %add3A_37 = vector.broadcast %add3A_36 : i32 to vector<16xi32>
    %add3A_38 = arith.addi %get3A_35, %add3A_37 : vector<16xi32>
    %jit3A = arith.constant 512 : i32
    %div3A = vector.broadcast %jit3A : i32 to vector<16xi32>
    %div3A_39 = arith.divsi %add3A_38, %div3A : vector<16xi32>
    %sign3A = arith.constant 0 : i32
    %sign3A_40 = vector.broadcast %sign3A : i32 to vector<16xi32>
    %sign3A_41 = arith.cmpi sgt, %add3A_38, %sign3A_40 : vector<16xi32>
    %sign3A_42 = arith.extui %sign3A_41 : vector<16xi1> to vector<16xi32>
    %sign3A_43 = arith.constant 0 : i32
    %sign3A_44 = vector.broadcast %sign3A_43 : i32 to vector<16xi32>
    %sign3A_45 = arith.cmpi slt, %add3A_38, %sign3A_44 : vector<16xi32>
    %sign3A_46 = arith.extui %sign3A_45 : vector<16xi1> to vector<16xi32>
    %sign3A_47 = arith.subi %sign3A_42, %sign3A_46 : vector<16xi32>
    %sign3A_48 = arith.constant 0 : i32
    %sign3A_49 = arith.cmpi sgt, %jit3A, %sign3A_48 : i32
    %sign3A_50 = arith.extui %sign3A_49 : i1 to i32
    %sign3A_51 = arith.constant 0 : i32
    %sign3A_52 = arith.cmpi slt, %jit3A, %sign3A_51 : i32
    %sign3A_53 = arith.extui %sign3A_52 : i1 to i32
    %sign3A_54 = arith.subi %sign3A_50, %sign3A_53 : i32
    %ne3A = vector.broadcast %sign3A_54 : i32 to vector<16xi32>
    %ne3A_55 = arith.cmpi ne, %sign3A_47, %ne3A : vector<16xi32>
    %rem3A = vector.broadcast %jit3A : i32 to vector<16xi32>
    %rem3A_56 = arith.remsi %add3A_38, %rem3A : vector<16xi32>
    %ne3A_57 = arith.constant 0 : i32
    %ne3A_58 = vector.broadcast %ne3A_57 : i32 to vector<16xi32>
    %ne3A_59 = arith.cmpi ne, %rem3A_56, %ne3A_58 : vector<16xi32>
    %and3A = arith.andi %ne3A_55, %ne3A_59 : vector<16xi1>
    %sub3A = arith.constant 1 : i32
    %sub3A_60 = vector.broadcast %sub3A : i32 to vector<16xi32>
    %sub3A_61 = arith.subi %div3A_39, %sub3A_60 : vector<16xi32>
    %select_n3A = arith.select %and3A, %sub3A_61, %div3A_39 : vector<16xi1>, vector<16xi32>
    %broadcast_in_dim3A_62 = arith.constant true
    %broadcast_in_dim3A_63 = vector.broadcast %broadcast_in_dim3A_62 : i1 to vector<16xi1>
    %masked_cumsum3A = tpu.scan <sum>, %select_n3A masked %broadcast_in_dim3A_63 : vector<16xi32>, vector<16xi1> -> vector<16xi32>
    %sub3A_64 = arith.subi %masked_cumsum3A, %select_n3A : vector<16xi32>
    %mul3A_65 = arith.constant 512 : i32
    %mul3A_66 = vector.broadcast %mul3A_65 : i32 to vector<16xi32>
    %mul3A_67 = arith.muli %sub3A_64, %mul3A_66 : vector<16xi32>
    %add3A_68 = arith.addi %mul3A_67, %scan3A_33 : vector<16xi32>
    %reduce_sum3A = arith.constant true
    %reduce_sum3A_69 = vector.broadcast %reduce_sum3A : i1 to vector<16xi1>
    %reduce_sum3A_70 = tpu.scan <sum>, %select_n3A masked %reduce_sum3A_69 : vector<16xi32>, vector<16xi1> -> vector<16xi32>
    %reduce_sum3A_71 = vector.extract %reduce_sum3A_70[15] : i32 from vector<16xi32>
    %select_n3A_72 = arith.select %eq3A_5, %sub3A_64, %broadcast_in_dim3A_3 : vector<16xi1>, vector<16xi32>
    %reduce_sum3A_73 = arith.constant true
    %reduce_sum3A_74 = vector.broadcast %reduce_sum3A_73 : i1 to vector<16xi1>
    %reduce_sum3A_75 = tpu.scan <sum>, %select_n3A_72 masked %reduce_sum3A_74 : vector<16xi32>, vector<16xi1> -> vector<16xi32>
    %reduce_sum3A_76 = vector.extract %reduce_sum3A_75[15] : i32 from vector<16xi32>
    %select_n3A_77 = arith.select %eq3A_8, %sub3A_64, %broadcast_in_dim3A_3 : vector<16xi1>, vector<16xi32>
    %reduce_sum3A_78 = arith.constant true
    %reduce_sum3A_79 = vector.broadcast %reduce_sum3A_78 : i1 to vector<16xi1>
    %reduce_sum3A_80 = tpu.scan <sum>, %select_n3A_77 masked %reduce_sum3A_79 : vector<16xi32>, vector<16xi1> -> vector<16xi32>
    %reduce_sum3A_81 = vector.extract %reduce_sum3A_80[15] : i32 from vector<16xi32>
    %select_n3A_82 = arith.select %eq3A_11, %sub3A_64, %broadcast_in_dim3A_3 : vector<16xi1>, vector<16xi32>
    %reduce_sum3A_83 = arith.constant true
    %reduce_sum3A_84 = vector.broadcast %reduce_sum3A_83 : i1 to vector<16xi1>
    %reduce_sum3A_85 = tpu.scan <sum>, %select_n3A_82 masked %reduce_sum3A_84 : vector<16xi32>, vector<16xi1> -> vector<16xi32>
    %reduce_sum3A_86 = vector.extract %reduce_sum3A_85[15] : i32 from vector<16xi32>
    %select_n3A_87 = arith.select %eq3A_14, %sub3A_64, %broadcast_in_dim3A_3 : vector<16xi1>, vector<16xi32>
    %reduce_sum3A_88 = arith.constant true
    %reduce_sum3A_89 = vector.broadcast %reduce_sum3A_88 : i1 to vector<16xi1>
    %reduce_sum3A_90 = tpu.scan <sum>, %select_n3A_87 masked %reduce_sum3A_89 : vector<16xi32>, vector<16xi1> -> vector<16xi32>
    %reduce_sum3A_91 = vector.extract %reduce_sum3A_90[15] : i32 from vector<16xi32>
    %select_n3A_92 = arith.select %eq3A_17, %sub3A_64, %broadcast_in_dim3A_3 : vector<16xi1>, vector<16xi32>
    %reduce_sum3A_93 = arith.constant true
    %reduce_sum3A_94 = vector.broadcast %reduce_sum3A_93 : i1 to vector<16xi1>
    %reduce_sum3A_95 = tpu.scan <sum>, %select_n3A_92 masked %reduce_sum3A_94 : vector<16xi32>, vector<16xi1> -> vector<16xi32>
    %reduce_sum3A_96 = vector.extract %reduce_sum3A_95[15] : i32 from vector<16xi32>
    %select_n3A_97 = arith.select %eq3A_20, %sub3A_64, %broadcast_in_dim3A_3 : vector<16xi1>, vector<16xi32>
    %reduce_sum3A_98 = arith.constant true
    %reduce_sum3A_99 = vector.broadcast %reduce_sum3A_98 : i1 to vector<16xi1>
    %reduce_sum3A_100 = tpu.scan <sum>, %select_n3A_97 masked %reduce_sum3A_99 : vector<16xi32>, vector<16xi1> -> vector<16xi32>
    %reduce_sum3A_101 = vector.extract %reduce_sum3A_100[15] : i32 from vector<16xi32>
    %select_n3A_102 = arith.select %eq3A_23, %sub3A_64, %broadcast_in_dim3A_3 : vector<16xi1>, vector<16xi32>
    %reduce_sum3A_103 = arith.constant true
    %reduce_sum3A_104 = vector.broadcast %reduce_sum3A_103 : i1 to vector<16xi1>
    %reduce_sum3A_105 = tpu.scan <sum>, %select_n3A_102 masked %reduce_sum3A_104 : vector<16xi32>, vector<16xi1> -> vector<16xi32>
    %reduce_sum3A_106 = vector.extract %reduce_sum3A_105[15] : i32 from vector<16xi32>
    %select_n3A_107 = arith.select %eq3A_26, %sub3A_64, %broadcast_in_dim3A_3 : vector<16xi1>, vector<16xi32>
    %reduce_sum3A_108 = arith.constant true
    %reduce_sum3A_109 = vector.broadcast %reduce_sum3A_108 : i1 to vector<16xi1>
    %reduce_sum3A_110 = tpu.scan <sum>, %select_n3A_107 masked %reduce_sum3A_109 : vector<16xi32>, vector<16xi1> -> vector<16xi32>
    %reduce_sum3A_111 = vector.extract %reduce_sum3A_110[15] : i32 from vector<16xi32>
    %add3A_112 = arith.constant 0 : i32
    %add3A_113 = vector.broadcast %add3A_112 : i32 to vector<16xi32>
    %add3A_114 = arith.addi %iota3A, %add3A_113 : vector<16xi32>
    %broadcast_in_dim3A_115 = arith.constant -1 : i32
    %broadcast_in_dim3A_116 = vector.broadcast %broadcast_in_dim3A_115 : i32 to vector<16xi32>
    %ge3A = vector.broadcast %reduce_sum3A_76 : i32 to vector<16xi32>
    %ge3A_117 = arith.cmpi sge, %add3A_114, %ge3A : vector<16xi32>
    %jit3A_118 = arith.constant 1 : i32
    %jit3A_119 = arith.constant 0 : i32
    %broadcast_in_dim3A_120 = vector.broadcast %jit3A_118 : i32 to vector<16xi32>
    %broadcast_in_dim3A_121 = vector.broadcast %jit3A_119 : i32 to vector<16xi32>
    %select_n3A_122 = arith.select %ge3A_117, %broadcast_in_dim3A_120, %broadcast_in_dim3A_121 : vector<16xi1>, vector<16xi32>
    %add3A_123 = arith.addi %broadcast_in_dim3A_116, %select_n3A_122 : vector<16xi32>
    %ge3A_124 = vector.broadcast %reduce_sum3A_81 : i32 to vector<16xi32>
    %ge3A_125 = arith.cmpi sge, %add3A_114, %ge3A_124 : vector<16xi32>
    %jit3A_126 = arith.constant 1 : i32
    %jit3A_127 = arith.constant 0 : i32
    %broadcast_in_dim3A_128 = vector.broadcast %jit3A_126 : i32 to vector<16xi32>
    %broadcast_in_dim3A_129 = vector.broadcast %jit3A_127 : i32 to vector<16xi32>
    %select_n3A_130 = arith.select %ge3A_125, %broadcast_in_dim3A_128, %broadcast_in_dim3A_129 : vector<16xi1>, vector<16xi32>
    %add3A_131 = arith.addi %add3A_123, %select_n3A_130 : vector<16xi32>
    %ge3A_132 = vector.broadcast %reduce_sum3A_86 : i32 to vector<16xi32>
    %ge3A_133 = arith.cmpi sge, %add3A_114, %ge3A_132 : vector<16xi32>
    %jit3A_134 = arith.constant 1 : i32
    %jit3A_135 = arith.constant 0 : i32
    %broadcast_in_dim3A_136 = vector.broadcast %jit3A_134 : i32 to vector<16xi32>
    %broadcast_in_dim3A_137 = vector.broadcast %jit3A_135 : i32 to vector<16xi32>
    %select_n3A_138 = arith.select %ge3A_133, %broadcast_in_dim3A_136, %broadcast_in_dim3A_137 : vector<16xi1>, vector<16xi32>
    %add3A_139 = arith.addi %add3A_131, %select_n3A_138 : vector<16xi32>
    %ge3A_140 = vector.broadcast %reduce_sum3A_91 : i32 to vector<16xi32>
    %ge3A_141 = arith.cmpi sge, %add3A_114, %ge3A_140 : vector<16xi32>
    %jit3A_142 = arith.constant 1 : i32
    %jit3A_143 = arith.constant 0 : i32
    %broadcast_in_dim3A_144 = vector.broadcast %jit3A_142 : i32 to vector<16xi32>
    %broadcast_in_dim3A_145 = vector.broadcast %jit3A_143 : i32 to vector<16xi32>
    %select_n3A_146 = arith.select %ge3A_141, %broadcast_in_dim3A_144, %broadcast_in_dim3A_145 : vector<16xi1>, vector<16xi32>
    %add3A_147 = arith.addi %add3A_139, %select_n3A_146 : vector<16xi32>
    %ge3A_148 = vector.broadcast %reduce_sum3A_96 : i32 to vector<16xi32>
    %ge3A_149 = arith.cmpi sge, %add3A_114, %ge3A_148 : vector<16xi32>
    %jit3A_150 = arith.constant 1 : i32
    %jit3A_151 = arith.constant 0 : i32
    %broadcast_in_dim3A_152 = vector.broadcast %jit3A_150 : i32 to vector<16xi32>
    %broadcast_in_dim3A_153 = vector.broadcast %jit3A_151 : i32 to vector<16xi32>
    %select_n3A_154 = arith.select %ge3A_149, %broadcast_in_dim3A_152, %broadcast_in_dim3A_153 : vector<16xi1>, vector<16xi32>
    %add3A_155 = arith.addi %add3A_147, %select_n3A_154 : vector<16xi32>
    %ge3A_156 = vector.broadcast %reduce_sum3A_101 : i32 to vector<16xi32>
    %ge3A_157 = arith.cmpi sge, %add3A_114, %ge3A_156 : vector<16xi32>
    %jit3A_158 = arith.constant 1 : i32
    %jit3A_159 = arith.constant 0 : i32
    %broadcast_in_dim3A_160 = vector.broadcast %jit3A_158 : i32 to vector<16xi32>
    %broadcast_in_dim3A_161 = vector.broadcast %jit3A_159 : i32 to vector<16xi32>
    %select_n3A_162 = arith.select %ge3A_157, %broadcast_in_dim3A_160, %broadcast_in_dim3A_161 : vector<16xi1>, vector<16xi32>
    %add3A_163 = arith.addi %add3A_155, %select_n3A_162 : vector<16xi32>
    %ge3A_164 = vector.broadcast %reduce_sum3A_106 : i32 to vector<16xi32>
    %ge3A_165 = arith.cmpi sge, %add3A_114, %ge3A_164 : vector<16xi32>
    %jit3A_166 = arith.constant 1 : i32
    %jit3A_167 = arith.constant 0 : i32
    %broadcast_in_dim3A_168 = vector.broadcast %jit3A_166 : i32 to vector<16xi32>
    %broadcast_in_dim3A_169 = vector.broadcast %jit3A_167 : i32 to vector<16xi32>
    %select_n3A_170 = arith.select %ge3A_165, %broadcast_in_dim3A_168, %broadcast_in_dim3A_169 : vector<16xi1>, vector<16xi32>
    %add3A_171 = arith.addi %add3A_163, %select_n3A_170 : vector<16xi32>
    %ge3A_172 = vector.broadcast %reduce_sum3A_111 : i32 to vector<16xi32>
    %ge3A_173 = arith.cmpi sge, %add3A_114, %ge3A_172 : vector<16xi32>
    %jit3A_174 = arith.constant 1 : i32
    %jit3A_175 = arith.constant 0 : i32
    %broadcast_in_dim3A_176 = vector.broadcast %jit3A_174 : i32 to vector<16xi32>
    %broadcast_in_dim3A_177 = vector.broadcast %jit3A_175 : i32 to vector<16xi32>
    %select_n3A_178 = arith.select %ge3A_173, %broadcast_in_dim3A_176, %broadcast_in_dim3A_177 : vector<16xi1>, vector<16xi32>
    %add3A_179 = arith.addi %add3A_171, %select_n3A_178 : vector<16xi32>
    %swap3A_180 = arith.constant 0 : index
    %swap3A_181 = tpu.vector_load %arg11[%swap3A_180] {strides = array<i32>} : memref<32xi32, #tpu.memory_space<vmem>>, vector<16xi32>,
    tpu.vector_store %arg11[%swap3A_180], %add3A_179 {strides = array<i32>} : memref<32xi32, #tpu.memory_space<vmem>>, vector<16xi32>,
    %add3A_182 = arith.constant 16 : i32
    %add3A_183 = vector.broadcast %add3A_182 : i32 to vector<16xi32>
    %add3A_184 = arith.addi %iota3A, %add3A_183 : vector<16xi32>
    %broadcast_in_dim3A_185 = arith.constant -1 : i32
    %broadcast_in_dim3A_186 = vector.broadcast %broadcast_in_dim3A_185 : i32 to vector<16xi32>
    %ge3A_187 = vector.broadcast %reduce_sum3A_76 : i32 to vector<16xi32>
    %ge3A_188 = arith.cmpi sge, %add3A_184, %ge3A_187 : vector<16xi32>
    %jit3A_189 = arith.constant 1 : i32
    %jit3A_190 = arith.constant 0 : i32
    %broadcast_in_dim3A_191 = vector.broadcast %jit3A_189 : i32 to vector<16xi32>
    %broadcast_in_dim3A_192 = vector.broadcast %jit3A_190 : i32 to vector<16xi32>
    %select_n3A_193 = arith.select %ge3A_188, %broadcast_in_dim3A_191, %broadcast_in_dim3A_192 : vector<16xi1>, vector<16xi32>
    %add3A_194 = arith.addi %broadcast_in_dim3A_186, %select_n3A_193 : vector<16xi32>
    %ge3A_195 = vector.broadcast %reduce_sum3A_81 : i32 to vector<16xi32>
    %ge3A_196 = arith.cmpi sge, %add3A_184, %ge3A_195 : vector<16xi32>
    %jit3A_197 = arith.constant 1 : i32
    %jit3A_198 = arith.constant 0 : i32
    %broadcast_in_dim3A_199 = vector.broadcast %jit3A_197 : i32 to vector<16xi32>
    %broadcast_in_dim3A_200 = vector.broadcast %jit3A_198 : i32 to vector<16xi32>
    %select_n3A_201 = arith.select %ge3A_196, %broadcast_in_dim3A_199, %broadcast_in_dim3A_200 : vector<16xi1>, vector<16xi32>
    %add3A_202 = arith.addi %add3A_194, %select_n3A_201 : vector<16xi32>
    %ge3A_203 = vector.broadcast %reduce_sum3A_86 : i32 to vector<16xi32>
    %ge3A_204 = arith.cmpi sge, %add3A_184, %ge3A_203 : vector<16xi32>
    %jit3A_205 = arith.constant 1 : i32
    %jit3A_206 = arith.constant 0 : i32
    %broadcast_in_dim3A_207 = vector.broadcast %jit3A_205 : i32 to vector<16xi32>
    %broadcast_in_dim3A_208 = vector.broadcast %jit3A_206 : i32 to vector<16xi32>
    %select_n3A_209 = arith.select %ge3A_204, %broadcast_in_dim3A_207, %broadcast_in_dim3A_208 : vector<16xi1>, vector<16xi32>
    %add3A_210 = arith.addi %add3A_202, %select_n3A_209 : vector<16xi32>
    %ge3A_211 = vector.broadcast %reduce_sum3A_91 : i32 to vector<16xi32>
    %ge3A_212 = arith.cmpi sge, %add3A_184, %ge3A_211 : vector<16xi32>
    %jit3A_213 = arith.constant 1 : i32
    %jit3A_214 = arith.constant 0 : i32
    %broadcast_in_dim3A_215 = vector.broadcast %jit3A_213 : i32 to vector<16xi32>
    %broadcast_in_dim3A_216 = vector.broadcast %jit3A_214 : i32 to vector<16xi32>
    %select_n3A_217 = arith.select %ge3A_212, %broadcast_in_dim3A_215, %broadcast_in_dim3A_216 : vector<16xi1>, vector<16xi32>
    %add3A_218 = arith.addi %add3A_210, %select_n3A_217 : vector<16xi32>
    %ge3A_219 = vector.broadcast %reduce_sum3A_96 : i32 to vector<16xi32>
    %ge3A_220 = arith.cmpi sge, %add3A_184, %ge3A_219 : vector<16xi32>
    %jit3A_221 = arith.constant 1 : i32
    %jit3A_222 = arith.constant 0 : i32
    %broadcast_in_dim3A_223 = vector.broadcast %jit3A_221 : i32 to vector<16xi32>
    %broadcast_in_dim3A_224 = vector.broadcast %jit3A_222 : i32 to vector<16xi32>
    %select_n3A_225 = arith.select %ge3A_220, %broadcast_in_dim3A_223, %broadcast_in_dim3A_224 : vector<16xi1>, vector<16xi32>
    %add3A_226 = arith.addi %add3A_218, %select_n3A_225 : vector<16xi32>
    %ge3A_227 = vector.broadcast %reduce_sum3A_101 : i32 to vector<16xi32>
    %ge3A_228 = arith.cmpi sge, %add3A_184, %ge3A_227 : vector<16xi32>
    %jit3A_229 = arith.constant 1 : i32
    %jit3A_230 = arith.constant 0 : i32
    %broadcast_in_dim3A_231 = vector.broadcast %jit3A_229 : i32 to vector<16xi32>
    %broadcast_in_dim3A_232 = vector.broadcast %jit3A_230 : i32 to vector<16xi32>
    %select_n3A_233 = arith.select %ge3A_228, %broadcast_in_dim3A_231, %broadcast_in_dim3A_232 : vector<16xi1>, vector<16xi32>
    %add3A_234 = arith.addi %add3A_226, %select_n3A_233 : vector<16xi32>
    %ge3A_235 = vector.broadcast %reduce_sum3A_106 : i32 to vector<16xi32>
    %ge3A_236 = arith.cmpi sge, %add3A_184, %ge3A_235 : vector<16xi32>
    %jit3A_237 = arith.constant 1 : i32
    %jit3A_238 = arith.constant 0 : i32
    %broadcast_in_dim3A_239 = vector.broadcast %jit3A_237 : i32 to vector<16xi32>
    %broadcast_in_dim3A_240 = vector.broadcast %jit3A_238 : i32 to vector<16xi32>
    %select_n3A_241 = arith.select %ge3A_236, %broadcast_in_dim3A_239, %broadcast_in_dim3A_240 : vector<16xi1>, vector<16xi32>
    %add3A_242 = arith.addi %add3A_234, %select_n3A_241 : vector<16xi32>
    %ge3A_243 = vector.broadcast %reduce_sum3A_111 : i32 to vector<16xi32>
    %ge3A_244 = arith.cmpi sge, %add3A_184, %ge3A_243 : vector<16xi32>
    %jit3A_245 = arith.constant 1 : i32
    %jit3A_246 = arith.constant 0 : i32
    %broadcast_in_dim3A_247 = vector.broadcast %jit3A_245 : i32 to vector<16xi32>
    %broadcast_in_dim3A_248 = vector.broadcast %jit3A_246 : i32 to vector<16xi32>
    %select_n3A_249 = arith.select %ge3A_244, %broadcast_in_dim3A_247, %broadcast_in_dim3A_248 : vector<16xi1>, vector<16xi32>
    %add3A_250 = arith.addi %add3A_242, %select_n3A_249 : vector<16xi32>
    %swap3A_251 = arith.constant 16 : index
    %swap3A_252 = tpu.vector_load %arg11[%swap3A_251] {strides = array<i32>} : memref<32xi32, #tpu.memory_space<vmem>>, vector<16xi32>,
    tpu.vector_store %arg11[%swap3A_251], %add3A_250 {strides = array<i32>} : memref<32xi32, #tpu.memory_space<vmem>>, vector<16xi32>,
    %broadcast_in_dim3A_253 = vector.broadcast %reduce_sum3A_71 : i32 to vector<16xi32>
    %swap3A_254 = arith.constant 0 : index
    %swap3A_255 = tpu.vector_load %arg12[%swap3A_254] {strides = array<i32>} : memref<16xi32, #tpu.memory_space<vmem>>, vector<16xi32>,
    tpu.vector_store %arg12[%swap3A_254], %broadcast_in_dim3A_253 {strides = array<i32>} : memref<16xi32, #tpu.memory_space<vmem>>, vector<16xi32>,
    %eq3A_256 = arith.constant 0 : i32
    %eq3A_257 = arith.cmpi eq, %add3A, %eq3A_256 : i32
    %convert_element_type3A = arith.extui %eq3A_257 : i1 to i32
    %cond3A = arith.constant 0 : i32
    %cond3A_258 = arith.cmpi ne, %convert_element_type3A, %cond3A : i32
    scf.if %cond3A_258 {
      "tpu.region"() ({
        %run_scoped3A = tpu.sem_alloc : memref<!tpu.dma_semaphore, #tpu.memory_space<semaphore_mem>>
        tpu.enqueue_dma source(%arg11 : memref<32xi32, #tpu.memory_space<vmem>>) target(%arg5 : memref<32xi32, #tpu.memory_space<hbm>>) target_semaphore(%run_scoped3A : memref<!tpu.dma_semaphore, #tpu.memory_space<semaphore_mem>>)
        tpu.wait_dma2 semaphore(%run_scoped3A : memref<!tpu.dma_semaphore, #tpu.memory_space<semaphore_mem>>) src(%arg11 : memref<32xi32, #tpu.memory_space<vmem>>) dst(%arg5 : memref<32xi32, #tpu.memory_space<hbm>>)
        tpu.yield
      }) : () -> ()
      "tpu.region"() ({
        %run_scoped3A = tpu.sem_alloc : memref<!tpu.dma_semaphore, #tpu.memory_space<semaphore_mem>>
        tpu.enqueue_dma source(%arg12 : memref<16xi32, #tpu.memory_space<vmem>>) target(%arg6 : memref<16xi32, #tpu.memory_space<hbm>>) target_semaphore(%run_scoped3A : memref<!tpu.dma_semaphore, #tpu.memory_space<semaphore_mem>>)
        tpu.wait_dma2 semaphore(%run_scoped3A : memref<!tpu.dma_semaphore, #tpu.memory_space<semaphore_mem>>) src(%arg12 : memref<16xi32, #tpu.memory_space<vmem>>) dst(%arg6 : memref<16xi32, #tpu.memory_space<hbm>>)
        tpu.yield
      }) : () -> ()
    } else {
    }
    %select_n3A_259 = arith.select %eq3A_5, %add3A_68, %broadcast_in_dim3A_3 : vector<16xi1>, vector<16xi32>
    %reduce_sum3A_260 = arith.constant true
    %reduce_sum3A_261 = vector.broadcast %reduce_sum3A_260 : i1 to vector<16xi1>
    %reduce_sum3A_262 = tpu.scan <sum>, %select_n3A_259 masked %reduce_sum3A_261 : vector<16xi32>, vector<16xi1> -> vector<16xi32>
    %reduce_sum3A_263 = vector.extract %reduce_sum3A_262[15] : i32 from vector<16xi32>
    %select_n3A_264 = arith.select %eq3A_8, %add3A_68, %broadcast_in_dim3A_3 : vector<16xi1>, vector<16xi32>
    %reduce_sum3A_265 = arith.constant true
    %reduce_sum3A_266 = vector.broadcast %reduce_sum3A_265 : i1 to vector<16xi1>
    %reduce_sum3A_267 = tpu.scan <sum>, %select_n3A_264 masked %reduce_sum3A_266 : vector<16xi32>, vector<16xi1> -> vector<16xi32>
    %reduce_sum3A_268 = vector.extract %reduce_sum3A_267[15] : i32 from vector<16xi32>
    %select_n3A_269 = arith.select %eq3A_11, %add3A_68, %broadcast_in_dim3A_3 : vector<16xi1>, vector<16xi32>
    %reduce_sum3A_270 = arith.constant true
    %reduce_sum3A_271 = vector.broadcast %reduce_sum3A_270 : i1 to vector<16xi1>
    %reduce_sum3A_272 = tpu.scan <sum>, %select_n3A_269 masked %reduce_sum3A_271 : vector<16xi32>, vector<16xi1> -> vector<16xi32>
    %reduce_sum3A_273 = vector.extract %reduce_sum3A_272[15] : i32 from vector<16xi32>
    %select_n3A_274 = arith.select %eq3A_14, %add3A_68, %broadcast_in_dim3A_3 : vector<16xi1>, vector<16xi32>
    %reduce_sum3A_275 = arith.constant true
    %reduce_sum3A_276 = vector.broadcast %reduce_sum3A_275 : i1 to vector<16xi1>
    %reduce_sum3A_277 = tpu.scan <sum>, %select_n3A_274 masked %reduce_sum3A_276 : vector<16xi32>, vector<16xi1> -> vector<16xi32>
    %reduce_sum3A_278 = vector.extract %reduce_sum3A_277[15] : i32 from vector<16xi32>
    %select_n3A_279 = arith.select %eq3A_17, %add3A_68, %broadcast_in_dim3A_3 : vector<16xi1>, vector<16xi32>
    %reduce_sum3A_280 = arith.constant true
    %reduce_sum3A_281 = vector.broadcast %reduce_sum3A_280 : i1 to vector<16xi1>
    %reduce_sum3A_282 = tpu.scan <sum>, %select_n3A_279 masked %reduce_sum3A_281 : vector<16xi32>, vector<16xi1> -> vector<16xi32>
    %reduce_sum3A_283 = vector.extract %reduce_sum3A_282[15] : i32 from vector<16xi32>
    %select_n3A_284 = arith.select %eq3A_20, %add3A_68, %broadcast_in_dim3A_3 : vector<16xi1>, vector<16xi32>
    %reduce_sum3A_285 = arith.constant true
    %reduce_sum3A_286 = vector.broadcast %reduce_sum3A_285 : i1 to vector<16xi1>
    %reduce_sum3A_287 = tpu.scan <sum>, %select_n3A_284 masked %reduce_sum3A_286 : vector<16xi32>, vector<16xi1> -> vector<16xi32>
    %reduce_sum3A_288 = vector.extract %reduce_sum3A_287[15] : i32 from vector<16xi32>
    %select_n3A_289 = arith.select %eq3A_23, %add3A_68, %broadcast_in_dim3A_3 : vector<16xi1>, vector<16xi32>
    %reduce_sum3A_290 = arith.constant true
    %reduce_sum3A_291 = vector.broadcast %reduce_sum3A_290 : i1 to vector<16xi1>
    %reduce_sum3A_292 = tpu.scan <sum>, %select_n3A_289 masked %reduce_sum3A_291 : vector<16xi32>, vector<16xi1> -> vector<16xi32>
    %reduce_sum3A_293 = vector.extract %reduce_sum3A_292[15] : i32 from vector<16xi32>
    %select_n3A_294 = arith.select %eq3A_26, %add3A_68, %broadcast_in_dim3A_3 : vector<16xi1>, vector<16xi32>
    %reduce_sum3A_295 = arith.constant true
    %reduce_sum3A_296 = vector.broadcast %reduce_sum3A_295 : i1 to vector<16xi1>
    %reduce_sum3A_297 = tpu.scan <sum>, %select_n3A_294 masked %reduce_sum3A_296 : vector<16xi32>, vector<16xi1> -> vector<16xi32>
    %reduce_sum3A_298 = vector.extract %reduce_sum3A_297[15] : i32 from vector<16xi32>
    %scan3A_299 = arith.constant 0 : i32
    %scan3A_300 = arith.constant 4 : i32
    %scan3A_301 = arith.addi %scan3A_299, %scan3A_300 : i32
    %scan3A_302 = arith.constant 1 : i32
    %scan3A_303:8 = scf.for %scan3A_313 = %scan3A_299 to %scan3A_301 step %scan3A_302 iter_args(%scan3A_314 = %reduce_sum3A_263, %scan3A_315 = %reduce_sum3A_268, %scan3A_316 = %reduce_sum3A_273, %scan3A_317 = %reduce_sum3A_278, %scan3A_318 = %reduce_sum3A_283, %scan3A_319 = %reduce_sum3A_288, %scan3A_320 = %reduce_sum3A_293, %scan3A_321 = %reduce_sum3A_298) -> (i32, i32, i32, i32, i32, i32, i32, i32)  : i32 {
      %mul3A_322 = arith.constant 64 : i32
      %mul3A_323 = arith.muli %scan3A_313, %mul3A_322 : i32
      %add3A_324 = arith.constant 0 : i32
      %add3A_325 = arith.addi %mul3A_323, %add3A_324 : i32
      %add3A_326 = arith.addi %mul3A_2, %add3A_325 : i32
      %get3A_327 = arith.index_cast %add3A_326 : i32 to index
      %get3A_328 = tpu.vector_load %arg8[%get3A_327] {strides = array<i32>} : memref<8192xi32, #tpu.memory_space<vmem>>, vector<16xi32>,
      %eq3A_329 = arith.constant 0 : i32
      %eq3A_330 = vector.broadcast %eq3A_329 : i32 to vector<16xi32>
      %eq3A_331 = arith.cmpi eq, %get3A_328, %eq3A_330 : vector<16xi32>
      %jit3A_332 = arith.constant 1 : i32
      %jit3A_333 = arith.constant 0 : i32
      %broadcast_in_dim3A_334 = vector.broadcast %jit3A_332 : i32 to vector<16xi32>
      %broadcast_in_dim3A_335 = vector.broadcast %jit3A_333 : i32 to vector<16xi32>
      %select_n3A_336 = arith.select %eq3A_331, %broadcast_in_dim3A_334, %broadcast_in_dim3A_335 : vector<16xi1>, vector<16xi32>
      %broadcast_in_dim3A_337 = arith.constant true
      %broadcast_in_dim3A_338 = vector.broadcast %broadcast_in_dim3A_337 : i1 to vector<16xi1>
      %masked_cumsum3A_339 = tpu.scan <sum>, %select_n3A_336 masked %broadcast_in_dim3A_338 : vector<16xi32>, vector<16xi1> -> vector<16xi32>
      %sub3A_340 = arith.subi %masked_cumsum3A_339, %select_n3A_336 : vector<16xi32>
      %add3A_341 = vector.broadcast %scan3A_314 : i32 to vector<16xi32>
      %add3A_342 = arith.addi %sub3A_340, %add3A_341 : vector<16xi32>
      %mul3A_343 = arith.muli %add3A_342, %select_n3A_336 : vector<16xi32>
      %add3A_344 = arith.addi %broadcast_in_dim3A_3, %mul3A_343 : vector<16xi32>
      %reduce_sum3A_345 = arith.constant true
      %reduce_sum3A_346 = vector.broadcast %reduce_sum3A_345 : i1 to vector<16xi1>
      %reduce_sum3A_347 = tpu.scan <sum>, %select_n3A_336 masked %reduce_sum3A_346 : vector<16xi32>, vector<16xi1> -> vector<16xi32>
      %reduce_sum3A_348 = vector.extract %reduce_sum3A_347[15] : i32 from vector<16xi32>
      %add3A_349 = arith.addi %scan3A_314, %reduce_sum3A_348 : i32
      %eq3A_350 = arith.constant 1 : i32
      %eq3A_351 = vector.broadcast %eq3A_350 : i32 to vector<16xi32>
      %eq3A_352 = arith.cmpi eq, %get3A_328, %eq3A_351 : vector<16xi32>
      %jit3A_353 = arith.constant 1 : i32
      %jit3A_354 = arith.constant 0 : i32
      %broadcast_in_dim3A_355 = vector.broadcast %jit3A_353 : i32 to vector<16xi32>
      %broadcast_in_dim3A_356 = vector.broadcast %jit3A_354 : i32 to vector<16xi32>
      %select_n3A_357 = arith.select %eq3A_352, %broadcast_in_dim3A_355, %broadcast_in_dim3A_356 : vector<16xi1>, vector<16xi32>
      %broadcast_in_dim3A_358 = arith.constant true
      %broadcast_in_dim3A_359 = vector.broadcast %broadcast_in_dim3A_358 : i1 to vector<16xi1>
      %masked_cumsum3A_360 = tpu.scan <sum>, %select_n3A_357 masked %broadcast_in_dim3A_359 : vector<16xi32>, vector<16xi1> -> vector<16xi32>
      %sub3A_361 = arith.subi %masked_cumsum3A_360, %select_n3A_357 : vector<16xi32>
      %add3A_362 = vector.broadcast %scan3A_315 : i32 to vector<16xi32>
      %add3A_363 = arith.addi %sub3A_361, %add3A_362 : vector<16xi32>
      %mul3A_364 = arith.muli %add3A_363, %select_n3A_357 : vector<16xi32>
      %add3A_365 = arith.addi %add3A_344, %mul3A_364 : vector<16xi32>
      %reduce_sum3A_366 = arith.constant true
      %reduce_sum3A_367 = vector.broadcast %reduce_sum3A_366 : i1 to vector<16xi1>
      %reduce_sum3A_368 = tpu.scan <sum>, %select_n3A_357 masked %reduce_sum3A_367 : vector<16xi32>, vector<16xi1> -> vector<16xi32>
      %reduce_sum3A_369 = vector.extract %reduce_sum3A_368[15] : i32 from vector<16xi32>
      %add3A_370 = arith.addi %scan3A_315, %reduce_sum3A_369 : i32
      %eq3A_371 = arith.constant 2 : i32
      %eq3A_372 = vector.broadcast %eq3A_371 : i32 to vector<16xi32>
      %eq3A_373 = arith.cmpi eq, %get3A_328, %eq3A_372 : vector<16xi32>
      %jit3A_374 = arith.constant 1 : i32
      %jit3A_375 = arith.constant 0 : i32
      %broadcast_in_dim3A_376 = vector.broadcast %jit3A_374 : i32 to vector<16xi32>
      %broadcast_in_dim3A_377 = vector.broadcast %jit3A_375 : i32 to vector<16xi32>
      %select_n3A_378 = arith.select %eq3A_373, %broadcast_in_dim3A_376, %broadcast_in_dim3A_377 : vector<16xi1>, vector<16xi32>
      %broadcast_in_dim3A_379 = arith.constant true
      %broadcast_in_dim3A_380 = vector.broadcast %broadcast_in_dim3A_379 : i1 to vector<16xi1>
      %masked_cumsum3A_381 = tpu.scan <sum>, %select_n3A_378 masked %broadcast_in_dim3A_380 : vector<16xi32>, vector<16xi1> -> vector<16xi32>
      %sub3A_382 = arith.subi %masked_cumsum3A_381, %select_n3A_378 : vector<16xi32>
      %add3A_383 = vector.broadcast %scan3A_316 : i32 to vector<16xi32>
      %add3A_384 = arith.addi %sub3A_382, %add3A_383 : vector<16xi32>
      %mul3A_385 = arith.muli %add3A_384, %select_n3A_378 : vector<16xi32>
      %add3A_386 = arith.addi %add3A_365, %mul3A_385 : vector<16xi32>
      %reduce_sum3A_387 = arith.constant true
      %reduce_sum3A_388 = vector.broadcast %reduce_sum3A_387 : i1 to vector<16xi1>
      %reduce_sum3A_389 = tpu.scan <sum>, %select_n3A_378 masked %reduce_sum3A_388 : vector<16xi32>, vector<16xi1> -> vector<16xi32>
      %reduce_sum3A_390 = vector.extract %reduce_sum3A_389[15] : i32 from vector<16xi32>
      %add3A_391 = arith.addi %scan3A_316, %reduce_sum3A_390 : i32
      %eq3A_392 = arith.constant 3 : i32
      %eq3A_393 = vector.broadcast %eq3A_392 : i32 to vector<16xi32>
      %eq3A_394 = arith.cmpi eq, %get3A_328, %eq3A_393 : vector<16xi32>
      %jit3A_395 = arith.constant 1 : i32
      %jit3A_396 = arith.constant 0 : i32
      %broadcast_in_dim3A_397 = vector.broadcast %jit3A_395 : i32 to vector<16xi32>
      %broadcast_in_dim3A_398 = vector.broadcast %jit3A_396 : i32 to vector<16xi32>
      %select_n3A_399 = arith.select %eq3A_394, %broadcast_in_dim3A_397, %broadcast_in_dim3A_398 : vector<16xi1>, vector<16xi32>
      %broadcast_in_dim3A_400 = arith.constant true
      %broadcast_in_dim3A_401 = vector.broadcast %broadcast_in_dim3A_400 : i1 to vector<16xi1>
      %masked_cumsum3A_402 = tpu.scan <sum>, %select_n3A_399 masked %broadcast_in_dim3A_401 : vector<16xi32>, vector<16xi1> -> vector<16xi32>
      %sub3A_403 = arith.subi %masked_cumsum3A_402, %select_n3A_399 : vector<16xi32>
      %add3A_404 = vector.broadcast %scan3A_317 : i32 to vector<16xi32>
      %add3A_405 = arith.addi %sub3A_403, %add3A_404 : vector<16xi32>
      %mul3A_406 = arith.muli %add3A_405, %select_n3A_399 : vector<16xi32>
      %add3A_407 = arith.addi %add3A_386, %mul3A_406 : vector<16xi32>
      %reduce_sum3A_408 = arith.constant true
      %reduce_sum3A_409 = vector.broadcast %reduce_sum3A_408 : i1 to vector<16xi1>
      %reduce_sum3A_410 = tpu.scan <sum>, %select_n3A_399 masked %reduce_sum3A_409 : vector<16xi32>, vector<16xi1> -> vector<16xi32>
      %reduce_sum3A_411 = vector.extract %reduce_sum3A_410[15] : i32 from vector<16xi32>
      %add3A_412 = arith.addi %scan3A_317, %reduce_sum3A_411 : i32
      %eq3A_413 = arith.constant 4 : i32
      %eq3A_414 = vector.broadcast %eq3A_413 : i32 to vector<16xi32>
      %eq3A_415 = arith.cmpi eq, %get3A_328, %eq3A_414 : vector<16xi32>
      %jit3A_416 = arith.constant 1 : i32
      %jit3A_417 = arith.constant 0 : i32
      %broadcast_in_dim3A_418 = vector.broadcast %jit3A_416 : i32 to vector<16xi32>
      %broadcast_in_dim3A_419 = vector.broadcast %jit3A_417 : i32 to vector<16xi32>
      %select_n3A_420 = arith.select %eq3A_415, %broadcast_in_dim3A_418, %broadcast_in_dim3A_419 : vector<16xi1>, vector<16xi32>
      %broadcast_in_dim3A_421 = arith.constant true
      %broadcast_in_dim3A_422 = vector.broadcast %broadcast_in_dim3A_421 : i1 to vector<16xi1>
      %masked_cumsum3A_423 = tpu.scan <sum>, %select_n3A_420 masked %broadcast_in_dim3A_422 : vector<16xi32>, vector<16xi1> -> vector<16xi32>
      %sub3A_424 = arith.subi %masked_cumsum3A_423, %select_n3A_420 : vector<16xi32>
      %add3A_425 = vector.broadcast %scan3A_318 : i32 to vector<16xi32>
      %add3A_426 = arith.addi %sub3A_424, %add3A_425 : vector<16xi32>
      %mul3A_427 = arith.muli %add3A_426, %select_n3A_420 : vector<16xi32>
      %add3A_428 = arith.addi %add3A_407, %mul3A_427 : vector<16xi32>
      %reduce_sum3A_429 = arith.constant true
      %reduce_sum3A_430 = vector.broadcast %reduce_sum3A_429 : i1 to vector<16xi1>
      %reduce_sum3A_431 = tpu.scan <sum>, %select_n3A_420 masked %reduce_sum3A_430 : vector<16xi32>, vector<16xi1> -> vector<16xi32>
      %reduce_sum3A_432 = vector.extract %reduce_sum3A_431[15] : i32 from vector<16xi32>
      %add3A_433 = arith.addi %scan3A_318, %reduce_sum3A_432 : i32
      %eq3A_434 = arith.constant 5 : i32
      %eq3A_435 = vector.broadcast %eq3A_434 : i32 to vector<16xi32>
      %eq3A_436 = arith.cmpi eq, %get3A_328, %eq3A_435 : vector<16xi32>
      %jit3A_437 = arith.constant 1 : i32
      %jit3A_438 = arith.constant 0 : i32
      %broadcast_in_dim3A_439 = vector.broadcast %jit3A_437 : i32 to vector<16xi32>
      %broadcast_in_dim3A_440 = vector.broadcast %jit3A_438 : i32 to vector<16xi32>
      %select_n3A_441 = arith.select %eq3A_436, %broadcast_in_dim3A_439, %broadcast_in_dim3A_440 : vector<16xi1>, vector<16xi32>
      %broadcast_in_dim3A_442 = arith.constant true
      %broadcast_in_dim3A_443 = vector.broadcast %broadcast_in_dim3A_442 : i1 to vector<16xi1>
      %masked_cumsum3A_444 = tpu.scan <sum>, %select_n3A_441 masked %broadcast_in_dim3A_443 : vector<16xi32>, vector<16xi1> -> vector<16xi32>
      %sub3A_445 = arith.subi %masked_cumsum3A_444, %select_n3A_441 : vector<16xi32>
      %add3A_446 = vector.broadcast %scan3A_319 : i32 to vector<16xi32>
      %add3A_447 = arith.addi %sub3A_445, %add3A_446 : vector<16xi32>
      %mul3A_448 = arith.muli %add3A_447, %select_n3A_441 : vector<16xi32>
      %add3A_449 = arith.addi %add3A_428, %mul3A_448 : vector<16xi32>
      %reduce_sum3A_450 = arith.constant true
      %reduce_sum3A_451 = vector.broadcast %reduce_sum3A_450 : i1 to vector<16xi1>
      %reduce_sum3A_452 = tpu.scan <sum>, %select_n3A_441 masked %reduce_sum3A_451 : vector<16xi32>, vector<16xi1> -> vector<16xi32>
      %reduce_sum3A_453 = vector.extract %reduce_sum3A_452[15] : i32 from vector<16xi32>
      %add3A_454 = arith.addi %scan3A_319, %reduce_sum3A_453 : i32
      %eq3A_455 = arith.constant 6 : i32
      %eq3A_456 = vector.broadcast %eq3A_455 : i32 to vector<16xi32>
      %eq3A_457 = arith.cmpi eq, %get3A_328, %eq3A_456 : vector<16xi32>
      %jit3A_458 = arith.constant 1 : i32
      %jit3A_459 = arith.constant 0 : i32
      %broadcast_in_dim3A_460 = vector.broadcast %jit3A_458 : i32 to vector<16xi32>
      %broadcast_in_dim3A_461 = vector.broadcast %jit3A_459 : i32 to vector<16xi32>
      %select_n3A_462 = arith.select %eq3A_457, %broadcast_in_dim3A_460, %broadcast_in_dim3A_461 : vector<16xi1>, vector<16xi32>
      %broadcast_in_dim3A_463 = arith.constant true
      %broadcast_in_dim3A_464 = vector.broadcast %broadcast_in_dim3A_463 : i1 to vector<16xi1>
      %masked_cumsum3A_465 = tpu.scan <sum>, %select_n3A_462 masked %broadcast_in_dim3A_464 : vector<16xi32>, vector<16xi1> -> vector<16xi32>
      %sub3A_466 = arith.subi %masked_cumsum3A_465, %select_n3A_462 : vector<16xi32>
      %add3A_467 = vector.broadcast %scan3A_320 : i32 to vector<16xi32>
      %add3A_468 = arith.addi %sub3A_466, %add3A_467 : vector<16xi32>
      %mul3A_469 = arith.muli %add3A_468, %select_n3A_462 : vector<16xi32>
      %add3A_470 = arith.addi %add3A_449, %mul3A_469 : vector<16xi32>
      %reduce_sum3A_471 = arith.constant true
      %reduce_sum3A_472 = vector.broadcast %reduce_sum3A_471 : i1 to vector<16xi1>
      %reduce_sum3A_473 = tpu.scan <sum>, %select_n3A_462 masked %reduce_sum3A_472 : vector<16xi32>, vector<16xi1> -> vector<16xi32>
      %reduce_sum3A_474 = vector.extract %reduce_sum3A_473[15] : i32 from vector<16xi32>
      %add3A_475 = arith.addi %scan3A_320, %reduce_sum3A_474 : i32
      %eq3A_476 = arith.constant 7 : i32
      %eq3A_477 = vector.broadcast %eq3A_476 : i32 to vector<16xi32>
      %eq3A_478 = arith.cmpi eq, %get3A_328, %eq3A_477 : vector<16xi32>
      %jit3A_479 = arith.constant 1 : i32
      %jit3A_480 = arith.constant 0 : i32
      %broadcast_in_dim3A_481 = vector.broadcast %jit3A_479 : i32 to vector<16xi32>
      %broadcast_in_dim3A_482 = vector.broadcast %jit3A_480 : i32 to vector<16xi32>
      %select_n3A_483 = arith.select %eq3A_478, %broadcast_in_dim3A_481, %broadcast_in_dim3A_482 : vector<16xi1>, vector<16xi32>
      %broadcast_in_dim3A_484 = arith.constant true
      %broadcast_in_dim3A_485 = vector.broadcast %broadcast_in_dim3A_484 : i1 to vector<16xi1>
      %masked_cumsum3A_486 = tpu.scan <sum>, %select_n3A_483 masked %broadcast_in_dim3A_485 : vector<16xi32>, vector<16xi1> -> vector<16xi32>
      %sub3A_487 = arith.subi %masked_cumsum3A_486, %select_n3A_483 : vector<16xi32>
      %add3A_488 = vector.broadcast %scan3A_321 : i32 to vector<16xi32>
      %add3A_489 = arith.addi %sub3A_487, %add3A_488 : vector<16xi32>
      %mul3A_490 = arith.muli %add3A_489, %select_n3A_483 : vector<16xi32>
      %add3A_491 = arith.addi %add3A_470, %mul3A_490 : vector<16xi32>
      %reduce_sum3A_492 = arith.constant true
      %reduce_sum3A_493 = vector.broadcast %reduce_sum3A_492 : i1 to vector<16xi1>
      %reduce_sum3A_494 = tpu.scan <sum>, %select_n3A_483 masked %reduce_sum3A_493 : vector<16xi32>, vector<16xi1> -> vector<16xi32>
      %reduce_sum3A_495 = vector.extract %reduce_sum3A_494[15] : i32 from vector<16xi32>
      %add3A_496 = arith.addi %scan3A_321, %reduce_sum3A_495 : i32
      %swap3A_497 = arith.index_cast %scan3A_313 : i32 to index
      %swap3A_498 = arith.constant 0 : index
      %swap3A_499 = tpu.vector_load %arg9[%swap3A_497, %swap3A_498] {strides = array<i32>} : memref<4x64xi32, #tpu.memory_space<vmem>>, vector<16xi32>,
      tpu.vector_store %arg9[%swap3A_497, %swap3A_498], %add3A_491 {strides = array<i32>} : memref<4x64xi32, #tpu.memory_space<vmem>>, vector<16xi32>,
      %add3A_500 = arith.addi %mul3A_2, %add3A_325 : i32
      %add3A_501 = vector.broadcast %add3A_500 : i32 to vector<16xi32>
      %add3A_502 = arith.addi %add3A_501, %iota3A : vector<16xi32>
      %jit3A_503 = arith.constant 2 : i32
      %div3A_504 = vector.broadcast %jit3A_503 : i32 to vector<16xi32>
      %div3A_505 = arith.divsi %add3A_502, %div3A_504 : vector<16xi32>
      %sign3A_506 = arith.constant 0 : i32
      %sign3A_507 = vector.broadcast %sign3A_506 : i32 to vector<16xi32>
      %sign3A_508 = arith.cmpi sgt, %add3A_502, %sign3A_507 : vector<16xi32>
      %sign3A_509 = arith.extui %sign3A_508 : vector<16xi1> to vector<16xi32>
      %sign3A_510 = arith.constant 0 : i32
      %sign3A_511 = vector.broadcast %sign3A_510 : i32 to vector<16xi32>
      %sign3A_512 = arith.cmpi slt, %add3A_502, %sign3A_511 : vector<16xi32>
      %sign3A_513 = arith.extui %sign3A_512 : vector<16xi1> to vector<16xi32>
      %sign3A_514 = arith.subi %sign3A_509, %sign3A_513 : vector<16xi32>
      %sign3A_515 = arith.constant 0 : i32
      %sign3A_516 = arith.cmpi sgt, %jit3A_503, %sign3A_515 : i32
      %sign3A_517 = arith.extui %sign3A_516 : i1 to i32
      %sign3A_518 = arith.constant 0 : i32
      %sign3A_519 = arith.cmpi slt, %jit3A_503, %sign3A_518 : i32
      %sign3A_520 = arith.extui %sign3A_519 : i1 to i32
      %sign3A_521 = arith.subi %sign3A_517, %sign3A_520 : i32
      %ne3A_522 = vector.broadcast %sign3A_521 : i32 to vector<16xi32>
      %ne3A_523 = arith.cmpi ne, %sign3A_514, %ne3A_522 : vector<16xi32>
      %rem3A_524 = vector.broadcast %jit3A_503 : i32 to vector<16xi32>
      %rem3A_525 = arith.remsi %add3A_502, %rem3A_524 : vector<16xi32>
      %ne3A_526 = arith.constant 0 : i32
      %ne3A_527 = vector.broadcast %ne3A_526 : i32 to vector<16xi32>
      %ne3A_528 = arith.cmpi ne, %rem3A_525, %ne3A_527 : vector<16xi32>
      %and3A_529 = arith.andi %ne3A_523, %ne3A_528 : vector<16xi1>
      %sub3A_530 = arith.constant 1 : i32
      %sub3A_531 = vector.broadcast %sub3A_530 : i32 to vector<16xi32>
      %sub3A_532 = arith.subi %div3A_505, %sub3A_531 : vector<16xi32>
      %select_n3A_533 = arith.select %and3A_529, %sub3A_532, %div3A_505 : vector<16xi1>, vector<16xi32>
      %swap3A_534 = arith.index_cast %scan3A_313 : i32 to index
      %swap3A_535 = arith.constant 0 : index
      %swap3A_536 = tpu.vector_load %arg10[%swap3A_534, %swap3A_535] {strides = array<i32>} : memref<4x64xi32, #tpu.memory_space<vmem>>, vector<16xi32>,
      tpu.vector_store %arg10[%swap3A_534, %swap3A_535], %select_n3A_533 {strides = array<i32>} : memref<4x64xi32, #tpu.memory_space<vmem>>, vector<16xi32>,
      %mul3A_537 = arith.constant 64 : i32
      %mul3A_538 = arith.muli %scan3A_313, %mul3A_537 : i32
      %add3A_539 = arith.constant 16 : i32
      %add3A_540 = arith.addi %mul3A_538, %add3A_539 : i32
      %add3A_541 = arith.addi %mul3A_2, %add3A_540 : i32
      %get3A_542 = arith.index_cast %add3A_541 : i32 to index
      %get3A_543 = tpu.vector_load %arg8[%get3A_542] {strides = array<i32>} : memref<8192xi32, #tpu.memory_space<vmem>>, vector<16xi32>,
      %eq3A_544 = arith.constant 0 : i32
      %eq3A_545 = vector.broadcast %eq3A_544 : i32 to vector<16xi32>
      %eq3A_546 = arith.cmpi eq, %get3A_543, %eq3A_545 : vector<16xi32>
      %jit3A_547 = arith.constant 1 : i32
      %jit3A_548 = arith.constant 0 : i32
      %broadcast_in_dim3A_549 = vector.broadcast %jit3A_547 : i32 to vector<16xi32>
      %broadcast_in_dim3A_550 = vector.broadcast %jit3A_548 : i32 to vector<16xi32>
      %select_n3A_551 = arith.select %eq3A_546, %broadcast_in_dim3A_549, %broadcast_in_dim3A_550 : vector<16xi1>, vector<16xi32>
      %broadcast_in_dim3A_552 = arith.constant true
      %broadcast_in_dim3A_553 = vector.broadcast %broadcast_in_dim3A_552 : i1 to vector<16xi1>
      %masked_cumsum3A_554 = tpu.scan <sum>, %select_n3A_551 masked %broadcast_in_dim3A_553 : vector<16xi32>, vector<16xi1> -> vector<16xi32>
      %sub3A_555 = arith.subi %masked_cumsum3A_554, %select_n3A_551 : vector<16xi32>
      %add3A_556 = vector.broadcast %add3A_349 : i32 to vector<16xi32>
      %add3A_557 = arith.addi %sub3A_555, %add3A_556 : vector<16xi32>
      %mul3A_558 = arith.muli %add3A_557, %select_n3A_551 : vector<16xi32>
      %add3A_559 = arith.addi %broadcast_in_dim3A_3, %mul3A_558 : vector<16xi32>
      %reduce_sum3A_560 = arith.constant true
      %reduce_sum3A_561 = vector.broadcast %reduce_sum3A_560 : i1 to vector<16xi1>
      %reduce_sum3A_562 = tpu.scan <sum>, %select_n3A_551 masked %reduce_sum3A_561 : vector<16xi32>, vector<16xi1> -> vector<16xi32>
      %reduce_sum3A_563 = vector.extract %reduce_sum3A_562[15] : i32 from vector<16xi32>
      %add3A_564 = arith.addi %add3A_349, %reduce_sum3A_563 : i32
      %eq3A_565 = arith.constant 1 : i32
      %eq3A_566 = vector.broadcast %eq3A_565 : i32 to vector<16xi32>
      %eq3A_567 = arith.cmpi eq, %get3A_543, %eq3A_566 : vector<16xi32>
      %jit3A_568 = arith.constant 1 : i32
      %jit3A_569 = arith.constant 0 : i32
      %broadcast_in_dim3A_570 = vector.broadcast %jit3A_568 : i32 to vector<16xi32>
      %broadcast_in_dim3A_571 = vector.broadcast %jit3A_569 : i32 to vector<16xi32>
      %select_n3A_572 = arith.select %eq3A_567, %broadcast_in_dim3A_570, %broadcast_in_dim3A_571 : vector<16xi1>, vector<16xi32>
      %broadcast_in_dim3A_573 = arith.constant true
      %broadcast_in_dim3A_574 = vector.broadcast %broadcast_in_dim3A_573 : i1 to vector<16xi1>
      %masked_cumsum3A_575 = tpu.scan <sum>, %select_n3A_572 masked %broadcast_in_dim3A_574 : vector<16xi32>, vector<16xi1> -> vector<16xi32>
      %sub3A_576 = arith.subi %masked_cumsum3A_575, %select_n3A_572 : vector<16xi32>
      %add3A_577 = vector.broadcast %add3A_370 : i32 to vector<16xi32>
      %add3A_578 = arith.addi %sub3A_576, %add3A_577 : vector<16xi32>
      %mul3A_579 = arith.muli %add3A_578, %select_n3A_572 : vector<16xi32>
      %add3A_580 = arith.addi %add3A_559, %mul3A_579 : vector<16xi32>
      %reduce_sum3A_581 = arith.constant true
      %reduce_sum3A_582 = vector.broadcast %reduce_sum3A_581 : i1 to vector<16xi1>
      %reduce_sum3A_583 = tpu.scan <sum>, %select_n3A_572 masked %reduce_sum3A_582 : vector<16xi32>, vector<16xi1> -> vector<16xi32>
      %reduce_sum3A_584 = vector.extract %reduce_sum3A_583[15] : i32 from vector<16xi32>
      %add3A_585 = arith.addi %add3A_370, %reduce_sum3A_584 : i32
      %eq3A_586 = arith.constant 2 : i32
      %eq3A_587 = vector.broadcast %eq3A_586 : i32 to vector<16xi32>
      %eq3A_588 = arith.cmpi eq, %get3A_543, %eq3A_587 : vector<16xi32>
      %jit3A_589 = arith.constant 1 : i32
      %jit3A_590 = arith.constant 0 : i32
      %broadcast_in_dim3A_591 = vector.broadcast %jit3A_589 : i32 to vector<16xi32>
      %broadcast_in_dim3A_592 = vector.broadcast %jit3A_590 : i32 to vector<16xi32>
      %select_n3A_593 = arith.select %eq3A_588, %broadcast_in_dim3A_591, %broadcast_in_dim3A_592 : vector<16xi1>, vector<16xi32>
      %broadcast_in_dim3A_594 = arith.constant true
      %broadcast_in_dim3A_595 = vector.broadcast %broadcast_in_dim3A_594 : i1 to vector<16xi1>
      %masked_cumsum3A_596 = tpu.scan <sum>, %select_n3A_593 masked %broadcast_in_dim3A_595 : vector<16xi32>, vector<16xi1> -> vector<16xi32>
      %sub3A_597 = arith.subi %masked_cumsum3A_596, %select_n3A_593 : vector<16xi32>
      %add3A_598 = vector.broadcast %add3A_391 : i32 to vector<16xi32>
      %add3A_599 = arith.addi %sub3A_597, %add3A_598 : vector<16xi32>
      %mul3A_600 = arith.muli %add3A_599, %select_n3A_593 : vector<16xi32>
      %add3A_601 = arith.addi %add3A_580, %mul3A_600 : vector<16xi32>
      %reduce_sum3A_602 = arith.constant true
      %reduce_sum3A_603 = vector.broadcast %reduce_sum3A_602 : i1 to vector<16xi1>
      %reduce_sum3A_604 = tpu.scan <sum>, %select_n3A_593 masked %reduce_sum3A_603 : vector<16xi32>, vector<16xi1> -> vector<16xi32>
      %reduce_sum3A_605 = vector.extract %reduce_sum3A_604[15] : i32 from vector<16xi32>
      %add3A_606 = arith.addi %add3A_391, %reduce_sum3A_605 : i32
      %eq3A_607 = arith.constant 3 : i32
      %eq3A_608 = vector.broadcast %eq3A_607 : i32 to vector<16xi32>
      %eq3A_609 = arith.cmpi eq, %get3A_543, %eq3A_608 : vector<16xi32>
      %jit3A_610 = arith.constant 1 : i32
      %jit3A_611 = arith.constant 0 : i32
      %broadcast_in_dim3A_612 = vector.broadcast %jit3A_610 : i32 to vector<16xi32>
      %broadcast_in_dim3A_613 = vector.broadcast %jit3A_611 : i32 to vector<16xi32>
      %select_n3A_614 = arith.select %eq3A_609, %broadcast_in_dim3A_612, %broadcast_in_dim3A_613 : vector<16xi1>, vector<16xi32>
      %broadcast_in_dim3A_615 = arith.constant true
      %broadcast_in_dim3A_616 = vector.broadcast %broadcast_in_dim3A_615 : i1 to vector<16xi1>
      %masked_cumsum3A_617 = tpu.scan <sum>, %select_n3A_614 masked %broadcast_in_dim3A_616 : vector<16xi32>, vector<16xi1> -> vector<16xi32>
      %sub3A_618 = arith.subi %masked_cumsum3A_617, %select_n3A_614 : vector<16xi32>
      %add3A_619 = vector.broadcast %add3A_412 : i32 to vector<16xi32>
      %add3A_620 = arith.addi %sub3A_618, %add3A_619 : vector<16xi32>
      %mul3A_621 = arith.muli %add3A_620, %select_n3A_614 : vector<16xi32>
      %add3A_622 = arith.addi %add3A_601, %mul3A_621 : vector<16xi32>
      %reduce_sum3A_623 = arith.constant true
      %reduce_sum3A_624 = vector.broadcast %reduce_sum3A_623 : i1 to vector<16xi1>
      %reduce_sum3A_625 = tpu.scan <sum>, %select_n3A_614 masked %reduce_sum3A_624 : vector<16xi32>, vector<16xi1> -> vector<16xi32>
      %reduce_sum3A_626 = vector.extract %reduce_sum3A_625[15] : i32 from vector<16xi32>
      %add3A_627 = arith.addi %add3A_412, %reduce_sum3A_626 : i32
      %eq3A_628 = arith.constant 4 : i32
      %eq3A_629 = vector.broadcast %eq3A_628 : i32 to vector<16xi32>
      %eq3A_630 = arith.cmpi eq, %get3A_543, %eq3A_629 : vector<16xi32>
      %jit3A_631 = arith.constant 1 : i32
      %jit3A_632 = arith.constant 0 : i32
      %broadcast_in_dim3A_633 = vector.broadcast %jit3A_631 : i32 to vector<16xi32>
      %broadcast_in_dim3A_634 = vector.broadcast %jit3A_632 : i32 to vector<16xi32>
      %select_n3A_635 = arith.select %eq3A_630, %broadcast_in_dim3A_633, %broadcast_in_dim3A_634 : vector<16xi1>, vector<16xi32>
      %broadcast_in_dim3A_636 = arith.constant true
      %broadcast_in_dim3A_637 = vector.broadcast %broadcast_in_dim3A_636 : i1 to vector<16xi1>
      %masked_cumsum3A_638 = tpu.scan <sum>, %select_n3A_635 masked %broadcast_in_dim3A_637 : vector<16xi32>, vector<16xi1> -> vector<16xi32>
      %sub3A_639 = arith.subi %masked_cumsum3A_638, %select_n3A_635 : vector<16xi32>
      %add3A_640 = vector.broadcast %add3A_433 : i32 to vector<16xi32>
      %add3A_641 = arith.addi %sub3A_639, %add3A_640 : vector<16xi32>
      %mul3A_642 = arith.muli %add3A_641, %select_n3A_635 : vector<16xi32>
      %add3A_643 = arith.addi %add3A_622, %mul3A_642 : vector<16xi32>
      %reduce_sum3A_644 = arith.constant true
      %reduce_sum3A_645 = vector.broadcast %reduce_sum3A_644 : i1 to vector<16xi1>
      %reduce_sum3A_646 = tpu.scan <sum>, %select_n3A_635 masked %reduce_sum3A_645 : vector<16xi32>, vector<16xi1> -> vector<16xi32>
      %reduce_sum3A_647 = vector.extract %reduce_sum3A_646[15] : i32 from vector<16xi32>
      %add3A_648 = arith.addi %add3A_433, %reduce_sum3A_647 : i32
      %eq3A_649 = arith.constant 5 : i32
      %eq3A_650 = vector.broadcast %eq3A_649 : i32 to vector<16xi32>
      %eq3A_651 = arith.cmpi eq, %get3A_543, %eq3A_650 : vector<16xi32>
      %jit3A_652 = arith.constant 1 : i32
      %jit3A_653 = arith.constant 0 : i32
      %broadcast_in_dim3A_654 = vector.broadcast %jit3A_652 : i32 to vector<16xi32>
      %broadcast_in_dim3A_655 = vector.broadcast %jit3A_653 : i32 to vector<16xi32>
      %select_n3A_656 = arith.select %eq3A_651, %broadcast_in_dim3A_654, %broadcast_in_dim3A_655 : vector<16xi1>, vector<16xi32>
      %broadcast_in_dim3A_657 = arith.constant true
      %broadcast_in_dim3A_658 = vector.broadcast %broadcast_in_dim3A_657 : i1 to vector<16xi1>
      %masked_cumsum3A_659 = tpu.scan <sum>, %select_n3A_656 masked %broadcast_in_dim3A_658 : vector<16xi32>, vector<16xi1> -> vector<16xi32>
      %sub3A_660 = arith.subi %masked_cumsum3A_659, %select_n3A_656 : vector<16xi32>
      %add3A_661 = vector.broadcast %add3A_454 : i32 to vector<16xi32>
      %add3A_662 = arith.addi %sub3A_660, %add3A_661 : vector<16xi32>
      %mul3A_663 = arith.muli %add3A_662, %select_n3A_656 : vector<16xi32>
      %add3A_664 = arith.addi %add3A_643, %mul3A_663 : vector<16xi32>
      %reduce_sum3A_665 = arith.constant true
      %reduce_sum3A_666 = vector.broadcast %reduce_sum3A_665 : i1 to vector<16xi1>
      %reduce_sum3A_667 = tpu.scan <sum>, %select_n3A_656 masked %reduce_sum3A_666 : vector<16xi32>, vector<16xi1> -> vector<16xi32>
      %reduce_sum3A_668 = vector.extract %reduce_sum3A_667[15] : i32 from vector<16xi32>
      %add3A_669 = arith.addi %add3A_454, %reduce_sum3A_668 : i32
      %eq3A_670 = arith.constant 6 : i32
      %eq3A_671 = vector.broadcast %eq3A_670 : i32 to vector<16xi32>
      %eq3A_672 = arith.cmpi eq, %get3A_543, %eq3A_671 : vector<16xi32>
      %jit3A_673 = arith.constant 1 : i32
      %jit3A_674 = arith.constant 0 : i32
      %broadcast_in_dim3A_675 = vector.broadcast %jit3A_673 : i32 to vector<16xi32>
      %broadcast_in_dim3A_676 = vector.broadcast %jit3A_674 : i32 to vector<16xi32>
      %select_n3A_677 = arith.select %eq3A_672, %broadcast_in_dim3A_675, %broadcast_in_dim3A_676 : vector<16xi1>, vector<16xi32>
      %broadcast_in_dim3A_678 = arith.constant true
      %broadcast_in_dim3A_679 = vector.broadcast %broadcast_in_dim3A_678 : i1 to vector<16xi1>
      %masked_cumsum3A_680 = tpu.scan <sum>, %select_n3A_677 masked %broadcast_in_dim3A_679 : vector<16xi32>, vector<16xi1> -> vector<16xi32>
      %sub3A_681 = arith.subi %masked_cumsum3A_680, %select_n3A_677 : vector<16xi32>
      %add3A_682 = vector.broadcast %add3A_475 : i32 to vector<16xi32>
      %add3A_683 = arith.addi %sub3A_681, %add3A_682 : vector<16xi32>
      %mul3A_684 = arith.muli %add3A_683, %select_n3A_677 : vector<16xi32>
      %add3A_685 = arith.addi %add3A_664, %mul3A_684 : vector<16xi32>
      %reduce_sum3A_686 = arith.constant true
      %reduce_sum3A_687 = vector.broadcast %reduce_sum3A_686 : i1 to vector<16xi1>
      %reduce_sum3A_688 = tpu.scan <sum>, %select_n3A_677 masked %reduce_sum3A_687 : vector<16xi32>, vector<16xi1> -> vector<16xi32>
      %reduce_sum3A_689 = vector.extract %reduce_sum3A_688[15] : i32 from vector<16xi32>
      %add3A_690 = arith.addi %add3A_475, %reduce_sum3A_689 : i32
      %eq3A_691 = arith.constant 7 : i32
      %eq3A_692 = vector.broadcast %eq3A_691 : i32 to vector<16xi32>
      %eq3A_693 = arith.cmpi eq, %get3A_543, %eq3A_692 : vector<16xi32>
      %jit3A_694 = arith.constant 1 : i32
      %jit3A_695 = arith.constant 0 : i32
      %broadcast_in_dim3A_696 = vector.broadcast %jit3A_694 : i32 to vector<16xi32>
      %broadcast_in_dim3A_697 = vector.broadcast %jit3A_695 : i32 to vector<16xi32>
      %select_n3A_698 = arith.select %eq3A_693, %broadcast_in_dim3A_696, %broadcast_in_dim3A_697 : vector<16xi1>, vector<16xi32>
      %broadcast_in_dim3A_699 = arith.constant true
      %broadcast_in_dim3A_700 = vector.broadcast %broadcast_in_dim3A_699 : i1 to vector<16xi1>
      %masked_cumsum3A_701 = tpu.scan <sum>, %select_n3A_698 masked %broadcast_in_dim3A_700 : vector<16xi32>, vector<16xi1> -> vector<16xi32>
      %sub3A_702 = arith.subi %masked_cumsum3A_701, %select_n3A_698 : vector<16xi32>
      %add3A_703 = vector.broadcast %add3A_496 : i32 to vector<16xi32>
      %add3A_704 = arith.addi %sub3A_702, %add3A_703 : vector<16xi32>
      %mul3A_705 = arith.muli %add3A_704, %select_n3A_698 : vector<16xi32>
      %add3A_706 = arith.addi %add3A_685, %mul3A_705 : vector<16xi32>
      %reduce_sum3A_707 = arith.constant true
      %reduce_sum3A_708 = vector.broadcast %reduce_sum3A_707 : i1 to vector<16xi1>
      %reduce_sum3A_709 = tpu.scan <sum>, %select_n3A_698 masked %reduce_sum3A_708 : vector<16xi32>, vector<16xi1> -> vector<16xi32>
      %reduce_sum3A_710 = vector.extract %reduce_sum3A_709[15] : i32 from vector<16xi32>
      %add3A_711 = arith.addi %add3A_496, %reduce_sum3A_710 : i32
      %swap3A_712 = arith.index_cast %scan3A_313 : i32 to index
      %swap3A_713 = arith.constant 16 : index
      %swap3A_714 = tpu.vector_load %arg9[%swap3A_712, %swap3A_713] {strides = array<i32>} : memref<4x64xi32, #tpu.memory_space<vmem>>, vector<16xi32>,
      tpu.vector_store %arg9[%swap3A_712, %swap3A_713], %add3A_706 {strides = array<i32>} : memref<4x64xi32, #tpu.memory_space<vmem>>, vector<16xi32>,
      %add3A_715 = arith.addi %mul3A_2, %add3A_540 : i32
      %add3A_716 = vector.broadcast %add3A_715 : i32 to vector<16xi32>
      %add3A_717 = arith.addi %add3A_716, %iota3A : vector<16xi32>
      %jit3A_718 = arith.constant 2 : i32
      %div3A_719 = vector.broadcast %jit3A_718 : i32 to vector<16xi32>
      %div3A_720 = arith.divsi %add3A_717, %div3A_719 : vector<16xi32>
      %sign3A_721 = arith.constant 0 : i32
      %sign3A_722 = vector.broadcast %sign3A_721 : i32 to vector<16xi32>
      %sign3A_723 = arith.cmpi sgt, %add3A_717, %sign3A_722 : vector<16xi32>
      %sign3A_724 = arith.extui %sign3A_723 : vector<16xi1> to vector<16xi32>
      %sign3A_725 = arith.constant 0 : i32
      %sign3A_726 = vector.broadcast %sign3A_725 : i32 to vector<16xi32>
      %sign3A_727 = arith.cmpi slt, %add3A_717, %sign3A_726 : vector<16xi32>
      %sign3A_728 = arith.extui %sign3A_727 : vector<16xi1> to vector<16xi32>
      %sign3A_729 = arith.subi %sign3A_724, %sign3A_728 : vector<16xi32>
      %sign3A_730 = arith.constant 0 : i32
      %sign3A_731 = arith.cmpi sgt, %jit3A_718, %sign3A_730 : i32
      %sign3A_732 = arith.extui %sign3A_731 : i1 to i32
      %sign3A_733 = arith.constant 0 : i32
      %sign3A_734 = arith.cmpi slt, %jit3A_718, %sign3A_733 : i32
      %sign3A_735 = arith.extui %sign3A_734 : i1 to i32
      %sign3A_736 = arith.subi %sign3A_732, %sign3A_735 : i32
      %ne3A_737 = vector.broadcast %sign3A_736 : i32 to vector<16xi32>
      %ne3A_738 = arith.cmpi ne, %sign3A_729, %ne3A_737 : vector<16xi32>
      %rem3A_739 = vector.broadcast %jit3A_718 : i32 to vector<16xi32>
      %rem3A_740 = arith.remsi %add3A_717, %rem3A_739 : vector<16xi32>
      %ne3A_741 = arith.constant 0 : i32
      %ne3A_742 = vector.broadcast %ne3A_741 : i32 to vector<16xi32>
      %ne3A_743 = arith.cmpi ne, %rem3A_740, %ne3A_742 : vector<16xi32>
      %and3A_744 = arith.andi %ne3A_738, %ne3A_743 : vector<16xi1>
      %sub3A_745 = arith.constant 1 : i32
      %sub3A_746 = vector.broadcast %sub3A_745 : i32 to vector<16xi32>
      %sub3A_747 = arith.subi %div3A_720, %sub3A_746 : vector<16xi32>
      %select_n3A_748 = arith.select %and3A_744, %sub3A_747, %div3A_720 : vector<16xi1>, vector<16xi32>
      %swap3A_749 = arith.index_cast %scan3A_313 : i32 to index
      %swap3A_750 = arith.constant 16 : index
      %swap3A_751 = tpu.vector_load %arg10[%swap3A_749, %swap3A_750] {strides = array<i32>} : memref<4x64xi32, #tpu.memory_space<vmem>>, vector<16xi32>,
      tpu.vector_store %arg10[%swap3A_749, %swap3A_750], %select_n3A_748 {strides = array<i32>} : memref<4x64xi32, #tpu.memory_space<vmem>>, vector<16xi32>,
      %mul3A_752 = arith.constant 64 : i32
      %mul3A_753 = arith.muli %scan3A_313, %mul3A_752 : i32
      %add3A_754 = arith.constant 32 : i32
      %add3A_755 = arith.addi %mul3A_753, %add3A_754 : i32
      %add3A_756 = arith.addi %mul3A_2, %add3A_755 : i32
      %get3A_757 = arith.index_cast %add3A_756 : i32 to index
      %get3A_758 = tpu.vector_load %arg8[%get3A_757] {strides = array<i32>} : memref<8192xi32, #tpu.memory_space<vmem>>, vector<16xi32>,
      %eq3A_759 = arith.constant 0 : i32
      %eq3A_760 = vector.broadcast %eq3A_759 : i32 to vector<16xi32>
      %eq3A_761 = arith.cmpi eq, %get3A_758, %eq3A_760 : vector<16xi32>
      %jit3A_762 = arith.constant 1 : i32
      %jit3A_763 = arith.constant 0 : i32
      %broadcast_in_dim3A_764 = vector.broadcast %jit3A_762 : i32 to vector<16xi32>
      %broadcast_in_dim3A_765 = vector.broadcast %jit3A_763 : i32 to vector<16xi32>
      %select_n3A_766 = arith.select %eq3A_761, %broadcast_in_dim3A_764, %broadcast_in_dim3A_765 : vector<16xi1>, vector<16xi32>
      %broadcast_in_dim3A_767 = arith.constant true
      %broadcast_in_dim3A_768 = vector.broadcast %broadcast_in_dim3A_767 : i1 to vector<16xi1>
      %masked_cumsum3A_769 = tpu.scan <sum>, %select_n3A_766 masked %broadcast_in_dim3A_768 : vector<16xi32>, vector<16xi1> -> vector<16xi32>
      %sub3A_770 = arith.subi %masked_cumsum3A_769, %select_n3A_766 : vector<16xi32>
      %add3A_771 = vector.broadcast %add3A_564 : i32 to vector<16xi32>
      %add3A_772 = arith.addi %sub3A_770, %add3A_771 : vector<16xi32>
      %mul3A_773 = arith.muli %add3A_772, %select_n3A_766 : vector<16xi32>
      %add3A_774 = arith.addi %broadcast_in_dim3A_3, %mul3A_773 : vector<16xi32>
      %reduce_sum3A_775 = arith.constant true
      %reduce_sum3A_776 = vector.broadcast %reduce_sum3A_775 : i1 to vector<16xi1>
      %reduce_sum3A_777 = tpu.scan <sum>, %select_n3A_766 masked %reduce_sum3A_776 : vector<16xi32>, vector<16xi1> -> vector<16xi32>
      %reduce_sum3A_778 = vector.extract %reduce_sum3A_777[15] : i32 from vector<16xi32>
      %add3A_779 = arith.addi %add3A_564, %reduce_sum3A_778 : i32
      %eq3A_780 = arith.constant 1 : i32
      %eq3A_781 = vector.broadcast %eq3A_780 : i32 to vector<16xi32>
      %eq3A_782 = arith.cmpi eq, %get3A_758, %eq3A_781 : vector<16xi32>
      %jit3A_783 = arith.constant 1 : i32
      %jit3A_784 = arith.constant 0 : i32
      %broadcast_in_dim3A_785 = vector.broadcast %jit3A_783 : i32 to vector<16xi32>
      %broadcast_in_dim3A_786 = vector.broadcast %jit3A_784 : i32 to vector<16xi32>
      %select_n3A_787 = arith.select %eq3A_782, %broadcast_in_dim3A_785, %broadcast_in_dim3A_786 : vector<16xi1>, vector<16xi32>
      %broadcast_in_dim3A_788 = arith.constant true
      %broadcast_in_dim3A_789 = vector.broadcast %broadcast_in_dim3A_788 : i1 to vector<16xi1>
      %masked_cumsum3A_790 = tpu.scan <sum>, %select_n3A_787 masked %broadcast_in_dim3A_789 : vector<16xi32>, vector<16xi1> -> vector<16xi32>
      %sub3A_791 = arith.subi %masked_cumsum3A_790, %select_n3A_787 : vector<16xi32>
      %add3A_792 = vector.broadcast %add3A_585 : i32 to vector<16xi32>
      %add3A_793 = arith.addi %sub3A_791, %add3A_792 : vector<16xi32>
      %mul3A_794 = arith.muli %add3A_793, %select_n3A_787 : vector<16xi32>
      %add3A_795 = arith.addi %add3A_774, %mul3A_794 : vector<16xi32>
      %reduce_sum3A_796 = arith.constant true
      %reduce_sum3A_797 = vector.broadcast %reduce_sum3A_796 : i1 to vector<16xi1>
      %reduce_sum3A_798 = tpu.scan <sum>, %select_n3A_787 masked %reduce_sum3A_797 : vector<16xi32>, vector<16xi1> -> vector<16xi32>
      %reduce_sum3A_799 = vector.extract %reduce_sum3A_798[15] : i32 from vector<16xi32>
      %add3A_800 = arith.addi %add3A_585, %reduce_sum3A_799 : i32
      %eq3A_801 = arith.constant 2 : i32
      %eq3A_802 = vector.broadcast %eq3A_801 : i32 to vector<16xi32>
      %eq3A_803 = arith.cmpi eq, %get3A_758, %eq3A_802 : vector<16xi32>
      %jit3A_804 = arith.constant 1 : i32
      %jit3A_805 = arith.constant 0 : i32
      %broadcast_in_dim3A_806 = vector.broadcast %jit3A_804 : i32 to vector<16xi32>
      %broadcast_in_dim3A_807 = vector.broadcast %jit3A_805 : i32 to vector<16xi32>
      %select_n3A_808 = arith.select %eq3A_803, %broadcast_in_dim3A_806, %broadcast_in_dim3A_807 : vector<16xi1>, vector<16xi32>
      %broadcast_in_dim3A_809 = arith.constant true
      %broadcast_in_dim3A_810 = vector.broadcast %broadcast_in_dim3A_809 : i1 to vector<16xi1>
      %masked_cumsum3A_811 = tpu.scan <sum>, %select_n3A_808 masked %broadcast_in_dim3A_810 : vector<16xi32>, vector<16xi1> -> vector<16xi32>
      %sub3A_812 = arith.subi %masked_cumsum3A_811, %select_n3A_808 : vector<16xi32>
      %add3A_813 = vector.broadcast %add3A_606 : i32 to vector<16xi32>
      %add3A_814 = arith.addi %sub3A_812, %add3A_813 : vector<16xi32>
      %mul3A_815 = arith.muli %add3A_814, %select_n3A_808 : vector<16xi32>
      %add3A_816 = arith.addi %add3A_795, %mul3A_815 : vector<16xi32>
      %reduce_sum3A_817 = arith.constant true
      %reduce_sum3A_818 = vector.broadcast %reduce_sum3A_817 : i1 to vector<16xi1>
      %reduce_sum3A_819 = tpu.scan <sum>, %select_n3A_808 masked %reduce_sum3A_818 : vector<16xi32>, vector<16xi1> -> vector<16xi32>
      %reduce_sum3A_820 = vector.extract %reduce_sum3A_819[15] : i32 from vector<16xi32>
      %add3A_821 = arith.addi %add3A_606, %reduce_sum3A_820 : i32
      %eq3A_822 = arith.constant 3 : i32
      %eq3A_823 = vector.broadcast %eq3A_822 : i32 to vector<16xi32>
      %eq3A_824 = arith.cmpi eq, %get3A_758, %eq3A_823 : vector<16xi32>
      %jit3A_825 = arith.constant 1 : i32
      %jit3A_826 = arith.constant 0 : i32
      %broadcast_in_dim3A_827 = vector.broadcast %jit3A_825 : i32 to vector<16xi32>
      %broadcast_in_dim3A_828 = vector.broadcast %jit3A_826 : i32 to vector<16xi32>
      %select_n3A_829 = arith.select %eq3A_824, %broadcast_in_dim3A_827, %broadcast_in_dim3A_828 : vector<16xi1>, vector<16xi32>
      %broadcast_in_dim3A_830 = arith.constant true
      %broadcast_in_dim3A_831 = vector.broadcast %broadcast_in_dim3A_830 : i1 to vector<16xi1>
      %masked_cumsum3A_832 = tpu.scan <sum>, %select_n3A_829 masked %broadcast_in_dim3A_831 : vector<16xi32>, vector<16xi1> -> vector<16xi32>
      %sub3A_833 = arith.subi %masked_cumsum3A_832, %select_n3A_829 : vector<16xi32>
      %add3A_834 = vector.broadcast %add3A_627 : i32 to vector<16xi32>
      %add3A_835 = arith.addi %sub3A_833, %add3A_834 : vector<16xi32>
      %mul3A_836 = arith.muli %add3A_835, %select_n3A_829 : vector<16xi32>
      %add3A_837 = arith.addi %add3A_816, %mul3A_836 : vector<16xi32>
      %reduce_sum3A_838 = arith.constant true
      %reduce_sum3A_839 = vector.broadcast %reduce_sum3A_838 : i1 to vector<16xi1>
      %reduce_sum3A_840 = tpu.scan <sum>, %select_n3A_829 masked %reduce_sum3A_839 : vector<16xi32>, vector<16xi1> -> vector<16xi32>
      %reduce_sum3A_841 = vector.extract %reduce_sum3A_840[15] : i32 from vector<16xi32>
      %add3A_842 = arith.addi %add3A_627, %reduce_sum3A_841 : i32
      %eq3A_843 = arith.constant 4 : i32
      %eq3A_844 = vector.broadcast %eq3A_843 : i32 to vector<16xi32>
      %eq3A_845 = arith.cmpi eq, %get3A_758, %eq3A_844 : vector<16xi32>
      %jit3A_846 = arith.constant 1 : i32
      %jit3A_847 = arith.constant 0 : i32
      %broadcast_in_dim3A_848 = vector.broadcast %jit3A_846 : i32 to vector<16xi32>
      %broadcast_in_dim3A_849 = vector.broadcast %jit3A_847 : i32 to vector<16xi32>
      %select_n3A_850 = arith.select %eq3A_845, %broadcast_in_dim3A_848, %broadcast_in_dim3A_849 : vector<16xi1>, vector<16xi32>
      %broadcast_in_dim3A_851 = arith.constant true
      %broadcast_in_dim3A_852 = vector.broadcast %broadcast_in_dim3A_851 : i1 to vector<16xi1>
      %masked_cumsum3A_853 = tpu.scan <sum>, %select_n3A_850 masked %broadcast_in_dim3A_852 : vector<16xi32>, vector<16xi1> -> vector<16xi32>
      %sub3A_854 = arith.subi %masked_cumsum3A_853, %select_n3A_850 : vector<16xi32>
      %add3A_855 = vector.broadcast %add3A_648 : i32 to vector<16xi32>
      %add3A_856 = arith.addi %sub3A_854, %add3A_855 : vector<16xi32>
      %mul3A_857 = arith.muli %add3A_856, %select_n3A_850 : vector<16xi32>
      %add3A_858 = arith.addi %add3A_837, %mul3A_857 : vector<16xi32>
      %reduce_sum3A_859 = arith.constant true
      %reduce_sum3A_860 = vector.broadcast %reduce_sum3A_859 : i1 to vector<16xi1>
      %reduce_sum3A_861 = tpu.scan <sum>, %select_n3A_850 masked %reduce_sum3A_860 : vector<16xi32>, vector<16xi1> -> vector<16xi32>
      %reduce_sum3A_862 = vector.extract %reduce_sum3A_861[15] : i32 from vector<16xi32>
      %add3A_863 = arith.addi %add3A_648, %reduce_sum3A_862 : i32
      %eq3A_864 = arith.constant 5 : i32
      %eq3A_865 = vector.broadcast %eq3A_864 : i32 to vector<16xi32>
      %eq3A_866 = arith.cmpi eq, %get3A_758, %eq3A_865 : vector<16xi32>
      %jit3A_867 = arith.constant 1 : i32
      %jit3A_868 = arith.constant 0 : i32
      %broadcast_in_dim3A_869 = vector.broadcast %jit3A_867 : i32 to vector<16xi32>
      %broadcast_in_dim3A_870 = vector.broadcast %jit3A_868 : i32 to vector<16xi32>
      %select_n3A_871 = arith.select %eq3A_866, %broadcast_in_dim3A_869, %broadcast_in_dim3A_870 : vector<16xi1>, vector<16xi32>
      %broadcast_in_dim3A_872 = arith.constant true
      %broadcast_in_dim3A_873 = vector.broadcast %broadcast_in_dim3A_872 : i1 to vector<16xi1>
      %masked_cumsum3A_874 = tpu.scan <sum>, %select_n3A_871 masked %broadcast_in_dim3A_873 : vector<16xi32>, vector<16xi1> -> vector<16xi32>
      %sub3A_875 = arith.subi %masked_cumsum3A_874, %select_n3A_871 : vector<16xi32>
      %add3A_876 = vector.broadcast %add3A_669 : i32 to vector<16xi32>
      %add3A_877 = arith.addi %sub3A_875, %add3A_876 : vector<16xi32>
      %mul3A_878 = arith.muli %add3A_877, %select_n3A_871 : vector<16xi32>
      %add3A_879 = arith.addi %add3A_858, %mul3A_878 : vector<16xi32>
      %reduce_sum3A_880 = arith.constant true
      %reduce_sum3A_881 = vector.broadcast %reduce_sum3A_880 : i1 to vector<16xi1>
      %reduce_sum3A_882 = tpu.scan <sum>, %select_n3A_871 masked %reduce_sum3A_881 : vector<16xi32>, vector<16xi1> -> vector<16xi32>
      %reduce_sum3A_883 = vector.extract %reduce_sum3A_882[15] : i32 from vector<16xi32>
      %add3A_884 = arith.addi %add3A_669, %reduce_sum3A_883 : i32
      %eq3A_885 = arith.constant 6 : i32
      %eq3A_886 = vector.broadcast %eq3A_885 : i32 to vector<16xi32>
      %eq3A_887 = arith.cmpi eq, %get3A_758, %eq3A_886 : vector<16xi32>
      %jit3A_888 = arith.constant 1 : i32
      %jit3A_889 = arith.constant 0 : i32
      %broadcast_in_dim3A_890 = vector.broadcast %jit3A_888 : i32 to vector<16xi32>
      %broadcast_in_dim3A_891 = vector.broadcast %jit3A_889 : i32 to vector<16xi32>
      %select_n3A_892 = arith.select %eq3A_887, %broadcast_in_dim3A_890, %broadcast_in_dim3A_891 : vector<16xi1>, vector<16xi32>
      %broadcast_in_dim3A_893 = arith.constant true
      %broadcast_in_dim3A_894 = vector.broadcast %broadcast_in_dim3A_893 : i1 to vector<16xi1>
      %masked_cumsum3A_895 = tpu.scan <sum>, %select_n3A_892 masked %broadcast_in_dim3A_894 : vector<16xi32>, vector<16xi1> -> vector<16xi32>
      %sub3A_896 = arith.subi %masked_cumsum3A_895, %select_n3A_892 : vector<16xi32>
      %add3A_897 = vector.broadcast %add3A_690 : i32 to vector<16xi32>
      %add3A_898 = arith.addi %sub3A_896, %add3A_897 : vector<16xi32>
      %mul3A_899 = arith.muli %add3A_898, %select_n3A_892 : vector<16xi32>
      %add3A_900 = arith.addi %add3A_879, %mul3A_899 : vector<16xi32>
      %reduce_sum3A_901 = arith.constant true
      %reduce_sum3A_902 = vector.broadcast %reduce_sum3A_901 : i1 to vector<16xi1>
      %reduce_sum3A_903 = tpu.scan <sum>, %select_n3A_892 masked %reduce_sum3A_902 : vector<16xi32>, vector<16xi1> -> vector<16xi32>
      %reduce_sum3A_904 = vector.extract %reduce_sum3A_903[15] : i32 from vector<16xi32>
      %add3A_905 = arith.addi %add3A_690, %reduce_sum3A_904 : i32
      %eq3A_906 = arith.constant 7 : i32
      %eq3A_907 = vector.broadcast %eq3A_906 : i32 to vector<16xi32>
      %eq3A_908 = arith.cmpi eq, %get3A_758, %eq3A_907 : vector<16xi32>
      %jit3A_909 = arith.constant 1 : i32
      %jit3A_910 = arith.constant 0 : i32
      %broadcast_in_dim3A_911 = vector.broadcast %jit3A_909 : i32 to vector<16xi32>
      %broadcast_in_dim3A_912 = vector.broadcast %jit3A_910 : i32 to vector<16xi32>
      %select_n3A_913 = arith.select %eq3A_908, %broadcast_in_dim3A_911, %broadcast_in_dim3A_912 : vector<16xi1>, vector<16xi32>
      %broadcast_in_dim3A_914 = arith.constant true
      %broadcast_in_dim3A_915 = vector.broadcast %broadcast_in_dim3A_914 : i1 to vector<16xi1>
      %masked_cumsum3A_916 = tpu.scan <sum>, %select_n3A_913 masked %broadcast_in_dim3A_915 : vector<16xi32>, vector<16xi1> -> vector<16xi32>
      %sub3A_917 = arith.subi %masked_cumsum3A_916, %select_n3A_913 : vector<16xi32>
      %add3A_918 = vector.broadcast %add3A_711 : i32 to vector<16xi32>
      %add3A_919 = arith.addi %sub3A_917, %add3A_918 : vector<16xi32>
      %mul3A_920 = arith.muli %add3A_919, %select_n3A_913 : vector<16xi32>
      %add3A_921 = arith.addi %add3A_900, %mul3A_920 : vector<16xi32>
      %reduce_sum3A_922 = arith.constant true
      %reduce_sum3A_923 = vector.broadcast %reduce_sum3A_922 : i1 to vector<16xi1>
      %reduce_sum3A_924 = tpu.scan <sum>, %select_n3A_913 masked %reduce_sum3A_923 : vector<16xi32>, vector<16xi1> -> vector<16xi32>
      %reduce_sum3A_925 = vector.extract %reduce_sum3A_924[15] : i32 from vector<16xi32>
      %add3A_926 = arith.addi %add3A_711, %reduce_sum3A_925 : i32
      %swap3A_927 = arith.index_cast %scan3A_313 : i32 to index
      %swap3A_928 = arith.constant 32 : index
      %swap3A_929 = tpu.vector_load %arg9[%swap3A_927, %swap3A_928] {strides = array<i32>} : memref<4x64xi32, #tpu.memory_space<vmem>>, vector<16xi32>,
      tpu.vector_store %arg9[%swap3A_927, %swap3A_928], %add3A_921 {strides = array<i32>} : memref<4x64xi32, #tpu.memory_space<vmem>>, vector<16xi32>,
      %add3A_930 = arith.addi %mul3A_2, %add3A_755 : i32
      %add3A_931 = vector.broadcast %add3A_930 : i32 to vector<16xi32>
      %add3A_932 = arith.addi %add3A_931, %iota3A : vector<16xi32>
      %jit3A_933 = arith.constant 2 : i32
      %div3A_934 = vector.broadcast %jit3A_933 : i32 to vector<16xi32>
      %div3A_935 = arith.divsi %add3A_932, %div3A_934 : vector<16xi32>
      %sign3A_936 = arith.constant 0 : i32
      %sign3A_937 = vector.broadcast %sign3A_936 : i32 to vector<16xi32>
      %sign3A_938 = arith.cmpi sgt, %add3A_932, %sign3A_937 : vector<16xi32>
      %sign3A_939 = arith.extui %sign3A_938 : vector<16xi1> to vector<16xi32>
      %sign3A_940 = arith.constant 0 : i32
      %sign3A_941 = vector.broadcast %sign3A_940 : i32 to vector<16xi32>
      %sign3A_942 = arith.cmpi slt, %add3A_932, %sign3A_941 : vector<16xi32>
      %sign3A_943 = arith.extui %sign3A_942 : vector<16xi1> to vector<16xi32>
      %sign3A_944 = arith.subi %sign3A_939, %sign3A_943 : vector<16xi32>
      %sign3A_945 = arith.constant 0 : i32
      %sign3A_946 = arith.cmpi sgt, %jit3A_933, %sign3A_945 : i32
      %sign3A_947 = arith.extui %sign3A_946 : i1 to i32
      %sign3A_948 = arith.constant 0 : i32
      %sign3A_949 = arith.cmpi slt, %jit3A_933, %sign3A_948 : i32
      %sign3A_950 = arith.extui %sign3A_949 : i1 to i32
      %sign3A_951 = arith.subi %sign3A_947, %sign3A_950 : i32
      %ne3A_952 = vector.broadcast %sign3A_951 : i32 to vector<16xi32>
      %ne3A_953 = arith.cmpi ne, %sign3A_944, %ne3A_952 : vector<16xi32>
      %rem3A_954 = vector.broadcast %jit3A_933 : i32 to vector<16xi32>
      %rem3A_955 = arith.remsi %add3A_932, %rem3A_954 : vector<16xi32>
      %ne3A_956 = arith.constant 0 : i32
      %ne3A_957 = vector.broadcast %ne3A_956 : i32 to vector<16xi32>
      %ne3A_958 = arith.cmpi ne, %rem3A_955, %ne3A_957 : vector<16xi32>
      %and3A_959 = arith.andi %ne3A_953, %ne3A_958 : vector<16xi1>
      %sub3A_960 = arith.constant 1 : i32
      %sub3A_961 = vector.broadcast %sub3A_960 : i32 to vector<16xi32>
      %sub3A_962 = arith.subi %div3A_935, %sub3A_961 : vector<16xi32>
      %select_n3A_963 = arith.select %and3A_959, %sub3A_962, %div3A_935 : vector<16xi1>, vector<16xi32>
      %swap3A_964 = arith.index_cast %scan3A_313 : i32 to index
      %swap3A_965 = arith.constant 32 : index
      %swap3A_966 = tpu.vector_load %arg10[%swap3A_964, %swap3A_965] {strides = array<i32>} : memref<4x64xi32, #tpu.memory_space<vmem>>, vector<16xi32>,
      tpu.vector_store %arg10[%swap3A_964, %swap3A_965], %select_n3A_963 {strides = array<i32>} : memref<4x64xi32, #tpu.memory_space<vmem>>, vector<16xi32>,
      %mul3A_967 = arith.constant 64 : i32
      %mul3A_968 = arith.muli %scan3A_313, %mul3A_967 : i32
      %add3A_969 = arith.constant 48 : i32
      %add3A_970 = arith.addi %mul3A_968, %add3A_969 : i32
      %add3A_971 = arith.addi %mul3A_2, %add3A_970 : i32
      %get3A_972 = arith.index_cast %add3A_971 : i32 to index
      %get3A_973 = tpu.vector_load %arg8[%get3A_972] {strides = array<i32>} : memref<8192xi32, #tpu.memory_space<vmem>>, vector<16xi32>,
      %eq3A_974 = arith.constant 0 : i32
      %eq3A_975 = vector.broadcast %eq3A_974 : i32 to vector<16xi32>
      %eq3A_976 = arith.cmpi eq, %get3A_973, %eq3A_975 : vector<16xi32>
      %jit3A_977 = arith.constant 1 : i32
      %jit3A_978 = arith.constant 0 : i32
      %broadcast_in_dim3A_979 = vector.broadcast %jit3A_977 : i32 to vector<16xi32>
      %broadcast_in_dim3A_980 = vector.broadcast %jit3A_978 : i32 to vector<16xi32>
      %select_n3A_981 = arith.select %eq3A_976, %broadcast_in_dim3A_979, %broadcast_in_dim3A_980 : vector<16xi1>, vector<16xi32>
      %broadcast_in_dim3A_982 = arith.constant true
      %broadcast_in_dim3A_983 = vector.broadcast %broadcast_in_dim3A_982 : i1 to vector<16xi1>
      %masked_cumsum3A_984 = tpu.scan <sum>, %select_n3A_981 masked %broadcast_in_dim3A_983 : vector<16xi32>, vector<16xi1> -> vector<16xi32>
      %sub3A_985 = arith.subi %masked_cumsum3A_984, %select_n3A_981 : vector<16xi32>
      %add3A_986 = vector.broadcast %add3A_779 : i32 to vector<16xi32>
      %add3A_987 = arith.addi %sub3A_985, %add3A_986 : vector<16xi32>
      %mul3A_988 = arith.muli %add3A_987, %select_n3A_981 : vector<16xi32>
      %add3A_989 = arith.addi %broadcast_in_dim3A_3, %mul3A_988 : vector<16xi32>
      %reduce_sum3A_990 = arith.constant true
      %reduce_sum3A_991 = vector.broadcast %reduce_sum3A_990 : i1 to vector<16xi1>
      %reduce_sum3A_992 = tpu.scan <sum>, %select_n3A_981 masked %reduce_sum3A_991 : vector<16xi32>, vector<16xi1> -> vector<16xi32>
      %reduce_sum3A_993 = vector.extract %reduce_sum3A_992[15] : i32 from vector<16xi32>
      %add3A_994 = arith.addi %add3A_779, %reduce_sum3A_993 : i32
      %eq3A_995 = arith.constant 1 : i32
      %eq3A_996 = vector.broadcast %eq3A_995 : i32 to vector<16xi32>
      %eq3A_997 = arith.cmpi eq, %get3A_973, %eq3A_996 : vector<16xi32>
      %jit3A_998 = arith.constant 1 : i32
      %jit3A_999 = arith.constant 0 : i32
      %broadcast_in_dim3A_1000 = vector.broadcast %jit3A_998 : i32 to vector<16xi32>
      %broadcast_in_dim3A_1001 = vector.broadcast %jit3A_999 : i32 to vector<16xi32>
      %select_n3A_1002 = arith.select %eq3A_997, %broadcast_in_dim3A_1000, %broadcast_in_dim3A_1001 : vector<16xi1>, vector<16xi32>
      %broadcast_in_dim3A_1003 = arith.constant true
      %broadcast_in_dim3A_1004 = vector.broadcast %broadcast_in_dim3A_1003 : i1 to vector<16xi1>
      %masked_cumsum3A_1005 = tpu.scan <sum>, %select_n3A_1002 masked %broadcast_in_dim3A_1004 : vector<16xi32>, vector<16xi1> -> vector<16xi32>
      %sub3A_1006 = arith.subi %masked_cumsum3A_1005, %select_n3A_1002 : vector<16xi32>
      %add3A_1007 = vector.broadcast %add3A_800 : i32 to vector<16xi32>
      %add3A_1008 = arith.addi %sub3A_1006, %add3A_1007 : vector<16xi32>
      %mul3A_1009 = arith.muli %add3A_1008, %select_n3A_1002 : vector<16xi32>
      %add3A_1010 = arith.addi %add3A_989, %mul3A_1009 : vector<16xi32>
      %reduce_sum3A_1011 = arith.constant true
      %reduce_sum3A_1012 = vector.broadcast %reduce_sum3A_1011 : i1 to vector<16xi1>
      %reduce_sum3A_1013 = tpu.scan <sum>, %select_n3A_1002 masked %reduce_sum3A_1012 : vector<16xi32>, vector<16xi1> -> vector<16xi32>
      %reduce_sum3A_1014 = vector.extract %reduce_sum3A_1013[15] : i32 from vector<16xi32>
      %add3A_1015 = arith.addi %add3A_800, %reduce_sum3A_1014 : i32
      %eq3A_1016 = arith.constant 2 : i32
      %eq3A_1017 = vector.broadcast %eq3A_1016 : i32 to vector<16xi32>
      %eq3A_1018 = arith.cmpi eq, %get3A_973, %eq3A_1017 : vector<16xi32>
      %jit3A_1019 = arith.constant 1 : i32
      %jit3A_1020 = arith.constant 0 : i32
      %broadcast_in_dim3A_1021 = vector.broadcast %jit3A_1019 : i32 to vector<16xi32>
      %broadcast_in_dim3A_1022 = vector.broadcast %jit3A_1020 : i32 to vector<16xi32>
      %select_n3A_1023 = arith.select %eq3A_1018, %broadcast_in_dim3A_1021, %broadcast_in_dim3A_1022 : vector<16xi1>, vector<16xi32>
      %broadcast_in_dim3A_1024 = arith.constant true
      %broadcast_in_dim3A_1025 = vector.broadcast %broadcast_in_dim3A_1024 : i1 to vector<16xi1>
      %masked_cumsum3A_1026 = tpu.scan <sum>, %select_n3A_1023 masked %broadcast_in_dim3A_1025 : vector<16xi32>, vector<16xi1> -> vector<16xi32>
      %sub3A_1027 = arith.subi %masked_cumsum3A_1026, %select_n3A_1023 : vector<16xi32>
      %add3A_1028 = vector.broadcast %add3A_821 : i32 to vector<16xi32>
      %add3A_1029 = arith.addi %sub3A_1027, %add3A_1028 : vector<16xi32>
      %mul3A_1030 = arith.muli %add3A_1029, %select_n3A_1023 : vector<16xi32>
      %add3A_1031 = arith.addi %add3A_1010, %mul3A_1030 : vector<16xi32>
      %reduce_sum3A_1032 = arith.constant true
      %reduce_sum3A_1033 = vector.broadcast %reduce_sum3A_1032 : i1 to vector<16xi1>
      %reduce_sum3A_1034 = tpu.scan <sum>, %select_n3A_1023 masked %reduce_sum3A_1033 : vector<16xi32>, vector<16xi1> -> vector<16xi32>
      %reduce_sum3A_1035 = vector.extract %reduce_sum3A_1034[15] : i32 from vector<16xi32>
      %add3A_1036 = arith.addi %add3A_821, %reduce_sum3A_1035 : i32
      %eq3A_1037 = arith.constant 3 : i32
      %eq3A_1038 = vector.broadcast %eq3A_1037 : i32 to vector<16xi32>
      %eq3A_1039 = arith.cmpi eq, %get3A_973, %eq3A_1038 : vector<16xi32>
      %jit3A_1040 = arith.constant 1 : i32
      %jit3A_1041 = arith.constant 0 : i32
      %broadcast_in_dim3A_1042 = vector.broadcast %jit3A_1040 : i32 to vector<16xi32>
      %broadcast_in_dim3A_1043 = vector.broadcast %jit3A_1041 : i32 to vector<16xi32>
      %select_n3A_1044 = arith.select %eq3A_1039, %broadcast_in_dim3A_1042, %broadcast_in_dim3A_1043 : vector<16xi1>, vector<16xi32>
      %broadcast_in_dim3A_1045 = arith.constant true
      %broadcast_in_dim3A_1046 = vector.broadcast %broadcast_in_dim3A_1045 : i1 to vector<16xi1>
      %masked_cumsum3A_1047 = tpu.scan <sum>, %select_n3A_1044 masked %broadcast_in_dim3A_1046 : vector<16xi32>, vector<16xi1> -> vector<16xi32>
      %sub3A_1048 = arith.subi %masked_cumsum3A_1047, %select_n3A_1044 : vector<16xi32>
      %add3A_1049 = vector.broadcast %add3A_842 : i32 to vector<16xi32>
      %add3A_1050 = arith.addi %sub3A_1048, %add3A_1049 : vector<16xi32>
      %mul3A_1051 = arith.muli %add3A_1050, %select_n3A_1044 : vector<16xi32>
      %add3A_1052 = arith.addi %add3A_1031, %mul3A_1051 : vector<16xi32>
      %reduce_sum3A_1053 = arith.constant true
      %reduce_sum3A_1054 = vector.broadcast %reduce_sum3A_1053 : i1 to vector<16xi1>
      %reduce_sum3A_1055 = tpu.scan <sum>, %select_n3A_1044 masked %reduce_sum3A_1054 : vector<16xi32>, vector<16xi1> -> vector<16xi32>
      %reduce_sum3A_1056 = vector.extract %reduce_sum3A_1055[15] : i32 from vector<16xi32>
      %add3A_1057 = arith.addi %add3A_842, %reduce_sum3A_1056 : i32
      %eq3A_1058 = arith.constant 4 : i32
      %eq3A_1059 = vector.broadcast %eq3A_1058 : i32 to vector<16xi32>
      %eq3A_1060 = arith.cmpi eq, %get3A_973, %eq3A_1059 : vector<16xi32>
      %jit3A_1061 = arith.constant 1 : i32
      %jit3A_1062 = arith.constant 0 : i32
      %broadcast_in_dim3A_1063 = vector.broadcast %jit3A_1061 : i32 to vector<16xi32>
      %broadcast_in_dim3A_1064 = vector.broadcast %jit3A_1062 : i32 to vector<16xi32>
      %select_n3A_1065 = arith.select %eq3A_1060, %broadcast_in_dim3A_1063, %broadcast_in_dim3A_1064 : vector<16xi1>, vector<16xi32>
      %broadcast_in_dim3A_1066 = arith.constant true
      %broadcast_in_dim3A_1067 = vector.broadcast %broadcast_in_dim3A_1066 : i1 to vector<16xi1>
      %masked_cumsum3A_1068 = tpu.scan <sum>, %select_n3A_1065 masked %broadcast_in_dim3A_1067 : vector<16xi32>, vector<16xi1> -> vector<16xi32>
      %sub3A_1069 = arith.subi %masked_cumsum3A_1068, %select_n3A_1065 : vector<16xi32>
      %add3A_1070 = vector.broadcast %add3A_863 : i32 to vector<16xi32>
      %add3A_1071 = arith.addi %sub3A_1069, %add3A_1070 : vector<16xi32>
      %mul3A_1072 = arith.muli %add3A_1071, %select_n3A_1065 : vector<16xi32>
      %add3A_1073 = arith.addi %add3A_1052, %mul3A_1072 : vector<16xi32>
      %reduce_sum3A_1074 = arith.constant true
      %reduce_sum3A_1075 = vector.broadcast %reduce_sum3A_1074 : i1 to vector<16xi1>
      %reduce_sum3A_1076 = tpu.scan <sum>, %select_n3A_1065 masked %reduce_sum3A_1075 : vector<16xi32>, vector<16xi1> -> vector<16xi32>
      %reduce_sum3A_1077 = vector.extract %reduce_sum3A_1076[15] : i32 from vector<16xi32>
      %add3A_1078 = arith.addi %add3A_863, %reduce_sum3A_1077 : i32
      %eq3A_1079 = arith.constant 5 : i32
      %eq3A_1080 = vector.broadcast %eq3A_1079 : i32 to vector<16xi32>
      %eq3A_1081 = arith.cmpi eq, %get3A_973, %eq3A_1080 : vector<16xi32>
      %jit3A_1082 = arith.constant 1 : i32
      %jit3A_1083 = arith.constant 0 : i32
      %broadcast_in_dim3A_1084 = vector.broadcast %jit3A_1082 : i32 to vector<16xi32>
      %broadcast_in_dim3A_1085 = vector.broadcast %jit3A_1083 : i32 to vector<16xi32>
      %select_n3A_1086 = arith.select %eq3A_1081, %broadcast_in_dim3A_1084, %broadcast_in_dim3A_1085 : vector<16xi1>, vector<16xi32>
      %broadcast_in_dim3A_1087 = arith.constant true
      %broadcast_in_dim3A_1088 = vector.broadcast %broadcast_in_dim3A_1087 : i1 to vector<16xi1>
      %masked_cumsum3A_1089 = tpu.scan <sum>, %select_n3A_1086 masked %broadcast_in_dim3A_1088 : vector<16xi32>, vector<16xi1> -> vector<16xi32>
      %sub3A_1090 = arith.subi %masked_cumsum3A_1089, %select_n3A_1086 : vector<16xi32>
      %add3A_1091 = vector.broadcast %add3A_884 : i32 to vector<16xi32>
      %add3A_1092 = arith.addi %sub3A_1090, %add3A_1091 : vector<16xi32>
      %mul3A_1093 = arith.muli %add3A_1092, %select_n3A_1086 : vector<16xi32>
      %add3A_1094 = arith.addi %add3A_1073, %mul3A_1093 : vector<16xi32>
      %reduce_sum3A_1095 = arith.constant true
      %reduce_sum3A_1096 = vector.broadcast %reduce_sum3A_1095 : i1 to vector<16xi1>
      %reduce_sum3A_1097 = tpu.scan <sum>, %select_n3A_1086 masked %reduce_sum3A_1096 : vector<16xi32>, vector<16xi1> -> vector<16xi32>
      %reduce_sum3A_1098 = vector.extract %reduce_sum3A_1097[15] : i32 from vector<16xi32>
      %add3A_1099 = arith.addi %add3A_884, %reduce_sum3A_1098 : i32
      %eq3A_1100 = arith.constant 6 : i32
      %eq3A_1101 = vector.broadcast %eq3A_1100 : i32 to vector<16xi32>
      %eq3A_1102 = arith.cmpi eq, %get3A_973, %eq3A_1101 : vector<16xi32>
      %jit3A_1103 = arith.constant 1 : i32
      %jit3A_1104 = arith.constant 0 : i32
      %broadcast_in_dim3A_1105 = vector.broadcast %jit3A_1103 : i32 to vector<16xi32>
      %broadcast_in_dim3A_1106 = vector.broadcast %jit3A_1104 : i32 to vector<16xi32>
      %select_n3A_1107 = arith.select %eq3A_1102, %broadcast_in_dim3A_1105, %broadcast_in_dim3A_1106 : vector<16xi1>, vector<16xi32>
      %broadcast_in_dim3A_1108 = arith.constant true
      %broadcast_in_dim3A_1109 = vector.broadcast %broadcast_in_dim3A_1108 : i1 to vector<16xi1>
      %masked_cumsum3A_1110 = tpu.scan <sum>, %select_n3A_1107 masked %broadcast_in_dim3A_1109 : vector<16xi32>, vector<16xi1> -> vector<16xi32>
      %sub3A_1111 = arith.subi %masked_cumsum3A_1110, %select_n3A_1107 : vector<16xi32>
      %add3A_1112 = vector.broadcast %add3A_905 : i32 to vector<16xi32>
      %add3A_1113 = arith.addi %sub3A_1111, %add3A_1112 : vector<16xi32>
      %mul3A_1114 = arith.muli %add3A_1113, %select_n3A_1107 : vector<16xi32>
      %add3A_1115 = arith.addi %add3A_1094, %mul3A_1114 : vector<16xi32>
      %reduce_sum3A_1116 = arith.constant true
      %reduce_sum3A_1117 = vector.broadcast %reduce_sum3A_1116 : i1 to vector<16xi1>
      %reduce_sum3A_1118 = tpu.scan <sum>, %select_n3A_1107 masked %reduce_sum3A_1117 : vector<16xi32>, vector<16xi1> -> vector<16xi32>
      %reduce_sum3A_1119 = vector.extract %reduce_sum3A_1118[15] : i32 from vector<16xi32>
      %add3A_1120 = arith.addi %add3A_905, %reduce_sum3A_1119 : i32
      %eq3A_1121 = arith.constant 7 : i32
      %eq3A_1122 = vector.broadcast %eq3A_1121 : i32 to vector<16xi32>
      %eq3A_1123 = arith.cmpi eq, %get3A_973, %eq3A_1122 : vector<16xi32>
      %jit3A_1124 = arith.constant 1 : i32
      %jit3A_1125 = arith.constant 0 : i32
      %broadcast_in_dim3A_1126 = vector.broadcast %jit3A_1124 : i32 to vector<16xi32>
      %broadcast_in_dim3A_1127 = vector.broadcast %jit3A_1125 : i32 to vector<16xi32>
      %select_n3A_1128 = arith.select %eq3A_1123, %broadcast_in_dim3A_1126, %broadcast_in_dim3A_1127 : vector<16xi1>, vector<16xi32>
      %broadcast_in_dim3A_1129 = arith.constant true
      %broadcast_in_dim3A_1130 = vector.broadcast %broadcast_in_dim3A_1129 : i1 to vector<16xi1>
      %masked_cumsum3A_1131 = tpu.scan <sum>, %select_n3A_1128 masked %broadcast_in_dim3A_1130 : vector<16xi32>, vector<16xi1> -> vector<16xi32>
      %sub3A_1132 = arith.subi %masked_cumsum3A_1131, %select_n3A_1128 : vector<16xi32>
      %add3A_1133 = vector.broadcast %add3A_926 : i32 to vector<16xi32>
      %add3A_1134 = arith.addi %sub3A_1132, %add3A_1133 : vector<16xi32>
      %mul3A_1135 = arith.muli %add3A_1134, %select_n3A_1128 : vector<16xi32>
      %add3A_1136 = arith.addi %add3A_1115, %mul3A_1135 : vector<16xi32>
      %reduce_sum3A_1137 = arith.constant true
      %reduce_sum3A_1138 = vector.broadcast %reduce_sum3A_1137 : i1 to vector<16xi1>
      %reduce_sum3A_1139 = tpu.scan <sum>, %select_n3A_1128 masked %reduce_sum3A_1138 : vector<16xi32>, vector<16xi1> -> vector<16xi32>
      %reduce_sum3A_1140 = vector.extract %reduce_sum3A_1139[15] : i32 from vector<16xi32>
      %add3A_1141 = arith.addi %add3A_926, %reduce_sum3A_1140 : i32
      %swap3A_1142 = arith.index_cast %scan3A_313 : i32 to index
      %swap3A_1143 = arith.constant 48 : index
      %swap3A_1144 = tpu.vector_load %arg9[%swap3A_1142, %swap3A_1143] {strides = array<i32>} : memref<4x64xi32, #tpu.memory_space<vmem>>, vector<16xi32>,
      tpu.vector_store %arg9[%swap3A_1142, %swap3A_1143], %add3A_1136 {strides = array<i32>} : memref<4x64xi32, #tpu.memory_space<vmem>>, vector<16xi32>,
      %add3A_1145 = arith.addi %mul3A_2, %add3A_970 : i32
      %add3A_1146 = vector.broadcast %add3A_1145 : i32 to vector<16xi32>
      %add3A_1147 = arith.addi %add3A_1146, %iota3A : vector<16xi32>
      %jit3A_1148 = arith.constant 2 : i32
      %div3A_1149 = vector.broadcast %jit3A_1148 : i32 to vector<16xi32>
      %div3A_1150 = arith.divsi %add3A_1147, %div3A_1149 : vector<16xi32>
      %sign3A_1151 = arith.constant 0 : i32
      %sign3A_1152 = vector.broadcast %sign3A_1151 : i32 to vector<16xi32>
      %sign3A_1153 = arith.cmpi sgt, %add3A_1147, %sign3A_1152 : vector<16xi32>
      %sign3A_1154 = arith.extui %sign3A_1153 : vector<16xi1> to vector<16xi32>
      %sign3A_1155 = arith.constant 0 : i32
      %sign3A_1156 = vector.broadcast %sign3A_1155 : i32 to vector<16xi32>
      %sign3A_1157 = arith.cmpi slt, %add3A_1147, %sign3A_1156 : vector<16xi32>
      %sign3A_1158 = arith.extui %sign3A_1157 : vector<16xi1> to vector<16xi32>
      %sign3A_1159 = arith.subi %sign3A_1154, %sign3A_1158 : vector<16xi32>
      %sign3A_1160 = arith.constant 0 : i32
      %sign3A_1161 = arith.cmpi sgt, %jit3A_1148, %sign3A_1160 : i32
      %sign3A_1162 = arith.extui %sign3A_1161 : i1 to i32
      %sign3A_1163 = arith.constant 0 : i32
      %sign3A_1164 = arith.cmpi slt, %jit3A_1148, %sign3A_1163 : i32
      %sign3A_1165 = arith.extui %sign3A_1164 : i1 to i32
      %sign3A_1166 = arith.subi %sign3A_1162, %sign3A_1165 : i32
      %ne3A_1167 = vector.broadcast %sign3A_1166 : i32 to vector<16xi32>
      %ne3A_1168 = arith.cmpi ne, %sign3A_1159, %ne3A_1167 : vector<16xi32>
      %rem3A_1169 = vector.broadcast %jit3A_1148 : i32 to vector<16xi32>
      %rem3A_1170 = arith.remsi %add3A_1147, %rem3A_1169 : vector<16xi32>
      %ne3A_1171 = arith.constant 0 : i32
      %ne3A_1172 = vector.broadcast %ne3A_1171 : i32 to vector<16xi32>
      %ne3A_1173 = arith.cmpi ne, %rem3A_1170, %ne3A_1172 : vector<16xi32>
      %and3A_1174 = arith.andi %ne3A_1168, %ne3A_1173 : vector<16xi1>
      %sub3A_1175 = arith.constant 1 : i32
      %sub3A_1176 = vector.broadcast %sub3A_1175 : i32 to vector<16xi32>
      %sub3A_1177 = arith.subi %div3A_1150, %sub3A_1176 : vector<16xi32>
      %select_n3A_1178 = arith.select %and3A_1174, %sub3A_1177, %div3A_1150 : vector<16xi1>, vector<16xi32>
      %swap3A_1179 = arith.index_cast %scan3A_313 : i32 to index
      %swap3A_1180 = arith.constant 48 : index
      %swap3A_1181 = tpu.vector_load %arg10[%swap3A_1179, %swap3A_1180] {strides = array<i32>} : memref<4x64xi32, #tpu.memory_space<vmem>>, vector<16xi32>,
      tpu.vector_store %arg10[%swap3A_1179, %swap3A_1180], %select_n3A_1178 {strides = array<i32>} : memref<4x64xi32, #tpu.memory_space<vmem>>, vector<16xi32>,
      scf.yield %add3A_994, %add3A_1015, %add3A_1036, %add3A_1057, %add3A_1078, %add3A_1099, %add3A_1120, %add3A_1141 : i32, i32, i32, i32, i32, i32, i32, i32
    }
    %scan3A_304 = arith.constant 4 : i32
    %mul3A_305 = arith.constant 4 : i32
    %mul3A_306 = arith.muli %add3A, %mul3A_305 : i32
    "tpu.region"() ({
      %run_scoped3A = tpu.sem_alloc : memref<!tpu.dma_semaphore, #tpu.memory_space<semaphore_mem>>
      %dma_start3A = arith.constant 0 : i32
      %dma_start3A_313 = tpu.memref_slice %arg4[%mul3A_306, %dma_start3A] : memref<128x64xi32, #tpu.memory_space<hbm>> -> memref<4x64xi32, #tpu.memory_space<hbm>>
      %dma_start3A_314 = arith.constant 0 : i32
      %dma_start3A_315 = tpu.memref_slice %arg4[%mul3A_306, %dma_start3A_314] : memref<128x64xi32, #tpu.memory_space<hbm>> -> memref<4x64xi32, #tpu.memory_space<hbm>>
      tpu.enqueue_dma source(%arg9 : memref<4x64xi32, #tpu.memory_space<vmem>>) target(%dma_start3A_315 : memref<4x64xi32, #tpu.memory_space<hbm>>) target_semaphore(%run_scoped3A : memref<!tpu.dma_semaphore, #tpu.memory_space<semaphore_mem>>)
      %dma_wait3A = arith.constant 0 : i32
      %dma_wait3A_316 = tpu.memref_slice %arg4[%mul3A_306, %dma_wait3A] : memref<128x64xi32, #tpu.memory_space<hbm>> -> memref<4x64xi32, #tpu.memory_space<hbm>>
      %dma_wait3A_317 = arith.constant 0 : i32
      %dma_wait3A_318 = tpu.memref_slice %arg4[%mul3A_306, %dma_wait3A_317] : memref<128x64xi32, #tpu.memory_space<hbm>> -> memref<4x64xi32, #tpu.memory_space<hbm>>
      tpu.wait_dma2 semaphore(%run_scoped3A : memref<!tpu.dma_semaphore, #tpu.memory_space<semaphore_mem>>) src(%arg9 : memref<4x64xi32, #tpu.memory_space<vmem>>) dst(%dma_wait3A_318 : memref<4x64xi32, #tpu.memory_space<hbm>>)
      tpu.yield
    }) : () -> ()
    %scan3A_307 = arith.constant 0 : i32
    %scan3A_308 = arith.constant 0 : i32
    %scan3A_309 = arith.constant 4 : i32
    %scan3A_310 = arith.addi %scan3A_308, %scan3A_309 : i32
    %scan3A_311 = arith.constant 1 : i32
    scf.for %scan3A_313 = %scan3A_308 to %scan3A_310 step %scan3A_311  : i32 {
      %dma_start3A = arith.constant 0 : i32
      %dma_start3A_314 = tpu.memref_slice %arg10[%scan3A_313, %dma_start3A] : memref<4x64xi32, #tpu.memory_space<vmem>> -> memref<1x64xi32, #tpu.memory_space<vmem>>
      %dma_start3A_315 = tpu.memref_squeeze %dma_start3A_314 : memref<1x64xi32, #tpu.memory_space<vmem>> -> memref<64xi32, #tpu.memory_space<vmem>>
      %dma_start3A_316 = arith.constant 0 : i32
      %dma_start3A_317 = arith.constant 0 : i32
      %dma_start3A_318 = tpu.memref_slice %arg3[%dma_start3A_316, %dma_start3A_317] : memref<4096x1024xf32, #tpu.memory_space<hbm>> -> memref<4096x1024xf32, #tpu.memory_space<hbm>>
      tpu.enqueue_indirect_dma source(%dma_start3A_318 : memref<4096x1024xf32, #tpu.memory_space<hbm>>) target(%arg14 : memref<64x1024xf32, #tpu.memory_space<vmem>>) offsets(%dma_start3A_315 : memref<64xi32, #tpu.memory_space<vmem>>) semaphore(%arg15 : memref<!tpu.dma_semaphore, #tpu.memory_space<semaphore_mem>>)
      %dma_wait3A = arith.constant 0 : i32
      %dma_wait3A_319 = tpu.memref_slice %arg10[%scan3A_313, %dma_wait3A] : memref<4x64xi32, #tpu.memory_space<vmem>> -> memref<1x64xi32, #tpu.memory_space<vmem>>
      %dma_wait3A_320 = tpu.memref_squeeze %dma_wait3A_319 : memref<1x64xi32, #tpu.memory_space<vmem>> -> memref<64xi32, #tpu.memory_space<vmem>>
      %dma_wait3A_321 = arith.constant 0 : i32
      %dma_wait3A_322 = arith.constant 0 : i32
      %dma_wait3A_323 = tpu.memref_slice %arg3[%dma_wait3A_321, %dma_wait3A_322] : memref<4096x1024xf32, #tpu.memory_space<hbm>> -> memref<4096x1024xf32, #tpu.memory_space<hbm>>
      tpu.wait_indirect_dma semaphore(%arg15 : memref<!tpu.dma_semaphore, #tpu.memory_space<semaphore_mem>>) src(%dma_wait3A_323 : memref<4096x1024xf32, #tpu.memory_space<hbm>>) dst(%arg14 : memref<64x1024xf32, #tpu.memory_space<vmem>>)
      %dma_start3A_324 = arith.constant 0 : i32
      %dma_start3A_325 = tpu.memref_slice %arg9[%scan3A_313, %dma_start3A_324] : memref<4x64xi32, #tpu.memory_space<vmem>> -> memref<1x64xi32, #tpu.memory_space<vmem>>
      %dma_start3A_326 = tpu.memref_squeeze %dma_start3A_325 : memref<1x64xi32, #tpu.memory_space<vmem>> -> memref<64xi32, #tpu.memory_space<vmem>>
      %dma_start3A_327 = arith.constant 0 : i32
      %dma_start3A_328 = arith.constant 0 : i32
      %dma_start3A_329 = tpu.memref_slice %arg7[%dma_start3A_327, %dma_start3A_328] : memref<12288x1024xf32, #tpu.memory_space<hbm>> -> memref<12288x1024xf32, #tpu.memory_space<hbm>>
      tpu.enqueue_indirect_dma source(%arg14 : memref<64x1024xf32, #tpu.memory_space<vmem>>) target(%dma_start3A_329 : memref<12288x1024xf32, #tpu.memory_space<hbm>>) offsets(%dma_start3A_326 : memref<64xi32, #tpu.memory_space<vmem>>) semaphore(%arg16 : memref<!tpu.dma_semaphore, #tpu.memory_space<semaphore_mem>>)
      %dma_wait3A_330 = arith.constant 0 : i32
      %dma_wait3A_331 = tpu.memref_slice %arg9[%scan3A_313, %dma_wait3A_330] : memref<4x64xi32, #tpu.memory_space<vmem>> -> memref<1x64xi32, #tpu.memory_space<vmem>>
      %dma_wait3A_332 = tpu.memref_squeeze %dma_wait3A_331 : memref<1x64xi32, #tpu.memory_space<vmem>> -> memref<64xi32, #tpu.memory_space<vmem>>
      %dma_wait3A_333 = arith.constant 0 : i32
      %dma_wait3A_334 = arith.constant 0 : i32
      %dma_wait3A_335 = tpu.memref_slice %arg7[%dma_wait3A_333, %dma_wait3A_334] : memref<12288x1024xf32, #tpu.memory_space<hbm>> -> memref<12288x1024xf32, #tpu.memory_space<hbm>>
      tpu.wait_indirect_dma semaphore(%arg16 : memref<!tpu.dma_semaphore, #tpu.memory_space<semaphore_mem>>) src(%arg14 : memref<64x1024xf32, #tpu.memory_space<vmem>>) dst(%dma_wait3A_335 : memref<12288x1024xf32, #tpu.memory_space<hbm>>)
    }
    %scan3A_312 = arith.constant 4 : i32
    return
  }
}

#map = affine_map<(d0, d1) -> (0, 0)>
module attributes {stable_mosaic.version = 14 : i64} {
  func.func @_regather_body(%arg0: i32, %arg1: i32, %arg2: memref<12288x1024xf32, #tpu.memory_space<hbm>>, %arg3: memref<128x64xi32, #tpu.memory_space<hbm>>, %arg4: memref<8192x1024xf32, #tpu.memory_space<hbm>>, %arg5: memref<4x64xi32, #tpu.memory_space<vmem>>, %arg6: memref<64x1024xf32, #tpu.memory_space<vmem>>, %arg7: memref<!tpu.dma_semaphore, #tpu.memory_space<semaphore_mem>>) attributes {dimension_semantics = [#tpu.dimension_semantics<core_parallel>, #tpu.dimension_semantics<subcore_parallel>], iteration_bounds = array<i64: 2, 16>, scalar_prefetch = 0 : i64, scratch_operands = 3 : i64, tpu.core_type = #tpu.core_type<sc_vector_subcore>, window_params = [{transform_indices = #map}, {transform_indices = #map}, {transform_indices = #map}]} {
    %mul3A = arith.constant 2 : i32
    %mul3A_0 = arith.muli %arg1, %mul3A : i32
    %add3A = arith.addi %mul3A_0, %arg0 : i32
    %mul3A_1 = arith.constant 4 : i32
    %mul3A_2 = arith.muli %add3A, %mul3A_1 : i32
    "tpu.region"() ({
      %run_scoped3A = tpu.sem_alloc : memref<!tpu.dma_semaphore, #tpu.memory_space<semaphore_mem>>
      %dma_start3A = arith.constant 0 : i32
      %dma_start3A_8 = tpu.memref_slice %arg3[%mul3A_2, %dma_start3A] : memref<128x64xi32, #tpu.memory_space<hbm>> -> memref<4x64xi32, #tpu.memory_space<hbm>>
      %dma_start3A_9 = arith.constant 0 : i32
      %dma_start3A_10 = tpu.memref_slice %arg3[%mul3A_2, %dma_start3A_9] : memref<128x64xi32, #tpu.memory_space<hbm>> -> memref<4x64xi32, #tpu.memory_space<hbm>>
      tpu.enqueue_dma source(%dma_start3A_10 : memref<4x64xi32, #tpu.memory_space<hbm>>) target(%arg5 : memref<4x64xi32, #tpu.memory_space<vmem>>) target_semaphore(%run_scoped3A : memref<!tpu.dma_semaphore, #tpu.memory_space<semaphore_mem>>)
      %dma_wait3A = arith.constant 0 : i32
      %dma_wait3A_11 = tpu.memref_slice %arg3[%mul3A_2, %dma_wait3A] : memref<128x64xi32, #tpu.memory_space<hbm>> -> memref<4x64xi32, #tpu.memory_space<hbm>>
      %dma_wait3A_12 = arith.constant 0 : i32
      %dma_wait3A_13 = tpu.memref_slice %arg3[%mul3A_2, %dma_wait3A_12] : memref<128x64xi32, #tpu.memory_space<hbm>> -> memref<4x64xi32, #tpu.memory_space<hbm>>
      tpu.wait_dma2 semaphore(%run_scoped3A : memref<!tpu.dma_semaphore, #tpu.memory_space<semaphore_mem>>) src(%dma_wait3A_13 : memref<4x64xi32, #tpu.memory_space<hbm>>) dst(%arg5 : memref<4x64xi32, #tpu.memory_space<vmem>>)
      tpu.yield
    }) : () -> ()
    %scan3A = arith.constant 0 : i32
    %scan3A_3 = arith.constant 0 : i32
    %scan3A_4 = arith.constant 4 : i32
    %scan3A_5 = arith.addi %scan3A_3, %scan3A_4 : i32
    %scan3A_6 = arith.constant 1 : i32
    scf.for %scan3A_8 = %scan3A_3 to %scan3A_5 step %scan3A_6  : i32 {
      %dma_start3A = arith.constant 0 : i32
      %dma_start3A_9 = tpu.memref_slice %arg5[%scan3A_8, %dma_start3A] : memref<4x64xi32, #tpu.memory_space<vmem>> -> memref<1x64xi32, #tpu.memory_space<vmem>>
      %dma_start3A_10 = tpu.memref_squeeze %dma_start3A_9 : memref<1x64xi32, #tpu.memory_space<vmem>> -> memref<64xi32, #tpu.memory_space<vmem>>
      %dma_start3A_11 = arith.constant 0 : i32
      %dma_start3A_12 = arith.constant 0 : i32
      %dma_start3A_13 = tpu.memref_slice %arg2[%dma_start3A_11, %dma_start3A_12] : memref<12288x1024xf32, #tpu.memory_space<hbm>> -> memref<12288x1024xf32, #tpu.memory_space<hbm>>
      tpu.enqueue_indirect_dma source(%dma_start3A_13 : memref<12288x1024xf32, #tpu.memory_space<hbm>>) target(%arg6 : memref<64x1024xf32, #tpu.memory_space<vmem>>) offsets(%dma_start3A_10 : memref<64xi32, #tpu.memory_space<vmem>>) semaphore(%arg7 : memref<!tpu.dma_semaphore, #tpu.memory_space<semaphore_mem>>)
      %dma_wait3A = arith.constant 0 : i32
      %dma_wait3A_14 = tpu.memref_slice %arg5[%scan3A_8, %dma_wait3A] : memref<4x64xi32, #tpu.memory_space<vmem>> -> memref<1x64xi32, #tpu.memory_space<vmem>>
      %dma_wait3A_15 = tpu.memref_squeeze %dma_wait3A_14 : memref<1x64xi32, #tpu.memory_space<vmem>> -> memref<64xi32, #tpu.memory_space<vmem>>
      %dma_wait3A_16 = arith.constant 0 : i32
      %dma_wait3A_17 = arith.constant 0 : i32
      %dma_wait3A_18 = tpu.memref_slice %arg2[%dma_wait3A_16, %dma_wait3A_17] : memref<12288x1024xf32, #tpu.memory_space<hbm>> -> memref<12288x1024xf32, #tpu.memory_space<hbm>>
      tpu.wait_indirect_dma semaphore(%arg7 : memref<!tpu.dma_semaphore, #tpu.memory_space<semaphore_mem>>) src(%dma_wait3A_18 : memref<12288x1024xf32, #tpu.memory_space<hbm>>) dst(%arg6 : memref<64x1024xf32, #tpu.memory_space<vmem>>)
      %mul3A_19 = arith.constant 256 : i32
      %mul3A_20 = arith.muli %add3A, %mul3A_19 : i32
      %mul3A_21 = arith.constant 64 : i32
      %mul3A_22 = arith.muli %scan3A_8, %mul3A_21 : i32
      %add3A_23 = arith.addi %mul3A_20, %mul3A_22 : i32
      "tpu.region"() ({
        %run_scoped3A = tpu.sem_alloc : memref<!tpu.dma_semaphore, #tpu.memory_space<semaphore_mem>>
        %dma_start3A_24 = arith.constant 0 : i32
        %dma_start3A_25 = tpu.memref_slice %arg4[%add3A_23, %dma_start3A_24] : memref<8192x1024xf32, #tpu.memory_space<hbm>> -> memref<64x1024xf32, #tpu.memory_space<hbm>>
        %dma_start3A_26 = arith.constant 0 : i32
        %dma_start3A_27 = tpu.memref_slice %arg4[%add3A_23, %dma_start3A_26] : memref<8192x1024xf32, #tpu.memory_space<hbm>> -> memref<64x1024xf32, #tpu.memory_space<hbm>>
        tpu.enqueue_dma source(%arg6 : memref<64x1024xf32, #tpu.memory_space<vmem>>) target(%dma_start3A_27 : memref<64x1024xf32, #tpu.memory_space<hbm>>) target_semaphore(%run_scoped3A : memref<!tpu.dma_semaphore, #tpu.memory_space<semaphore_mem>>)
        %dma_wait3A_28 = arith.constant 0 : i32
        %dma_wait3A_29 = tpu.memref_slice %arg4[%add3A_23, %dma_wait3A_28] : memref<8192x1024xf32, #tpu.memory_space<hbm>> -> memref<64x1024xf32, #tpu.memory_space<hbm>>
        %dma_wait3A_30 = arith.constant 0 : i32
        %dma_wait3A_31 = tpu.memref_slice %arg4[%add3A_23, %dma_wait3A_30] : memref<8192x1024xf32, #tpu.memory_space<hbm>> -> memref<64x1024xf32, #tpu.memory_space<hbm>>
        tpu.wait_dma2 semaphore(%run_scoped3A : memref<!tpu.dma_semaphore, #tpu.memory_space<semaphore_mem>>) src(%arg6 : memref<64x1024xf32, #tpu.memory_space<vmem>>) dst(%dma_wait3A_31 : memref<64x1024xf32, #tpu.memory_space<hbm>>)
        tpu.yield
      }) : () -> ()
    }
    %scan3A_7 = arith.constant 4 : i32
    return
  }
}

module attributes {stable_mosaic.version = 14 : i64} {
  func.func @_router_body(%arg0: i32, %arg1: memref<256x1024xf32, #tpu.memory_space<vmem>>, %arg2: memref<8x1024xf32, #tpu.memory_space<vmem>>, %arg3: memref<256x2xi32, #tpu.memory_space<vmem>>, %arg4: memref<256x2xf32, #tpu.memory_space<vmem>>) attributes {dimension_semantics = [#tpu.dimension_semantics<arbitrary>], iteration_bounds = array<i64: 16>, scalar_prefetch = 0 : i64, scratch_operands = 0 : i64, tpu.core_type = #tpu.core_type<tc>, window_params = [{transform_indices = @transform_0, window_bounds = array<i64: 256, 1024>}, {pipeline_mode = #tpu.pipeline_mode<synchronous>, transform_indices = @transform_1, window_bounds = array<i64: 8, 1024>}, {transform_indices = @transform_2, window_bounds = array<i64: 256, 2>}, {transform_indices = @transform_3, window_bounds = array<i64: 256, 2>}]} {
    %get3A = arith.constant 0 : index
    %get3A_0 = arith.constant 0 : index
    %get3A_1 = vector.load %arg1[%get3A, %get3A_0] : memref<256x1024xf32, #tpu.memory_space<vmem>>, vector<256x1024xf32>
    %get3A_2 = arith.constant 0 : index
    %get3A_3 = arith.constant 0 : index
    %get3A_4 = vector.load %arg2[%get3A_2, %get3A_3] : memref<8x1024xf32, #tpu.memory_space<vmem>>, vector<8x1024xf32>
    %dot_general3A = arith.constant dense<0.000000e+00> : vector<256x8xf32>
    %dot_general3A_5 = tpu.matmul %get3A_1, %get3A_4, %dot_general3A {dimension_numbers = #tpu.dot_dimension_numbers<[1], [1], [0], [0], [0, 0, 1, 0], [], []>, transpose_lhs_hint = false} : vector<256x1024xf32>, vector<8x1024xf32>, vector<256x8xf32> -> vector<256x8xf32>
    %reduce_max3A = arith.constant dense<0xFF800000> : vector<256xf32>
    %reduce_max3A_6 = vector.multi_reduction <maximumf>, %dot_general3A_5, %reduce_max3A [1] : vector<256x8xf32> to vector<256xf32>
    %broadcast_in_dim3A = vector.shape_cast %reduce_max3A_6 : vector<256xf32> to vector<256x1xf32>
    %sub3A = vector.broadcast %broadcast_in_dim3A : vector<256x1xf32> to vector<256x8xf32>
    %sub3A_7 = arith.subf %dot_general3A_5, %sub3A : vector<256x8xf32>
    %exp3A = math.exp %sub3A_7 : vector<256x8xf32>
    %reduce_sum3A = arith.constant dense<0.000000e+00> : vector<256xf32>
    %reduce_sum3A_8 = vector.multi_reduction <add>, %exp3A, %reduce_sum3A [1] : vector<256x8xf32> to vector<256xf32>
    %broadcast_in_dim3A_9 = vector.shape_cast %reduce_sum3A_8 : vector<256xf32> to vector<256x1xf32>
    %div3A = vector.broadcast %broadcast_in_dim3A_9 : vector<256x1xf32> to vector<256x8xf32>
    %div3A_10 = arith.divf %exp3A, %div3A : vector<256x8xf32>
    %iota3A = tpu.iota {dimensions = array<i32: 1>} : vector<256x8xi32>
    %argmax3A = tpu.reduce_index %div3A_10 {axis = 1 : i32, kind = #tpu.reduction_kind<arg_max>} : vector<256x8xf32> -> vector<256xi32>
    %broadcast_in_dim3A_11 = vector.shape_cast %argmax3A : vector<256xi32> to vector<256x1xi32>
    %reduce_max3A_12 = arith.constant dense<0xFF800000> : vector<256xf32>
    %reduce_max3A_13 = vector.multi_reduction <maximumf>, %div3A_10, %reduce_max3A_12 [1] : vector<256x8xf32> to vector<256xf32>
    %broadcast_in_dim3A_14 = vector.shape_cast %reduce_max3A_13 : vector<256xf32> to vector<256x1xf32>
    %eq3A = vector.broadcast %broadcast_in_dim3A_11 : vector<256x1xi32> to vector<256x8xi32>
    %eq3A_15 = arith.cmpi eq, %iota3A, %eq3A : vector<256x8xi32>
    %jit3A = arith.constant 0xFF800000 : f32
    %broadcast_in_dim3A_16 = vector.broadcast %jit3A : f32 to vector<256x8xf32>
    %select_n3A = arith.select %eq3A_15, %broadcast_in_dim3A_16, %div3A_10 : vector<256x8xi1>, vector<256x8xf32>
    %argmax3A_17 = tpu.reduce_index %select_n3A {axis = 1 : i32, kind = #tpu.reduction_kind<arg_max>} : vector<256x8xf32> -> vector<256xi32>
    %broadcast_in_dim3A_18 = vector.shape_cast %argmax3A_17 : vector<256xi32> to vector<256x1xi32>
    %reduce_max3A_19 = arith.constant dense<0xFF800000> : vector<256xf32>
    %reduce_max3A_20 = vector.multi_reduction <maximumf>, %select_n3A, %reduce_max3A_19 [1] : vector<256x8xf32> to vector<256xf32>
    %broadcast_in_dim3A_21 = vector.shape_cast %reduce_max3A_20 : vector<256xf32> to vector<256x1xf32>
    %concatenate3A = tpu.concatenate %broadcast_in_dim3A_11, %broadcast_in_dim3A_18 in 1 : vector<256x1xi32>, vector<256x1xi32> -> vector<256x2xi32>
    %swap3A = arith.constant 0 : index
    %swap3A_22 = arith.constant 0 : index
    %swap3A_23 = vector.load %arg3[%swap3A, %swap3A_22] : memref<256x2xi32, #tpu.memory_space<vmem>>, vector<256x2xi32>
    tpu.vector_store %arg3[%swap3A, %swap3A_22], %concatenate3A {strides = array<i32>} : memref<256x2xi32, #tpu.memory_space<vmem>>, vector<256x2xi32>,
    %concatenate3A_24 = tpu.concatenate %broadcast_in_dim3A_14, %broadcast_in_dim3A_21 in 1 : vector<256x1xf32>, vector<256x1xf32> -> vector<256x2xf32>
    %swap3A_25 = arith.constant 0 : index
    %swap3A_26 = arith.constant 0 : index
    %swap3A_27 = vector.load %arg4[%swap3A_25, %swap3A_26] : memref<256x2xf32, #tpu.memory_space<vmem>>, vector<256x2xf32>
    tpu.vector_store %arg4[%swap3A_25, %swap3A_26], %concatenate3A_24 {strides = array<i32>} : memref<256x2xf32, #tpu.memory_space<vmem>>, vector<256x2xf32>,
    return
  }
  func.func @transform_0(%arg0: i32) -> (i32, i32) {
    %c0_i32 = arith.constant 0 : i32
    %c0_i32_0 = arith.constant 0 : i32
    return %arg0, %c0_i32 : i32, i32
  }
  func.func @transform_1(%arg0: i32) -> (i32, i32) {
    %c0_i32 = arith.constant 0 : i32
    %c0_i32_0 = arith.constant 0 : i32
    %c0_i32_1 = arith.constant 0 : i32
    return %c0_i32, %c0_i32_0 : i32, i32
  }
  func.func @transform_2(%arg0: i32) -> (i32, i32) {
    %c0_i32 = arith.constant 0 : i32
    %c0_i32_0 = arith.constant 0 : i32
    return %arg0, %c0_i32 : i32, i32
  }
  func.func @transform_3(%arg0: i32) -> (i32, i32) {
    %c0_i32 = arith.constant 0 : i32
    %c0_i32_0 = arith.constant 0 : i32
    return %arg0, %c0_i32 : i32, i32
  }
}

module attributes {stable_mosaic.version = 14 : i64} {
  func.func @_gemm_body(%arg0: i32, %arg1: i32, %arg2: memref<32xi32, #tpu.memory_space<smem>>, %arg3: memref<16xi32, #tpu.memory_space<smem>>, %arg4: memref<512x1024xf32, #tpu.memory_space<vmem>>, %arg5: memref<1x1024x1024xf32, #tpu.memory_space<vmem>>, %arg6: memref<1x1024x1024xf32, #tpu.memory_space<vmem>>, %arg7: memref<512x1024xf32, #tpu.memory_space<vmem>>) attributes {dimension_semantics = [#tpu.dimension_semantics<arbitrary>, #tpu.dimension_semantics<arbitrary>], iteration_bounds = array<i64: 24, 4>, scalar_prefetch = 2 : i64, scratch_operands = 0 : i64, tpu.core_type = #tpu.core_type<tc>, window_params = [{transform_indices = @transform_0, window_bounds = array<i64: 512, 1024>}, {transform_indices = @transform_1, window_bounds = array<i64: 1, 1024, 1024>}, {transform_indices = @transform_2, window_bounds = array<i64: 1, 1024, 1024>}, {transform_indices = @transform_3, window_bounds = array<i64: 512, 1024>}]} {
    %eq3A = arith.constant 0 : i32
    %eq3A_0 = arith.cmpi eq, %arg1, %eq3A : i32
    %convert_element_type3A = arith.extui %eq3A_0 : i1 to i32
    %cond3A = arith.constant 0 : i32
    %cond3A_1 = arith.cmpi ne, %convert_element_type3A, %cond3A : i32
    scf.if %cond3A_1 {
      %broadcast_in_dim3A = arith.constant 0.000000e+00 : f32
      %broadcast_in_dim3A_6 = vector.broadcast %broadcast_in_dim3A : f32 to vector<512x1024xf32>
      %swap3A = arith.constant 0 : index
      %swap3A_7 = arith.constant 0 : index
      %swap3A_8 = vector.load %arg7[%swap3A, %swap3A_7] : memref<512x1024xf32, #tpu.memory_space<vmem>>, vector<512x1024xf32>
      tpu.vector_store %arg7[%swap3A, %swap3A_7], %broadcast_in_dim3A_6 {strides = array<i32>} : memref<512x1024xf32, #tpu.memory_space<vmem>>, vector<512x1024xf32>,
    } else {
    }
    %get3A = arith.constant 0 : index
    %get3A_2 = memref.load %arg3[%get3A] : memref<16xi32, #tpu.memory_space<smem>>
    %lt3A = arith.cmpi slt, %arg0, %get3A_2 : i32
    %convert_element_type3A_3 = arith.extui %lt3A : i1 to i32
    %cond3A_4 = arith.constant 0 : i32
    %cond3A_5 = arith.cmpi ne, %convert_element_type3A_3, %cond3A_4 : i32
    scf.if %cond3A_5 {
      %get3A_6 = arith.constant 0 : index
      %get3A_7 = arith.constant 0 : index
      %get3A_8 = vector.load %arg4[%get3A_6, %get3A_7] : memref<512x1024xf32, #tpu.memory_space<vmem>>, vector<512x1024xf32>
      %get3A_9 = arith.constant 0 : index
      %get3A_10 = arith.constant 0 : index
      %get3A_11 = arith.constant 0 : index
      %get3A_12 = vector.load %arg5[%get3A_9, %get3A_10, %get3A_11] : memref<1x1024x1024xf32, #tpu.memory_space<vmem>>, vector<1x1024x1024xf32>
      %get3A_13 = vector.shape_cast %get3A_12 : vector<1x1024x1024xf32> to vector<1024x1024xf32>
      %dot_general3A = arith.constant dense<0.000000e+00> : vector<512x1024xf32>
      %dot_general3A_14 = tpu.matmul %get3A_8, %get3A_13, %dot_general3A {dimension_numbers = #tpu.dot_dimension_numbers<[1], [1], [0], [0], [0, 0, 1, 0], [], []>, transpose_lhs_hint = false} : vector<512x1024xf32>, vector<1024x1024xf32>, vector<512x1024xf32> -> vector<512x1024xf32>
      %mul3A = arith.constant 5.000000e-01 : f32
      %mul3A_15 = vector.broadcast %mul3A : f32 to vector<512x1024xf32>
      %mul3A_16 = arith.mulf %mul3A_15, %dot_general3A_14 : vector<512x1024xf32>
      %mul3A_17 = arith.constant 4.471500e-02 : f32
      %mul3A_18 = vector.broadcast %mul3A_17 : f32 to vector<512x1024xf32>
      %mul3A_19 = arith.mulf %mul3A_18, %dot_general3A_14 : vector<512x1024xf32>
      %mul3A_20 = arith.mulf %mul3A_19, %dot_general3A_14 : vector<512x1024xf32>
      %mul3A_21 = arith.mulf %mul3A_20, %dot_general3A_14 : vector<512x1024xf32>
      %add3A = arith.addf %dot_general3A_14, %mul3A_21 : vector<512x1024xf32>
      %mul3A_22 = arith.constant 0.797884583 : f32
      %mul3A_23 = vector.broadcast %mul3A_22 : f32 to vector<512x1024xf32>
      %mul3A_24 = arith.mulf %mul3A_23, %add3A : vector<512x1024xf32>
      %tanh3A = math.tanh %mul3A_24 : vector<512x1024xf32>
      %add3A_25 = arith.constant 1.000000e+00 : f32
      %add3A_26 = vector.broadcast %add3A_25 : f32 to vector<512x1024xf32>
      %add3A_27 = arith.addf %add3A_26, %tanh3A : vector<512x1024xf32>
      %mul3A_28 = arith.mulf %mul3A_16, %add3A_27 : vector<512x1024xf32>
      %get3A_29 = arith.constant 0 : index
      %get3A_30 = arith.constant 0 : index
      %get3A_31 = vector.load %arg7[%get3A_29, %get3A_30] : memref<512x1024xf32, #tpu.memory_space<vmem>>, vector<512x1024xf32>
      %get3A_32 = arith.constant 0 : index
      %get3A_33 = arith.constant 0 : index
      %get3A_34 = arith.constant 0 : index
      %get3A_35 = vector.load %arg6[%get3A_32, %get3A_33, %get3A_34] : memref<1x1024x1024xf32, #tpu.memory_space<vmem>>, vector<1x1024x1024xf32>
      %get3A_36 = vector.shape_cast %get3A_35 : vector<1x1024x1024xf32> to vector<1024x1024xf32>
      %dot_general3A_37 = arith.constant dense<0.000000e+00> : vector<512x1024xf32>
      %dot_general3A_38 = tpu.matmul %mul3A_28, %get3A_36, %dot_general3A_37 {dimension_numbers = #tpu.dot_dimension_numbers<[1], [1], [0], [0], [0, 0, 1, 0], [], []>, transpose_lhs_hint = false} : vector<512x1024xf32>, vector<1024x1024xf32>, vector<512x1024xf32> -> vector<512x1024xf32>
      %add3A_39 = arith.addf %get3A_31, %dot_general3A_38 : vector<512x1024xf32>
      %swap3A = arith.constant 0 : index
      %swap3A_40 = arith.constant 0 : index
      %swap3A_41 = vector.load %arg7[%swap3A, %swap3A_40] : memref<512x1024xf32, #tpu.memory_space<vmem>>, vector<512x1024xf32>
      tpu.vector_store %arg7[%swap3A, %swap3A_40], %add3A_39 {strides = array<i32>} : memref<512x1024xf32, #tpu.memory_space<vmem>>, vector<512x1024xf32>,
    } else {
    }
    return
  }
  func.func @transform_0(%arg0: i32, %arg1: i32, %arg2: memref<32xi32, #tpu.memory_space<smem>>, %arg3: memref<16xi32, #tpu.memory_space<smem>>) -> (i32, i32) {
    %get3A = arith.constant 0 : index
    %get3A_0 = memref.load %arg3[%get3A] : memref<16xi32, #tpu.memory_space<smem>>
    %lt3A = arith.cmpi slt, %arg0, %get3A_0 : i32
    %jit3A = arith.constant 0 : i32
    %select_n3A = arith.select %lt3A, %arg0, %jit3A : i32
    %c0_i32 = arith.constant 0 : i32
    %c0_i32_1 = arith.constant 0 : i32
    return %select_n3A, %c0_i32 : i32, i32
  }
  func.func @transform_1(%arg0: i32, %arg1: i32, %arg2: memref<32xi32, #tpu.memory_space<smem>>, %arg3: memref<16xi32, #tpu.memory_space<smem>>) -> (i32, i32, i32) {
    %get3A = arith.index_cast %arg0 : i32 to index
    %get3A_0 = memref.load %arg2[%get3A] : memref<32xi32, #tpu.memory_space<smem>>
    %get3A_1 = arith.constant 0 : index
    %get3A_2 = memref.load %arg3[%get3A_1] : memref<16xi32, #tpu.memory_space<smem>>
    %lt3A = arith.cmpi slt, %arg0, %get3A_2 : i32
    %jit3A = arith.constant 0 : i32
    %select_n3A = arith.select %lt3A, %arg1, %jit3A : i32
    %c0_i32 = arith.constant 0 : i32
    %c0_i32_3 = arith.constant 0 : i32
    return %get3A_0, %select_n3A, %c0_i32 : i32, i32, i32
  }
  func.func @transform_2(%arg0: i32, %arg1: i32, %arg2: memref<32xi32, #tpu.memory_space<smem>>, %arg3: memref<16xi32, #tpu.memory_space<smem>>) -> (i32, i32, i32) {
    %get3A = arith.index_cast %arg0 : i32 to index
    %get3A_0 = memref.load %arg2[%get3A] : memref<32xi32, #tpu.memory_space<smem>>
    %get3A_1 = arith.constant 0 : index
    %get3A_2 = memref.load %arg3[%get3A_1] : memref<16xi32, #tpu.memory_space<smem>>
    %lt3A = arith.cmpi slt, %arg0, %get3A_2 : i32
    %jit3A = arith.constant 0 : i32
    %select_n3A = arith.select %lt3A, %arg1, %jit3A : i32
    %c0_i32 = arith.constant 0 : i32
    %c0_i32_3 = arith.constant 0 : i32
    return %get3A_0, %c0_i32, %select_n3A : i32, i32, i32
  }
  func.func @transform_3(%arg0: i32, %arg1: i32, %arg2: memref<32xi32, #tpu.memory_space<smem>>, %arg3: memref<16xi32, #tpu.memory_space<smem>>) -> (i32, i32) {
    %c0_i32 = arith.constant 0 : i32
    %c0_i32_0 = arith.constant 0 : i32
    return %arg0, %c0_i32 : i32, i32
  }
}

module attributes {stable_mosaic.version = 14 : i64} {
  func.func @_combine_body(%arg0: i32, %arg1: memref<256x2x1024xf32, #tpu.memory_space<vmem>>, %arg2: memref<256x2xf32, #tpu.memory_space<vmem>>, %arg3: memref<256x1024xf32, #tpu.memory_space<vmem>>) attributes {dimension_semantics = [#tpu.dimension_semantics<arbitrary>], iteration_bounds = array<i64: 16>, scalar_prefetch = 0 : i64, scratch_operands = 0 : i64, tpu.core_type = #tpu.core_type<tc>, window_params = [{transform_indices = @transform_0, window_bounds = array<i64: 256, 2, 1024>}, {transform_indices = @transform_1, window_bounds = array<i64: 256, 2>}, {transform_indices = @transform_2, window_bounds = array<i64: 256, 1024>}]} {
    %get3A = arith.constant 0 : index
    %get3A_0 = arith.constant 0 : index
    %get3A_1 = arith.constant 0 : index
    %get3A_2 = vector.load %arg1[%get3A, %get3A_0, %get3A_1] : memref<256x2x1024xf32, #tpu.memory_space<vmem>>, vector<256x2x1024xf32>
    %get3A_3 = arith.constant 0 : index
    %get3A_4 = arith.constant 0 : index
    %get3A_5 = vector.load %arg2[%get3A_3, %get3A_4] : memref<256x2xf32, #tpu.memory_space<vmem>>, vector<256x2xf32>
    %slice3A = vector.extract_strided_slice %get3A_5 {offsets = [0, 0], sizes = [256, 1], strides = [1, 1]} : vector<256x2xf32> to vector<256x1xf32>
    %slice3A_6 = vector.extract_strided_slice %get3A_2 {offsets = [0, 0, 0], sizes = [256, 1, 1024], strides = [1, 1, 1]} : vector<256x2x1024xf32> to vector<256x1x1024xf32>
    %squeeze3A = vector.shape_cast %slice3A_6 : vector<256x1x1024xf32> to vector<256x1024xf32>
    %mul3A = vector.broadcast %slice3A : vector<256x1xf32> to vector<256x1024xf32>
    %mul3A_7 = arith.mulf %mul3A, %squeeze3A : vector<256x1024xf32>
    %slice3A_8 = vector.extract_strided_slice %get3A_5 {offsets = [0, 1], sizes = [256, 1], strides = [1, 1]} : vector<256x2xf32> to vector<256x1xf32>
    %slice3A_9 = vector.extract_strided_slice %get3A_2 {offsets = [0, 1, 0], sizes = [256, 1, 1024], strides = [1, 1, 1]} : vector<256x2x1024xf32> to vector<256x1x1024xf32>
    %squeeze3A_10 = vector.shape_cast %slice3A_9 : vector<256x1x1024xf32> to vector<256x1024xf32>
    %mul3A_11 = vector.broadcast %slice3A_8 : vector<256x1xf32> to vector<256x1024xf32>
    %mul3A_12 = arith.mulf %mul3A_11, %squeeze3A_10 : vector<256x1024xf32>
    %add3A = arith.addf %mul3A_7, %mul3A_12 : vector<256x1024xf32>
    %swap3A = arith.constant 0 : index
    %swap3A_13 = arith.constant 0 : index
    %swap3A_14 = vector.load %arg3[%swap3A, %swap3A_13] : memref<256x1024xf32, #tpu.memory_space<vmem>>, vector<256x1024xf32>
    tpu.vector_store %arg3[%swap3A, %swap3A_13], %add3A {strides = array<i32>} : memref<256x1024xf32, #tpu.memory_space<vmem>>, vector<256x1024xf32>,
    return
  }
  func.func @transform_0(%arg0: i32) -> (i32, i32, i32) {
    %c0_i32 = arith.constant 0 : i32
    %c0_i32_0 = arith.constant 0 : i32
    %c0_i32_1 = arith.constant 0 : i32
    return %arg0, %c0_i32, %c0_i32_0 : i32, i32, i32
  }
  func.func @transform_1(%arg0: i32) -> (i32, i32) {
    %c0_i32 = arith.constant 0 : i32
    %c0_i32_0 = arith.constant 0 : i32
    return %arg0, %c0_i32 : i32, i32
  }
  func.func @transform_2(%arg0: i32) -> (i32, i32) {
    %c0_i32 = arith.constant 0 : i32
    %c0_i32_0 = arith.constant 0 : i32
    return %arg0, %c0_i32 : i32, i32
  }
}

</mosaic_0001>

<sc_bundles>
// kernel: kernel.10.cloned.1.call-start
scs
__scs_entry_jumppad:
0x0: {  	(pc) =	sbr.rel $0x88, $3  }
0x1: {  	(tag) =	ssettag $0x0;
	lr =	simm.s32 $0x1  }
0x2: {  	[smem:$0x3F9D] =	sst lr;
	_ =	strace $0xD0000000  }
0x3: {  	_ = 	snop  }
0x4: {  	_ = 	snop  }
0x5: {  	_ = 	snop  }
0x6: {  	_ = 	snop  }
0x7: {  	_ = 	snop  }
__scs_overlays_trampoline_lowered:
0x8: {  	[smem:$0x3FAC] =	sst s0  }
0x9: {  	[smem:$0x3FAD] =	sst s1  }
0xa: {  	[smem:$0x3FAE] =	sst s2  }
0xb: {  	[smem:$0x3FAF] =	sst s3  }
0xc: {  	[smem:$0x3FB0] =	sst s4  }
0xd: {  	[smem:$0x3FB1] =	sst s5  }
0xe: {  	[smem:$0x3FB2] =	sst s6  }
0xf: {  	[smem:$0x3FB3] =	sst s7  }
0x10: {  	[smem:$0x3FB4] =	sst s8  }
0x11: {  	[smem:$0x3FB5] =	sst s9;
	s0 =	simm.s32 @!p0 $0x0  }
0x12: {  	s1 =	sld [smem:$0x3F9B];
	s0 =	simm.s32 @p0 $0x1  }
0x13: {  	[smem:$0x3FB6] =	sst s0;
	s0 =	simm.s32 @!p1 $0x0  }
0x14: {  	s2 =	sld [smem:$0x3F9A];
	s0 =	simm.s32 @p1 $0x1  }
0x15: {  	[smem:$0x3FB7] =	sst s0;
	s0 =	simm.s32 @!p2 $0x0  }
0x16: {  	s3 =	sld [smem:$0x3FDB];
	s0 =	simm.s32 @p2 $0x1  }
0x17: {  	s4 =	simm.s32 $0x1BF5;
	[smem:$0x3FB9] =	sst s0  }
0x18: {  	s0 =	sld [smem:$0x3F9C];
	_ =	swait.ge [sflag:s4], $0x0  }
0x19: {  	s7 =	sld [smem:$0x3F9D]  }
0x1a: {  	s8 =	sadd.s32 $0xFFFFE003, lr  }
0x1b: {  	s9 =	sadd.s32 $0xFFFFFEF7, lr;
	s5 =	simm.s32 $0xFFFFFFFF;
	p2 =	slt.u32 s8, $0xFFFFF086  }
0x1c: {  	p1 =	slt.u32 s9, $0xF7A;
	s5 =	simm.s32 @!p2 $0x0  }
0x1d: {  	s5 =	simm.s32 @p1 $0x1;
	p0 =	seq.s32 s7, s2  }
0x1e: {  	s7 =	smul.u32 @!p0 $0xF7A, s2;
	p2 =	seq.s32 @!p0 s5, $0x0  }
0x1f: {  	s9 =	smul.u32 $0xF7A, s1;
	s8 =	simm.s32 @!p0 $0x1BF5;
	p2 =	por !p2, p0  }
0x20: {  	[sflag:s8] =	ssyncset.s32 @!p0 $0xFFFFF086;
	s6 =	sadd.s32 @!p0 s3, s7;
	s7 =	simm.s32 @!p0 $0x108  }
0x21: {  	s3 =	sadd.s32 s3, s9;
	s6 =	sadd.s32 @!p0 $0x88, s6;
	s7 =	simm.s32 @p2 $0x1082  }
0x22: {  	[simem:s7], [sflag:s8] =	dma.local @!p0 [hbm:s6], $0xF7A  }
0x23: {  	s9 =	sor.u32 $0xD0000000, s2;
	s6 =	simm.s32 $0x108;
	_ =	swait.ge @!p0 [sflag:s8], $0x0  }
0x24: {  	s3 =	sadd.s32 $0x88, s3;
	s6 =	simm.s32 @!p1 $0x1082;
	[sflag:s4] =	ssyncset.s32 $0xFFFFF086  }
0x25: {  	[simem:s6], [sflag:s4] =	dma.local [hbm:s3], $0xF7A  }
0x26: {  	[smem:$0x3F9D] =	sst s1;
	(tag) =	ssettag s2;
	_ =	strace s9  }
0x27: {  	s1 =	sld [smem:$0x3FAD]  }
0x28: {  	s2 =	sld [smem:$0x3FAE]  }
0x29: {  	s4 =	sld [smem:$0x3FB0]  }
0x2a: {  	p0 =	seq.s32 s5, $0x0;
	s5 =	sld [smem:$0x3FB1]  }
0x2b: {  	s6 =	sld [smem:$0x3FB2]  }
0x2c: {  	s7 =	sld [smem:$0x3FB3]  }
0x2d: {  	s3 =	simm.s32 $0x108;
	s8 =	sld [smem:$0x3FB4]  }
0x2e: {  	s3 =	simm.s32 @!p0 $0x1082;
	s9 =	sld [smem:$0x3FB5]  }
0x2f: {  	lr =	sadd.s32 s0, s3;
	s0 =	sld [smem:$0x3FAC]  }
0x30: {  	s3 =	sld [smem:$0x3FAF]  }
0x31: {  	[smem:$0x3FB8] =	sst s10  }
0x32: {  	s10 =	sld [smem:$0x3FB6];
	_ =	sdelay $0x3  }
0x33: {  	p0 =	seq.s32 s10, $0x1;
	s10 =	sld [smem:$0x3FB8];
	_ =	sdelay $0x3  }
0x34: {  	[smem:$0x3FB8] =	sst s10  }
0x35: {  	s10 =	sld [smem:$0x3FB7];
	_ =	sdelay $0x3  }
0x36: {  	p1 =	seq.s32 s10, $0x1;
	s10 =	sld [smem:$0x3FB8];
	_ =	sdelay $0x3  }
0x37: {  	[smem:$0x3FB8] =	sst s10  }
0x38: {  	s10 =	sld [smem:$0x3FB9]  }
0x39: {  	_ = 	snop;
	(pc) =	sbr.ind lr, $3  }
0x3a: {  	_ = 	snop  }
0x3b: {  	_ = 	snop  }
0x3c: {  	p2 =	seq.s32 s10, $0x1;
	s10 =	sld [smem:$0x3FB8]  }
0x3d: {  	_ =	shalt  }
0x3e: {  	_ =	shalt  }
0x3f: {  	_ =	shalt  }
0x40: {  	_ =	shalt  }
0x41: {  	_ =	shalt  }
0x42: {  	_ =	shalt  }
0x43: {  	_ =	shalt  }
0x44: {  	_ =	shalt  }
0x45: {  	_ =	shalt  }
0x46: {  	_ =	shalt  }
0x47: {  	_ =	shalt  }
0x48: {  	_ =	shalt  }
0x49: {  	_ =	shalt  }
0x4a: {  	_ =	shalt  }
0x4b: {  	_ =	shalt  }
0x4c: {  	_ =	shalt  }
0x4d: {  	_ =	shalt  }
0x4e: {  	_ =	shalt  }
0x4f: {  	_ =	shalt  }
0x50: {  	_ =	shalt  }
0x51: {  	_ =	shalt  }
0x52: {  	_ =	shalt  }
0x53: {  	_ =	shalt  }
0x54: {  	_ =	shalt  }
0x55: {  	_ =	shalt  }
0x56: {  	_ =	shalt  }
0x57: {  	_ =	shalt  }
0x58: {  	_ =	shalt  }
0x59: {  	_ =	shalt  }
0x5a: {  	_ =	shalt  }
0x5b: {  	_ =	shalt  }
0x5c: {  	_ =	shalt  }
0x5d: {  	_ =	shalt  }
0x5e: {  	_ =	shalt  }
0x5f: {  	_ =	shalt  }
0x60: {  	_ =	shalt  }
0x61: {  	_ =	shalt  }
0x62: {  	_ =	shalt  }
0x63: {  	_ =	shalt  }
0x64: {  	_ =	shalt  }
0x65: {  	_ =	shalt  }
0x66: {  	_ =	shalt  }
0x67: {  	_ =	shalt  }
0x68: {  	_ =	shalt  }
0x69: {  	_ =	shalt  }
0x6a: {  	_ =	shalt  }
0x6b: {  	_ =	shalt  }
0x6c: {  	_ =	shalt  }
0x6d: {  	_ =	shalt  }
0x6e: {  	_ =	shalt  }
0x6f: {  	_ =	shalt  }
0x70: {  	_ =	shalt  }
0x71: {  	_ =	shalt  }
0x72: {  	_ =	shalt  }
0x73: {  	_ =	shalt  }
0x74: {  	_ =	shalt  }
0x75: {  	_ =	shalt  }
0x76: {  	_ =	shalt  }
0x77: {  	_ =	shalt  }
0x78: {  	_ =	shalt  }
0x79: {  	_ =	shalt  }
0x7a: {  	_ =	shalt  }
0x7b: {  	_ =	shalt  }
0x7c: {  	_ =	shalt  }
0x7d: {  	_ =	shalt  }
0x7e: {  	_ =	shalt  }
0x7f: {  	_ =	shalt  }
0x80: {  	_ =	shalt  }
0x81: {  	_ =	shalt  }
0x82: {  	_ =	shalt  }
0x83: {  	_ =	shalt  }
0x84: {  	_ =	shalt  }
0x85: {  	_ =	shalt  }
0x86: {  	_ =	shalt  }
0x87: {  	_ =	shalt  }
.Lfunc_end0:
.L_simem_size_0:
called_computation.1_lowered:
.L_overlay_start_0:
0x88: {  	s2 =	sld [smem:$0x3FD9]  }
0x89: {  	s3 =	sld [smem:$0x3FFE];
	_ =	sdelay $0x1  }
0x8a: {  	s1 =	srdreg.scid  }
0x8b: {  	s0 =	sand.u32 $0x1, s1  }
0x8c: {  	s16 =	sshll.u32 s0, $0xA;
	s2 =	sadd.s32 s3, s2  }
0x8d: {  	s2 =	sadd.s32 s2, s16  }
0x8e: {  	[smem:$0x3FC4] =	sst s2  }
0x8f: {  	_ = 	snop  }
0x90: {  	(tm) =	ssettm $0x1  }
0x91: {  	s17 =	sld [smem:$0x3FFB];
	_ =	sdelay $0x3  }
0x92: {  	_ =	strace s17  }
0x93: {  	s2 =	sld [smem:$0x3FFC];
	_ =	sdelay $0x3  }
0x94: {  	_ =	strace s2  }
0x95: {  	s2 =	sld [smem:$0x3FFD];
	_ =	sdelay $0x3  }
0x96: {  	_ =	strace s2  }
0x97: {  	_ =	strace $0x8FFFFFFF  }
0x98: {  	s18 =	sld [smem:$0x3FDB];
	_ =	sdelay $0x1  }
0x99: {  	s19 =	simm.s32 $_scs_section_size  }
0x9a: {  	s4 =	simm.s32 $_size__tile_overlayer_lowered;
	s5 =	simm.s32 $_tile_overlayer_lowered  }
0x9b: {  	s22 =	simm.s32 $0x1BFF;
	s21 =	sshll.u32 s5, $0x1;
	s2 =	sadd.s32 s19, s18  }
0x9c: {  	s6 =	simm.s32 $0x0;
	s20 =	sshll.u32 s4, $0x1;
	s4 =	sadd.s32 s21, s2  }
0x9d: {  	[timem:s6], [sflag:s22] =	dma.local [hbm:s4], s20  }
0x9e: {  	_ =	swait.ge [sflag:s22], s20  }
0x9f: {  	s3 =	ssub.s32 $0x0, s20;
	[sflag:s22] =	ssyncset.done $0x0  }
0xa0: {  	[sflag:s22] =	ssyncadd.s32 s3;
	_ =	sdelay $0x1  }
0xa1: {  	s23 =	simm.s32 $0x1B8B  }
0xa2: {  	_ =	swait.ge [sflag:s23], $0x1  }
0xa3: {  	[sflag:s23] =	ssyncset.done $0x0  }
0xa4: {  	s25 =	simm.s32 $0x1B8E;
	s24 =	sld [smem:$0x3FFE];
	[sflag:s23] =	ssyncadd.s32 $0xFFFFFFFF  }
0xa5: {  	s26 =	simm.s32 $execute0_lowered;
	[smem:$0x3FD2] =	sst s25  }
0xa6: {  	s4 =	sshll.u32 s26, $0x1;
	_ =	strace $0x80000049;
	[dreg:$0x1] =	wrdreg $0xFFFFFFFF  }
0xa7: {  	s28 =	simm.s32 $_size_execute0_lowered;
	s2 =	sadd.s32 s2, s4;
	[dreg:$0x0] =	wrdreg $0x0  }
0xa8: {  	s4 =	sshll.u32 s28, $0x1;
	[dreg:$0x2] =	wrdreg s2  }
0xa9: {  	[dreg:$0x3] =	wrdreg s4  }
0xaa: {  	[dreg:$0x4] =	wrdreg $0xC0  }
0xab: {  	_ =	task [dreg:s6], $0x5FFFF  }
0xac: {  	[dreg:$0x1] =	wrdreg $0xFFFFFFFF  }
0xad: {  	[dreg:$0x0] =	wrdreg $0x60  }
0xae: {  	[dreg:$0x2] =	wrdreg s24  }
0xaf: {  	[dreg:$0x3] =	wrdreg $0x9  }
0xb0: {  	_ =	task.clear_ibuf [dreg:s6], $0x4FFFF;
	_ =	strace $0x90000049  }
0xb1: {  	s29 =	simm.s32 $0x9;
	_ =	strace $0x8000004B  }
0xb2: {  	_ =	swait.ge [sflag:s29], $0x1  }
0xb3: {  	[sflag:s29] =	ssyncadd.s32 $0xFFFFFFFF  }
0xb4: {  	_ =	strace $0x9000004B  }
0xb5: {  	_ =	sfence  }
0xb6: {  	s30 =	sld [smem:$0x0];
	_ =	sdelay $0x2  }
0xb7: {  	s31 =	sshll.u32 s1, $0xD;
	s1 =	sshrl.u32 s1, $0x2  }
0xb8: {  	s3 =	sand.u32 $0x4000, s31;
	s1 =	sadd.s32 s1, s30  }
0xb9: {  	s0 =	sor.u32 s3, s0;
	s1 =	sshll.u32 s1, $0x11  }
0xba: {  	s0 =	sor.u32 s1, s0  }
0xbb: {  	s0 =	sadd.s32 $0x8F2B, s0  }
0xbc: {  	[sflag:s0] =	ssyncadd.remote.s32 $0x1  }
0xbd: {  	_ =	sfence.sel $0xFFFF  }
0xbe: {  	[dreg:$0x0] =	wrdreg $0xFFFFFFFF;
	(pc) =	sbr.abs _section_cstart, $3  }
0xbf: {  	[dreg:$0x1] =	wrdreg $0xFFFFFFFF  }
0xc0: {  	_ =	task.clear_ibuf [dreg:s6], $0x2FFFF;
	_ =	strace $0x9FFFFFFF  }
0xc1: {  	(tm) =	ssettm $0x7FFFFFFF  }
tec
execute0_lowered:
.L_overlay_start_1:
0x0: {  	(tag) =	ssettag $0x1  }
0x1: {  	s0 =	rddreg [dreg:$0x0]  }
0x2: {  	s1 =	srdreg.scid;
	s7 =	stileid.u32;
	s2 =	simm.s32 $0x0  }
0x3: {  	s13 =	simm.s32 $0xA00;
	s14 =	simm.s32 $0x1200;
	s15 =	simm.s32 $0x1A00  }
0x4: {  	s16 =	simm.s32 $0x2200;
	s18 =	simm.s32 $0x2A00;
	[smem:$0x7FF] =	sst s2  }
0x5: {  	s19 =	simm.s32 $0x3200;
	_ =	strace $0x8000004A;
	[dreg:$0x3] =	wrdreg s13  }
0x6: {  	s21 =	simm.s32 $0x3A00;
	s22 =	simm.s32 $0x4200;
	[dreg:$0x4] =	wrdreg s14  }
0x7: {  	s8 =	simm.s32 $0x4A00;
	s23 =	simm.s32 $0x5200;
	[dreg:$0x5] =	wrdreg s15  }
0x8: {  	s24 =	simm.s32 $0x5A00;
	s9 =	simm.s32 $0x2;
	[dreg:$0x6] =	wrdreg s16  }
0x9: {  	s25 =	simm.s32 $0x6200;
	s10 =	simm.s32 $0x200;
	[dreg:$0x7] =	wrdreg s18  }
0xa: {  	s26 =	simm.s32 $0x6A00;
	s11 =	simm.s32 $0x7200;
	[dreg:$0x8] =	wrdreg s19  }
0xb: {  	s12 =	simm.s32 $0x7A00;
	s28 =	simm.s32 $0xF200;
	[dreg:$0x9] =	wrdreg s21  }
0xc: {  	s29 =	simm.s32 $0xFA00;
	s30 =	simm.s32 $0x1;
	[dreg:$0xa] =	wrdreg s22  }
0xd: {  	s31 =	simm.s32 $0x0;
	s1 =	sand.u32 $0x1, s1;
	[dreg:$0xb] =	wrdreg s8  }
0xe: {  	s3 =	sshll.u32 s7, $0x10;
	s17 =	sshll.u32 s7, $0x7;
	[dreg:$0xc] =	wrdreg s23  }
0xf: {  	s7 =	sadd.s32 $0x182900, s0;
	s3 =	sadd.s32 s3, s0;
	[dreg:$0xd] =	wrdreg s24  }
0x10: {  	s4 =	sshll.u32 s1, $0xF;
	s5 =	sshll.u32 s1, $0x6;
	[dreg:$0xe] =	wrdreg s25  }
0x11: {  	s1 =	ssub.s32 $0x2, s1;
	[dreg:$0xf] =	wrdreg s26;
	s13 =	simm.s32 $0x8200  }
0x12: {  	s14 =	simm.s32 $0x8A00;
	s15 =	simm.s32 $0x9200;
	s16 =	simm.s32 $0x9A00  }
0x13: {  	s18 =	simm.s32 $0xAA00;
	s19 =	simm.s32 $0xB200;
	s21 =	simm.s32 $0xC200  }
0x14: {  	s22 =	simm.s32 $0xCA00;
	s23 =	simm.s32 $0xD200;
	s24 =	simm.s32 $0xDA00  }
0x15: {  	s25 =	simm.s32 $0xE200;
	s26 =	simm.s32 $0xEA00;
	s4 =	sadd.s32 s4, s3  }
0x16: {  	s3 =	sadd.s32 $0x182600, s0;
	s5 =	sadd.s32 s5, s0;
	s6 =	sshrl.u32 s1, $0x1  }
0x17: {  	s4 =	sadd.s32 $0x1600, s4;
	s1 =	ssub.s32 s1, s6;
	s5 =	sadd.s32 s17, s5  }
0x18: {  	v2 =	vlaneseq.u32;
	s6 =	sadd.s32 $0x182800, s0;
	[dreg:$0x2] =	wrdreg s4;
	s20 =	sadd.s32 $0x181E00, s5  }
0x19: {  	vm0 =	vmmov $0xffff;
	v1 =	vshrl.u32 v2, $0x3;
	s17 =	simm.s32 $0xA200;
	s1 =	smax.u32 s1, $0x1;
	[dreg:$0x10] =	wrdreg s20  }
0x1a: {  	v0 =	vand.u32 $0x7, v2;
	v2 =	vor.u32 $0x8, v2;
	v1 =	vmul.u32 $0x8, v1;
	s5 =	sadd.s32 $0x182700, s0;
	[dreg:$0x11] =	wrdreg s1;
	s20 =	simm.s32 $0xBA00  }
.LBB2_1:
0x1b: {  	s0 =	rddreg [dreg:$0x10]  }
0x1c: {  	[tilespmem:s2], [sflag:$0x2] =	stream.linear.gather [hbm4b:s0+s2], $0x200, $0x38;
	[tilespmem:$0x10200] =	vst v63  }
0x1d: {  	_ =	swait.ge [sflag:s9], $0x200  }
0x1e: {  	[sflag:s9] =	ssyncset.done $0x0  }
0x1f: {  	s1 =	simm.s32 $0x0;
	s0 =	simm.s32 $0x20;
	[sflag:s9] =	ssyncadd.s32 $0xFFFFFE00  }
.LBB2_2:
0x20: {  	v3 =	vld [tilespmem:s0+$0xFFFFFFE0];
	_ =	sdelay $0x4  }
0x21: {  	v4 =	vshll.u32 v3, $0x3  }
0x22: {  	v3 =	vand.u32 $0x7, v3;
	v4 =	vand.u32 $0xFFFFFFC0, v4  }
0x23: {  	v3 =	vor.u32 v3, v4  }
0x24: {  	v4 =	vperm.xlane v3, v0;
	_ =	sdelay $0x1  }
0x25: {  	v4 =	vadd.s32 v1, v4;
	_ =	sdelay $0x4  }
0x26: {  	[tilespmem:s10], [sflag:$0x1] =	stream.indirect_vreg.gather [hbm4b:s3+s2], $0x80, v4, vm0, $0xb8;
	[tilespmem:$0x10200] =	vst v63  }
0x27: {  	s4 =	rddreg [dreg:$0x3];
	v3 =	vperm.xlane v3, v2  }
0x28: {  	[tilespmem:s4], [sflag:$0x1] =	stream.indirect_vreg.gather [hbm4b:s5+s2], $0x80, v4, vm0, $0xb8;
	[tilespmem:$0x10200] =	vst v63  }
0x29: {  	s8 =	rddreg [dreg:$0x4];
	v3 =	vadd.s32 v1, v3  }
0x2a: {  	[tilespmem:s8], [sflag:$0x1] =	stream.indirect_vreg.gather [hbm4b:s6+s2], $0x80, v4, vm0, $0xb8;
	[tilespmem:$0x10200] =	vst v63  }
0x2b: {  	s4 =	rddreg [dreg:$0x5]  }
0x2c: {  	[tilespmem:s4], [sflag:$0x1] =	stream.indirect_vreg.gather [hbm4b:s7+s2], $0x80, v4, vm0, $0xb8;
	[tilespmem:$0x10200] =	vst v63  }
0x2d: {  	s8 =	rddreg [dreg:$0x6]  }
0x2e: {  	[tilespmem:s8], [sflag:$0x1] =	stream.indirect_vreg.gather [hbm4b:s3+s2], $0x80, v3, vm0, $0xb8;
	[tilespmem:$0x10200] =	vst v63  }
0x2f: {  	s4 =	rddreg [dreg:$0x7]  }
0x30: {  	[tilespmem:s4], [sflag:$0x1] =	stream.indirect_vreg.gather [hbm4b:s5+s2], $0x80, v3, vm0, $0xb8;
	[tilespmem:$0x10200] =	vst v63  }
0x31: {  	s8 =	rddreg [dreg:$0x8]  }
0x32: {  	[tilespmem:s8], [sflag:$0x1] =	stream.indirect_vreg.gather [hbm4b:s6+s2], $0x80, v3, vm0, $0xb8;
	[tilespmem:$0x10200] =	vst v63  }
0x33: {  	s4 =	rddreg [dreg:$0x9]  }
0x34: {  	[tilespmem:s4], [sflag:$0x1] =	stream.indirect_vreg.gather [hbm4b:s7+s2], $0x80, v3, vm0, $0xb8;
	[tilespmem:$0x10200] =	vst v63  }
0x35: {  	v3 =	vld [tilespmem:s0+$0xFFFFFFF0];
	_ =	sdelay $0x4  }
0x36: {  	v61 =	vshll.u32 v3, $0x3  }
0x37: {  	v3 =	vand.u32 $0x7, v3;
	v4 =	vand.u32 $0xFFFFFFC0, v61  }
0x38: {  	v3 =	vor.u32 v3, v4  }
0x39: {  	v4 =	vperm.xlane v3, v0;
	_ =	sdelay $0x1  }
0x3a: {  	v4 =	vadd.s32 v1, v4;
	_ =	sdelay $0x3  }
0x3b: {  	s4 =	rddreg [dreg:$0xa]  }
0x3c: {  	[tilespmem:s4], [sflag:$0x1] =	stream.indirect_vreg.gather [hbm4b:s3+s2], $0x80, v4, vm0, $0xb8;
	[tilespmem:$0x10200] =	vst v63  }
0x3d: {  	s8 =	rddreg [dreg:$0xb];
	v3 =	vperm.xlane v3, v2  }
0x3e: {  	[tilespmem:s8], [sflag:$0x1] =	stream.indirect_vreg.gather [hbm4b:s5+s2], $0x80, v4, vm0, $0xb8;
	[tilespmem:$0x10200] =	vst v63  }
0x3f: {  	v3 =	vadd.s32 v1, v3;
	s4 =	rddreg [dreg:$0xc]  }
0x40: {  	[tilespmem:s4], [sflag:$0x1] =	stream.indirect_vreg.gather [hbm4b:s6+s2], $0x80, v4, vm0, $0xb8;
	[tilespmem:$0x10200] =	vst v63  }
0x41: {  	s8 =	rddreg [dreg:$0xd]  }
0x42: {  	[tilespmem:s8], [sflag:$0x1] =	stream.indirect_vreg.gather [hbm4b:s7+s2], $0x80, v4, vm0, $0xb8;
	[tilespmem:$0x10200] =	vst v63  }
0x43: {  	s4 =	rddreg [dreg:$0xe]  }
0x44: {  	[tilespmem:s4], [sflag:$0x1] =	stream.indirect_vreg.gather [hbm4b:s3+s2], $0x80, v3, vm0, $0xb8;
	[tilespmem:$0x10200] =	vst v63  }
0x45: {  	s8 =	rddreg [dreg:$0xf]  }
0x46: {  	[tilespmem:s8], [sflag:$0x1] =	stream.indirect_vreg.gather [hbm4b:s5+s2], $0x80, v3, vm0, $0xb8;
	[tilespmem:$0x10200] =	vst v63  }
0x47: {  	_ = 	snop  }
0x48: {  	[tilespmem:s11], [sflag:$0x1] =	stream.indirect_vreg.gather [hbm4b:s6+s2], $0x80, v3, vm0, $0xb8;
	[tilespmem:$0x10200] =	vst v63  }
0x49: {  	_ = 	snop  }
0x4a: {  	[tilespmem:s12], [sflag:$0x1] =	stream.indirect_vreg.gather [hbm4b:s7+s2], $0x80, v3, vm0, $0xb8;
	[tilespmem:$0x10200] =	vst v63  }
0x4b: {  	v3 =	vld [tilespmem:s0+$0x0];
	_ =	sdelay $0x4  }
0x4c: {  	v62 =	vshll.u32 v3, $0x3  }
0x4d: {  	v3 =	vand.u32 $0x7, v3;
	v4 =	vand.u32 $0xFFFFFFC0, v62  }
0x4e: {  	v3 =	vor.u32 v3, v4  }
0x4f: {  	v4 =	vperm.xlane v3, v0;
	_ =	sdelay $0x1  }
0x50: {  	v4 =	vadd.s32 v1, v4;
	_ =	sdelay $0x4  }
0x51: {  	[tilespmem:s13], [sflag:$0x1] =	stream.indirect_vreg.gather [hbm4b:s3+s2], $0x80, v4, vm0, $0xb8;
	[tilespmem:$0x10200] =	vst v63  }
0x52: {  	v3 =	vperm.xlane v3, v2  }
0x53: {  	[tilespmem:s14], [sflag:$0x1] =	stream.indirect_vreg.gather [hbm4b:s5+s2], $0x80, v4, vm0, $0xb8;
	[tilespmem:$0x10200] =	vst v63  }
0x54: {  	v3 =	vadd.s32 v1, v3  }
0x55: {  	[tilespmem:s15], [sflag:$0x1] =	stream.indirect_vreg.gather [hbm4b:s6+s2], $0x80, v4, vm0, $0xb8;
	[tilespmem:$0x10200] =	vst v63  }
0x56: {  	_ = 	snop  }
0x57: {  	[tilespmem:s16], [sflag:$0x1] =	stream.indirect_vreg.gather [hbm4b:s7+s2], $0x80, v4, vm0, $0xb8;
	[tilespmem:$0x10200] =	vst v63  }
0x58: {  	_ = 	snop  }
0x59: {  	[tilespmem:s17], [sflag:$0x1] =	stream.indirect_vreg.gather [hbm4b:s3+s2], $0x80, v3, vm0, $0xb8;
	[tilespmem:$0x10200] =	vst v63  }
0x5a: {  	_ = 	snop  }
0x5b: {  	[tilespmem:s18], [sflag:$0x1] =	stream.indirect_vreg.gather [hbm4b:s5+s2], $0x80, v3, vm0, $0xb8;
	[tilespmem:$0x10200] =	vst v63  }
0x5c: {  	_ = 	snop  }
0x5d: {  	[tilespmem:s19], [sflag:$0x1] =	stream.indirect_vreg.gather [hbm4b:s6+s2], $0x80, v3, vm0, $0xb8;
	[tilespmem:$0x10200] =	vst v63  }
0x5e: {  	_ = 	snop  }
0x5f: {  	[tilespmem:s20], [sflag:$0x1] =	stream.indirect_vreg.gather [hbm4b:s7+s2], $0x80, v3, vm0, $0xb8;
	[tilespmem:$0x10200] =	vst v63  }
0x60: {  	v3 =	vld [tilespmem:s0+$0x10];
	_ =	sdelay $0x4  }
0x61: {  	v63 =	vshll.u32 v3, $0x3  }
0x62: {  	v3 =	vand.u32 $0x7, v3;
	v4 =	vand.u32 $0xFFFFFFC0, v63  }
0x63: {  	v3 =	vor.u32 v3, v4  }
0x64: {  	v4 =	vperm.xlane v3, v0;
	_ =	sdelay $0x1  }
0x65: {  	v4 =	vadd.s32 v1, v4;
	_ =	sdelay $0x4  }
0x66: {  	[tilespmem:s21], [sflag:$0x1] =	stream.indirect_vreg.gather [hbm4b:s3+s2], $0x80, v4, vm0, $0xb8;
	[tilespmem:$0x10200] =	vst v63  }
0x67: {  	v3 =	vperm.xlane v3, v2  }
0x68: {  	[tilespmem:s22], [sflag:$0x1] =	stream.indirect_vreg.gather [hbm4b:s5+s2], $0x80, v4, vm0, $0xb8;
	[tilespmem:$0x10200] =	vst v63  }
0x69: {  	v3 =	vadd.s32 v1, v3  }
0x6a: {  	[tilespmem:s23], [sflag:$0x1] =	stream.indirect_vreg.gather [hbm4b:s6+s2], $0x80, v4, vm0, $0xb8;
	[tilespmem:$0x10200] =	vst v63  }
0x6b: {  	_ = 	snop  }
0x6c: {  	[tilespmem:s24], [sflag:$0x1] =	stream.indirect_vreg.gather [hbm4b:s7+s2], $0x80, v4, vm0, $0xb8;
	[tilespmem:$0x10200] =	vst v63  }
0x6d: {  	_ = 	snop  }
0x6e: {  	[tilespmem:s25], [sflag:$0x1] =	stream.indirect_vreg.gather [hbm4b:s3+s2], $0x80, v3, vm0, $0xb8;
	[tilespmem:$0x10200] =	vst v63  }
0x6f: {  	_ = 	snop  }
0x70: {  	[tilespmem:s26], [sflag:$0x1] =	stream.indirect_vreg.gather [hbm4b:s5+s2], $0x80, v3, vm0, $0xb8;
	[tilespmem:$0x10200] =	vst v63  }
0x71: {  	_ = 	snop  }
0x72: {  	[tilespmem:s28], [sflag:$0x1] =	stream.indirect_vreg.gather [hbm4b:s6+s2], $0x80, v3, vm0, $0xb8;
	[tilespmem:$0x10200] =	vst v63  }
0x73: {  	_ = 	snop  }
0x74: {  	[tilespmem:s29], [sflag:$0x1] =	stream.indirect_vreg.gather [hbm4b:s7+s2], $0x80, v3, vm0, $0xb8;
	[tilespmem:$0x10200] =	vst v63  }
0x75: {  	_ =	swait.ge [sflag:s30], $0x10000  }
0x76: {  	p0 =	sne.s32 s1, $0x6000;
	s8 =	rddreg [dreg:$0x2];
	[sflag:s30] =	ssyncset.done $0x0  }
.Ltmp0:
0x77: {  	[sflag:s30] =	ssyncadd.s32 $0xFFFF0000;
	s4 =	sadd.s32 s1, s8;
	(pc) =	sbr.rel @p0 .LBB2_2-.Ltmp0, $4  }
0x78: {  	[hbm4b:s4+s2] =	stream.linear.scatter [tilespmem:s10], [sflag:$0x2], $0x10000, $0x38;
	[tilespmem:$0x10200] =	vst v63  }
0x79: {  	_ =	swait.ge [sflag:s9], $0x10000  }
0x7a: {  	[sflag:s9] =	ssyncset.done $0x0  }
0x7b: {  	s0 =	sadd.s32 $0x80, s0;
	s1 =	sadd.s32 $0x2000, s1;
	[sflag:s9] =	ssyncadd.s32 $0xFFFF0000  }
0x7c: {  	s31 =	sadd.s32 $0x1, s31;
	s0 =	rddreg [dreg:$0x11]  }
0x7d: {  	p0 =	sne.s32 s31, s0  }
.Ltmp1:
0x7e: {  	_ = 	snop;
	(pc) =	sbr.rel @p0 .LBB2_1-.Ltmp1, $1  }
0x7f: {  	_ =	sdelay $0x3  }
0x80: {  	_ =	sfence.sel $0x180000  }
0x81: {  	[bflag:$0x0] =	sbarrier.arrive $0xFFFF  }
0x82: {  	_ =	strace $0x9000004A  }
0x83: {  	s0 =	stileid.u32;
	[bflag:$0x2] =	sbarrier.arrive $0xFFFF  }
0x84: {  	p0 =	sne.s32 s0, $0x0;
	s0 =	rddreg [dreg:$0x1]  }
0x85: {  	s0 =	sadd.s32 @!p0 $0x100000, s0  }
0x86: {  	[sflag:s0] =	ssyncadd.tile.s32 @!p0 $0x1;
	_ =	shalt  }
.Lfunc_end2:
_tile_overlayer_lowered:
.L_overlay_start_2:
0x87: {  	(tag) =	ssettag $0x2  }
0x88: {  	s0 =	rddreg [dreg:$0x0];
	s2 =	stileid.u32  }
0x89: {  	s1 =	rddreg [dreg:$0x1];
	p0 =	sne.s32 s2, $0x0  }
0x8a: {  	s3 =	rddreg [dreg:$0x2];
	[bflag:$0x3] =	sbarrier.arrive $0xFFFF;
	s2 =	simm.s32 @!p0 $0x1C02  }
0x8b: {  	[timem:s3], [sflag:s2] =	dma.local @!p0 [hbm:s0], s1  }
0x8c: {  	s0 =	simm.s32 @!p0 $0x2  }
0x8d: {  	_ =	swait.ge @!p0 [sflag:s0], s1  }
0x8e: {  	s1 =	ssub.s32 @!p0 $0x0, s1;
	[sflag:s0] =	ssyncset.done @!p0 $0x0  }
0x8f: {  	[sflag:s0] =	ssyncadd.s32 @!p0 s1  }
0x90: {  	[bflag:$0x3] =	sbarrier.arrive $0xFFFF  }
0x91: {  	_ =	shalt  }

// kernel: kernel.7.cloned.1.call-start
scs
__scs_entry_jumppad:
0x0: {  	(pc) =	sbr.rel $0x88, $3  }
0x1: {  	(tag) =	ssettag $0x0;
	lr =	simm.s32 $0x1  }
0x2: {  	[smem:$0x3F9D] =	sst lr;
	_ =	strace $0xD0000000  }
0x3: {  	_ = 	snop  }
0x4: {  	_ = 	snop  }
0x5: {  	_ = 	snop  }
0x6: {  	_ = 	snop  }
0x7: {  	_ = 	snop  }
__scs_overlays_trampoline_lowered:
0x8: {  	[smem:$0x3FAC] =	sst s0  }
0x9: {  	[smem:$0x3FAD] =	sst s1  }
0xa: {  	[smem:$0x3FAE] =	sst s2  }
0xb: {  	[smem:$0x3FAF] =	sst s3  }
0xc: {  	[smem:$0x3FB0] =	sst s4  }
0xd: {  	[smem:$0x3FB1] =	sst s5  }
0xe: {  	[smem:$0x3FB2] =	sst s6  }
0xf: {  	[smem:$0x3FB3] =	sst s7  }
0x10: {  	[smem:$0x3FB4] =	sst s8  }
0x11: {  	[smem:$0x3FB5] =	sst s9;
	s0 =	simm.s32 @!p0 $0x0  }
0x12: {  	s1 =	sld [smem:$0x3F9B];
	s0 =	simm.s32 @p0 $0x1  }
0x13: {  	[smem:$0x3FB6] =	sst s0;
	s0 =	simm.s32 @!p1 $0x0  }
0x14: {  	s2 =	sld [smem:$0x3F9A];
	s0 =	simm.s32 @p1 $0x1  }
0x15: {  	[smem:$0x3FB7] =	sst s0;
	s0 =	simm.s32 @!p2 $0x0  }
0x16: {  	s3 =	sld [smem:$0x3FDB];
	s0 =	simm.s32 @p2 $0x1  }
0x17: {  	s4 =	simm.s32 $0x1BF5;
	[smem:$0x3FB9] =	sst s0  }
0x18: {  	s0 =	sld [smem:$0x3F9C];
	_ =	swait.ge [sflag:s4], $0x0  }
0x19: {  	s7 =	sld [smem:$0x3F9D]  }
0x1a: {  	s8 =	sadd.s32 $0xFFFFE003, lr  }
0x1b: {  	s9 =	sadd.s32 $0xFFFFFEF7, lr;
	s5 =	simm.s32 $0xFFFFFFFF;
	p2 =	slt.u32 s8, $0xFFFFF086  }
0x1c: {  	p1 =	slt.u32 s9, $0xF7A;
	s5 =	simm.s32 @!p2 $0x0  }
0x1d: {  	s5 =	simm.s32 @p1 $0x1;
	p0 =	seq.s32 s7, s2  }
0x1e: {  	s7 =	smul.u32 @!p0 $0xF7A, s2;
	p2 =	seq.s32 @!p0 s5, $0x0  }
0x1f: {  	s9 =	smul.u32 $0xF7A, s1;
	s8 =	simm.s32 @!p0 $0x1BF5;
	p2 =	por !p2, p0  }
0x20: {  	[sflag:s8] =	ssyncset.s32 @!p0 $0xFFFFF086;
	s6 =	sadd.s32 @!p0 s3, s7;
	s7 =	simm.s32 @!p0 $0x108  }
0x21: {  	s3 =	sadd.s32 s3, s9;
	s6 =	sadd.s32 @!p0 $0x88, s6;
	s7 =	simm.s32 @p2 $0x1082  }
0x22: {  	[simem:s7], [sflag:s8] =	dma.local @!p0 [hbm:s6], $0xF7A  }
0x23: {  	s9 =	sor.u32 $0xD0000000, s2;
	s6 =	simm.s32 $0x108;
	_ =	swait.ge @!p0 [sflag:s8], $0x0  }
0x24: {  	s3 =	sadd.s32 $0x88, s3;
	s6 =	simm.s32 @!p1 $0x1082;
	[sflag:s4] =	ssyncset.s32 $0xFFFFF086  }
0x25: {  	[simem:s6], [sflag:s4] =	dma.local [hbm:s3], $0xF7A  }
0x26: {  	[smem:$0x3F9D] =	sst s1;
	(tag) =	ssettag s2;
	_ =	strace s9  }
0x27: {  	s1 =	sld [smem:$0x3FAD]  }
0x28: {  	s2 =	sld [smem:$0x3FAE]  }
0x29: {  	s4 =	sld [smem:$0x3FB0]  }
0x2a: {  	p0 =	seq.s32 s5, $0x0;
	s5 =	sld [smem:$0x3FB1]  }
0x2b: {  	s6 =	sld [smem:$0x3FB2]  }
0x2c: {  	s7 =	sld [smem:$0x3FB3]  }
0x2d: {  	s3 =	simm.s32 $0x108;
	s8 =	sld [smem:$0x3FB4]  }
0x2e: {  	s3 =	simm.s32 @!p0 $0x1082;
	s9 =	sld [smem:$0x3FB5]  }
0x2f: {  	lr =	sadd.s32 s0, s3;
	s0 =	sld [smem:$0x3FAC]  }
0x30: {  	s3 =	sld [smem:$0x3FAF]  }
0x31: {  	[smem:$0x3FB8] =	sst s10  }
0x32: {  	s10 =	sld [smem:$0x3FB6];
	_ =	sdelay $0x3  }
0x33: {  	p0 =	seq.s32 s10, $0x1;
	s10 =	sld [smem:$0x3FB8];
	_ =	sdelay $0x3  }
0x34: {  	[smem:$0x3FB8] =	sst s10  }
0x35: {  	s10 =	sld [smem:$0x3FB7];
	_ =	sdelay $0x3  }
0x36: {  	p1 =	seq.s32 s10, $0x1;
	s10 =	sld [smem:$0x3FB8];
	_ =	sdelay $0x3  }
0x37: {  	[smem:$0x3FB8] =	sst s10  }
0x38: {  	s10 =	sld [smem:$0x3FB9]  }
0x39: {  	_ = 	snop;
	(pc) =	sbr.ind lr, $3  }
0x3a: {  	_ = 	snop  }
0x3b: {  	_ = 	snop  }
0x3c: {  	p2 =	seq.s32 s10, $0x1;
	s10 =	sld [smem:$0x3FB8]  }
0x3d: {  	_ =	shalt  }
0x3e: {  	_ =	shalt  }
0x3f: {  	_ =	shalt  }
0x40: {  	_ =	shalt  }
0x41: {  	_ =	shalt  }
0x42: {  	_ =	shalt  }
0x43: {  	_ =	shalt  }
0x44: {  	_ =	shalt  }
0x45: {  	_ =	shalt  }
0x46: {  	_ =	shalt  }
0x47: {  	_ =	shalt  }
0x48: {  	_ =	shalt  }
0x49: {  	_ =	shalt  }
0x4a: {  	_ =	shalt  }
0x4b: {  	_ =	shalt  }
0x4c: {  	_ =	shalt  }
0x4d: {  	_ =	shalt  }
0x4e: {  	_ =	shalt  }
0x4f: {  	_ =	shalt  }
0x50: {  	_ =	shalt  }
0x51: {  	_ =	shalt  }
0x52: {  	_ =	shalt  }
0x53: {  	_ =	shalt  }
0x54: {  	_ =	shalt  }
0x55: {  	_ =	shalt  }
0x56: {  	_ =	shalt  }
0x57: {  	_ =	shalt  }
0x58: {  	_ =	shalt  }
0x59: {  	_ =	shalt  }
0x5a: {  	_ =	shalt  }
0x5b: {  	_ =	shalt  }
0x5c: {  	_ =	shalt  }
0x5d: {  	_ =	shalt  }
0x5e: {  	_ =	shalt  }
0x5f: {  	_ =	shalt  }
0x60: {  	_ =	shalt  }
0x61: {  	_ =	shalt  }
0x62: {  	_ =	shalt  }
0x63: {  	_ =	shalt  }
0x64: {  	_ =	shalt  }
0x65: {  	_ =	shalt  }
0x66: {  	_ =	shalt  }
0x67: {  	_ =	shalt  }
0x68: {  	_ =	shalt  }
0x69: {  	_ =	shalt  }
0x6a: {  	_ =	shalt  }
0x6b: {  	_ =	shalt  }
0x6c: {  	_ =	shalt  }
0x6d: {  	_ =	shalt  }
0x6e: {  	_ =	shalt  }
0x6f: {  	_ =	shalt  }
0x70: {  	_ =	shalt  }
0x71: {  	_ =	shalt  }
0x72: {  	_ =	shalt  }
0x73: {  	_ =	shalt  }
0x74: {  	_ =	shalt  }
0x75: {  	_ =	shalt  }
0x76: {  	_ =	shalt  }
0x77: {  	_ =	shalt  }
0x78: {  	_ =	shalt  }
0x79: {  	_ =	shalt  }
0x7a: {  	_ =	shalt  }
0x7b: {  	_ =	shalt  }
0x7c: {  	_ =	shalt  }
0x7d: {  	_ =	shalt  }
0x7e: {  	_ =	shalt  }
0x7f: {  	_ =	shalt  }
0x80: {  	_ =	shalt  }
0x81: {  	_ =	shalt  }
0x82: {  	_ =	shalt  }
0x83: {  	_ =	shalt  }
0x84: {  	_ =	shalt  }
0x85: {  	_ =	shalt  }
0x86: {  	_ =	shalt  }
0x87: {  	_ =	shalt  }
.Lfunc_end0:
.L_simem_size_0:
called_computation_lowered:
.L_overlay_start_0:
0x88: {  	s2 =	sld [smem:$0x3FD9]  }
0x89: {  	s3 =	sld [smem:$0x3FFE];
	_ =	sdelay $0x1  }
0x8a: {  	s1 =	srdreg.scid  }
0x8b: {  	s0 =	sand.u32 $0x1, s1  }
0x8c: {  	s17 =	sshll.u32 s0, $0xA;
	s2 =	sadd.s32 s3, s2  }
0x8d: {  	s2 =	sadd.s32 s2, s17  }
0x8e: {  	[smem:$0x3FC4] =	sst s2  }
0x8f: {  	_ = 	snop  }
0x90: {  	s2 =	sld [smem:$0x3FC9];
	(tm) =	ssettm $0x1  }
0x91: {  	s18 =	sld [smem:$0x3FFB];
	_ =	sdelay $0x3  }
0x92: {  	_ =	strace s18  }
0x93: {  	s3 =	sld [smem:$0x3FFC];
	_ =	sdelay $0x3  }
0x94: {  	_ =	strace s3  }
0x95: {  	s3 =	sld [smem:$0x3FFD];
	_ =	sdelay $0x3  }
0x96: {  	_ =	strace s3  }
0x97: {  	_ =	strace $0x8FFFFFFF  }
0x98: {  	s19 =	sld [smem:$0x3FDB];
	_ =	sdelay $0x1  }
0x99: {  	s4 =	simm.s32 $_scs_section_size  }
0x9a: {  	s5 =	simm.s32 $_size__tile_overlayer_lowered;
	s6 =	simm.s32 $_tile_overlayer_lowered  }
0x9b: {  	s22 =	simm.s32 $0x1BFF;
	s21 =	sshll.u32 s6, $0x1;
	s3 =	sadd.s32 s4, s19  }
0x9c: {  	s7 =	simm.s32 $0x0;
	s20 =	sshll.u32 s5, $0x1;
	s5 =	sadd.s32 s21, s3  }
0x9d: {  	[timem:s7], [sflag:s22] =	dma.local [hbm:s5], s20  }
0x9e: {  	_ =	swait.ge [sflag:s22], s20  }
0x9f: {  	s4 =	ssub.s32 $0x0, s20;
	[sflag:s22] =	ssyncset.done $0x0  }
0xa0: {  	[sflag:s22] =	ssyncadd.s32 s4;
	_ =	sdelay $0x1  }
0xa1: {  	s23 =	simm.s32 $0x1B8B  }
0xa2: {  	_ =	swait.ge [sflag:s23], $0x1  }
0xa3: {  	[sflag:s23] =	ssyncset.done $0x0  }
0xa4: {  	s25 =	simm.s32 $0x1B8E;
	s24 =	sld [smem:$0x3FFE];
	[sflag:s23] =	ssyncadd.s32 $0xFFFFFFFF  }
0xa5: {  	s26 =	simm.s32 $execute0_lowered;
	[smem:$0x3FD2] =	sst s25  }
0xa6: {  	s5 =	sshll.u32 s26, $0x1;
	_ =	strace $0x80000046;
	[dreg:$0x1] =	wrdreg $0xFFFFFFFF  }
0xa7: {  	s28 =	simm.s32 $_size_execute0_lowered;
	s3 =	sadd.s32 s3, s5;
	[dreg:$0x0] =	wrdreg $0x0  }
0xa8: {  	s5 =	sshll.u32 s28, $0x1;
	[dreg:$0x2] =	wrdreg s3  }
0xa9: {  	[dreg:$0x3] =	wrdreg s5  }
0xaa: {  	[dreg:$0x4] =	wrdreg $0xC0  }
0xab: {  	_ =	task [dreg:s7], $0x5FFFF  }
0xac: {  	[dreg:$0x1] =	wrdreg $0xFFFFFFFF  }
0xad: {  	[dreg:$0x0] =	wrdreg $0x60  }
0xae: {  	[dreg:$0x2] =	wrdreg s24  }
0xaf: {  	[dreg:$0x3] =	wrdreg s2  }
0xb0: {  	[dreg:$0x4] =	wrdreg $0x9  }
0xb1: {  	_ =	task.clear_ibuf [dreg:s7], $0x5FFFF;
	_ =	strace $0x90000046  }
0xb2: {  	s29 =	simm.s32 $0x9;
	_ =	strace $0x80000048  }
0xb3: {  	_ =	swait.ge [sflag:s29], $0x1  }
0xb4: {  	[sflag:s29] =	ssyncadd.s32 $0xFFFFFFFF  }
0xb5: {  	_ =	strace $0x90000048  }
0xb6: {  	_ =	sfence  }
0xb7: {  	s30 =	sld [smem:$0x0];
	_ =	sdelay $0x2  }
0xb8: {  	s31 =	sshll.u32 s1, $0xD;
	s1 =	sshrl.u32 s1, $0x2  }
0xb9: {  	s3 =	sand.u32 $0x4000, s31;
	s1 =	sadd.s32 s1, s30  }
0xba: {  	s0 =	sor.u32 s3, s0;
	s1 =	sshll.u32 s1, $0x11  }
0xbb: {  	s0 =	sor.u32 s1, s0  }
0xbc: {  	s0 =	sadd.s32 $0x8F2B, s0  }
0xbd: {  	[sflag:s0] =	ssyncadd.remote.s32 $0x1  }
0xbe: {  	_ =	sfence.sel $0xFFFF  }
0xbf: {  	[dreg:$0x0] =	wrdreg $0xFFFFFFFF;
	(pc) =	sbr.abs _section_cstart, $3  }
0xc0: {  	[dreg:$0x1] =	wrdreg $0xFFFFFFFF  }
0xc1: {  	_ =	task.clear_ibuf [dreg:s7], $0x2FFFF;
	_ =	strace $0x9FFFFFFF  }
0xc2: {  	(tm) =	ssettm $0x7FFFFFFF  }
0xc3: {  	_ =	shalt  }
tec
execute0_lowered:
.L_overlay_start_1:
0x0: {  	(tag) =	ssettag $0x1  }
0x1: {  	s0 =	rddreg [dreg:$0x0]  }
0x2: {  	s1 =	rddreg [dreg:$0x1];
	s7 =	simm.s32 $0x0  }
0x3: {  	[smem:$0x7FF] =	sst s7;
	s4 =	sadd.s32 $0x1600, s0  }
0x4: {  	s5 =	sadd.s32 $0x1A00, s0;
	_ =	strace $0x80000047;
	[dreg:$0x4] =	wrdreg s4  }
0x5: {  	s3 =	srdreg.scid;
	s28 =	sadd.s32 $0x1C00, s0;
	[dreg:$0x5] =	wrdreg s5  }
0x6: {  	s13 =	stileid.u32;
	s10 =	sadd.s32 $0x1E00, s0;
	[dreg:$0x6] =	wrdreg s28  }
0x7: {  	s3 =	sand.u32 $0x1, s3;
	s11 =	sadd.s32 $0x100, s1;
	[dreg:$0xa] =	wrdreg s10  }
0x8: {  	s8 =	sshll.u32 s13, $0x1;
	s12 =	sadd.s32 $0x200, s1;
	[dreg:$0xb] =	wrdreg s11  }
0x9: {  	v0 =	vimm.s32 $0x1;
	s9 =	sshll.u32 s13, $0x7;
	s1 =	sadd.s32 $0x300, s1;
	[dreg:$0xc] =	wrdreg s12  }
0xa: {  	v1 =	vimm.s32 $0x0;
	vm0 =	vmmov $0x1;
	vm2 =	vcmask $0x70C;
	s30 =	sshll.u32 s13, $0x9;
	s14 =	sadd.s32 $0x1F00, s0;
	[dreg:$0xd] =	wrdreg s1  }
0xb: {  	vm3 =	vcmask $0xB10;
	vm1 =	vcmask $0xF0C;
	vm5 =	vcmask $0x704;
	s15 =	sadd.s32 $0x2000, s0;
	s18 =	sadd.s32 $0x2100, s0;
	[dreg:$0xe] =	wrdreg s14  }
0xc: {  	vm4 =	vcmask $0xF14;
	vm6 =	vcmask $0x1714;
	vm1 =	vmor vm5, vm1;
	s26 =	sshll.u32 s3, $0x6;
	s29 =	ssub.s32 $0x2, s3;
	[dreg:$0xf] =	wrdreg s15  }
0xd: {  	vm7 =	vcmask $0x1F1C;
	vm8 =	vcmask $0x2724;
	vm1 =	vmor vm1, vm6;
	[dreg:$0x10] =	wrdreg s18;
	s4 =	sadd.s32 s26, s0;
	s6 =	sshrl.u32 s29, $0x1  }
0xe: {  	v2 =	vlaneseq.u32;
	vm5 =	vcmask $0x1318;
	vm1 =	vmor vm1, vm7;
	s5 =	ssub.s32 s29, s6;
	s6 =	sor.u32 s3, s8;
	s4 =	sadd.s32 s9, s4  }
0xf: {  	v3 =	vadd.s32 $0x1, v2;
	s3 =	sshll.u32 s3, $0x8;
	vm1 =	vmor vm1, vm8;
	vm8 =	vcmask $0x2F2C;
	s4 =	sadd.s32 $0x181E00, s4;
	[dreg:$0x7] =	wrdreg s6  }
0x10: {  	v4 =	vor.u32 $0x10, v2;
	s3 =	sor.u32 s3, s30;
	s31 =	smax.u32 s5, $0x1;
	vm1 =	vmor vm1, vm8;
	vm8 =	vcmask $0x3734;
	[dreg:$0x8] =	wrdreg s4  }
0x11: {  	v5 =	vadd.s32 $0x11, v2;
	s5 =	simm.s32 $0x3;
	p0 =	sne.s32 s6, $0x0;
	[dreg:$0x9] =	wrdreg s31;
	vm1 =	vmor vm1, vm8;
	vm8 =	vcmask $0x3F3C  }
0x12: {  	vm6 =	vcmask $0x171C;
	vm7 =	vcmask $0x1B20;
	[dreg:$0x3] =	wrdreg s3;
	s4 =	simm.s32 $0x2500;
	s3 =	simm.s32 $0x0;
	vm8 =	vmor vm1, vm8  }
.LBB2_1:
0x13: {  	[dreg:$0x11] =	wrdreg s3  }
0x14: {  	s0 =	rddreg [dreg:$0x4]  }
0x15: {  	[tilespmem:s7], [sflag:$0x3] =	stream.linear.gather [hbm4b:s0+s7], $0x2000, $0x38;
	[tilespmem:$0x12580] =	vst v63  }
0x16: {  	_ =	swait.ge [sflag:s5], $0x2000  }
0x17: {  	[sflag:s5] =	ssyncset.done $0x0  }
0x18: {  	[sflag:s5] =	ssyncadd.s32 $0xFFFFE000  }
0x19: {  	s3 =	simm.s32 $0x80;
	v6 =	vimm.s32 $0x0;
	s5 =	simm.s32 $0x0;
	[tilespmem:$0x2500] =	vst v1  }
.LBB2_2:
0x1a: {  	v7 =	vld [tilespmem:s3+$0xFFFFFF80];
	_ =	sdelay $0x6  }
0x1b: {  	v8 =	vld [tilespmem:$0x2500]  }
0x1c: {  	[tilespmem:v7+s4+$0x0] =	vst.idx.add.s32.msk $0xffff, v0  }
0x1d: {  	v7 =	vld [tilespmem:s3+$0xFFFFFF90];
	_ =	sdelay $0x7  }
0x1e: {  	[tilespmem:v7+s4+$0x0] =	vst.idx.add.s32.msk $0xffff, v0  }
0x1f: {  	v7 =	vld [tilespmem:s3+$0xFFFFFFA0];
	_ =	sdelay $0x7  }
0x20: {  	[tilespmem:v7+s4+$0x0] =	vst.idx.add.s32.msk $0xffff, v0  }
0x21: {  	v7 =	vld [tilespmem:s3+$0xFFFFFFB0];
	_ =	sdelay $0x7  }
0x22: {  	[tilespmem:v7+s4+$0x0] =	vst.idx.add.s32.msk $0xffff, v0  }
0x23: {  	v7 =	vld [tilespmem:s3+$0xFFFFFFC0];
	_ =	sdelay $0x7  }
0x24: {  	[tilespmem:v7+s4+$0x0] =	vst.idx.add.s32.msk $0xffff, v0  }
0x25: {  	v7 =	vld [tilespmem:s3+$0xFFFFFFD0];
	_ =	sdelay $0x7  }
0x26: {  	[tilespmem:v7+s4+$0x0] =	vst.idx.add.s32.msk $0xffff, v0  }
0x27: {  	v7 =	vld [tilespmem:s3+$0xFFFFFFE0];
	_ =	sdelay $0x7  }
0x28: {  	[tilespmem:v7+s4+$0x0] =	vst.idx.add.s32.msk $0xffff, v0  }
0x29: {  	v7 =	vld [tilespmem:s3+$0xFFFFFFF0];
	_ =	sdelay $0x7  }
0x2a: {  	[tilespmem:v7+s4+$0x0] =	vst.idx.add.s32.msk $0xffff, v0  }
0x2b: {  	v7 =	vld [tilespmem:s3+$0x0];
	_ =	sdelay $0x7  }
0x2c: {  	[tilespmem:v7+s4+$0x0] =	vst.idx.add.s32.msk $0xffff, v0  }
0x2d: {  	v7 =	vld [tilespmem:s3+$0x10];
	_ =	sdelay $0x7  }
0x2e: {  	[tilespmem:v7+s4+$0x0] =	vst.idx.add.s32.msk $0xffff, v0  }
0x2f: {  	v7 =	vld [tilespmem:s3+$0x20];
	_ =	sdelay $0x7  }
0x30: {  	[tilespmem:v7+s4+$0x0] =	vst.idx.add.s32.msk $0xffff, v0  }
0x31: {  	v7 =	vld [tilespmem:s3+$0x30];
	_ =	sdelay $0x7  }
0x32: {  	[tilespmem:v7+s4+$0x0] =	vst.idx.add.s32.msk $0xffff, v0  }
0x33: {  	v7 =	vld [tilespmem:s3+$0x40];
	_ =	sdelay $0x7  }
0x34: {  	[tilespmem:v7+s4+$0x0] =	vst.idx.add.s32.msk $0xffff, v0  }
0x35: {  	v7 =	vld [tilespmem:s3+$0x50];
	_ =	sdelay $0x7  }
0x36: {  	[tilespmem:v7+s4+$0x0] =	vst.idx.add.s32.msk $0xffff, v0  }
0x37: {  	v7 =	vld [tilespmem:s3+$0x60];
	_ =	sdelay $0x7  }
0x38: {  	[tilespmem:v7+s4+$0x0] =	vst.idx.add.s32.msk $0xffff, v0  }
0x39: {  	v7 =	vld [tilespmem:s3+$0x70];
	_ =	sdelay $0x2  }
0x3a: {  	p2 =	sne.s32 s5, $0x1F  }
.Ltmp0:
0x3b: {  	_ = 	snop;
	(pc) =	sbr.rel @p2 .LBB2_2-.Ltmp0, $3  }
0x3c: {  	_ =	sdelay $0x1  }
0x3d: {  	p1 =	seq.s32 s6, s5  }
0x3e: {  	s5 =	sadd.s32 $0x1, s5;
	v6 =	vpsel p1, v8, v6;
	s3 =	sadd.s32 $0x100, s3;
	[tilespmem:v7+s4+$0x0] =	vst.idx.add.s32.msk $0xffff, v0  }
0x3f: {  	v7 =	vld [tilespmem:$0x2500];
	_ =	sdelay $0x4  }
0x40: {  	v7 =	vadd.s32 $0x1FF, v7  }
0x41: {  	v8 =	vshra.s32 v7, $0x1F;
	v9 =	vand.u32 $0x1FF, v7  }
0x42: {  	vm1 =	vlt.s32 v7, $0x1;
	v8 =	vshrl.u32 v8, $0x17;
	vm9 =	vne.s32 v9, $0x0  }
0x43: {  	v7 =	vadd.s32 v8, v7;
	vm1 =	vmand vm1, vm9  }
0x44: {  	v7 =	vshra.s32 v7, $0x9;
	v8 =	vsel vm1, $0xFFFFFFFF, v1  }
0x45: {  	v7 =	vadd.s32 v8, v7  }
0x46: {  	(xrf0) =	vadd.scan.msk.s32 $0xffff, v7;
	_ =	sdelay $0x5  }
0x47: {  	v8, _, _ =	vpop (xrf0)  }
0x48: {  	v7 =	vsub.s32 v8, v7  }
0x49: {  	vm10 =	vcmask $0x308;
	v9 =	vnsel vm0, $0x0, v7  }
0x4a: {  	(xrf0) =	vadd.scan.msk.s32 $0xffff, v9;
	v9 =	vsel vm10, $0x0, v7  }
0x4b: {  	(xrf0) =	vadd.scan.msk.s32 $0xffff, v9;
	v9 =	vsel vm2, $0x0, v7  }
0x4c: {  	(xrf0) =	vadd.scan.msk.s32 $0xffff, v9;
	v9 =	vsel vm3, $0x0, v7  }
0x4d: {  	(xrf0) =	vadd.scan.msk.s32 $0xffff, v9;
	v9 =	vsel vm4, $0x0, v7;
	_ =	sdelay $0x2  }
0x4e: {  	v10 =	vsel vm5, $0x0, v7;
	(xrf0) =	vadd.scan.msk.s32 $0xffff, v9;
	v9, _, _ =	vpop (xrf0)  }
0x4f: {  	v11, _, _ =	vpop (xrf0);
	(xrf0) =	vadd.scan.msk.s32 $0xffff, v10;
	v10 =	vsel vm6, $0x0, v7;
	v9 =	vbroadcast v9, $0xF  }
0x50: {  	v12, _, _ =	vpop (xrf0);
	(xrf0) =	vadd.scan.msk.s32 $0xffff, v10;
	v10 =	vbroadcast v11, $0xF  }
0x51: {  	v11 =	vsel vm7, $0x0, v7;
	vm1 =	vgt.s32 v9, v2;
	v12 =	vbroadcast v12, $0xF  }
0x52: {  	(xrf0) =	vadd.scan.msk.s32 $0xffff, v11;
	v11 =	vsel vm1, $0xFFFFFFFF, v1;
	vm1 =	vlt.s32 v10, v3  }
0x53: {  	v13, _, _ =	vpop (xrf0);
	v15 =	vsel vm1, $0x1, v1;
	vm1 =	vlt.s32 v12, v3  }
0x54: {  	v13 =	vbroadcast v13, $0xF;
	v11 =	vadd.s32 v15, v11;
	v15 =	vsel vm1, $0x1, v1  }
0x55: {  	v8 =	vbroadcast v8, $0xF;
	v14, _, _ =	vpop (xrf0)  }
0x56: {  	vm9 =	vlt.s32 v10, v5;
	v14 =	vbroadcast v14, $0xF;
	vm1 =	vlt.s32 v13, v3;
	v16, _, _ =	vpop (xrf0)  }
0x57: {  	v11 =	vadd.s32 v15, v11;
	v17 =	vsel vm1, $0x1, v1;
	v16 =	vbroadcast v16, $0xF;
	v15, _, _ =	vpop (xrf0)  }
0x58: {  	vm1 =	vlt.s32 v14, v3;
	v11 =	vadd.s32 v17, v11;
	v15 =	vbroadcast v15, $0xF;
	v18, _, _ =	vpop (xrf0)  }
0x59: {  	v17 =	vsel vm1, $0x1, v1;
	vm1 =	vlt.s32 v16, v3;
	v18 =	vbroadcast v18, $0xF  }
0x5a: {  	v11 =	vadd.s32 v17, v11;
	v17 =	vsel vm1, $0x1, v1;
	vm1 =	vlt.s32 v15, v3  }
0x5b: {  	v11 =	vadd.s32 v17, v11;
	v17 =	vsel vm1, $0x1, v1;
	vm1 =	vlt.s32 v18, v3  }
0x5c: {  	v11 =	vadd.s32 v17, v11;
	v17 =	vsel vm1, $0x1, v1;
	vm1 =	vgt.s32 v9, v4  }
0x5d: {  	v10 =	vsel vm9, $0x1, v1;
	v9 =	vsel vm1, $0xFFFFFFFF, v1;
	vm1 =	vlt.s32 v12, v5  }
0x5e: {  	v9 =	vadd.s32 v10, v9;
	v10 =	vsel vm1, $0x1, v1;
	vm1 =	vlt.s32 v13, v5  }
0x5f: {  	v9 =	vadd.s32 v10, v9;
	v10 =	vsel vm1, $0x1, v1;
	vm1 =	vlt.s32 v14, v5  }
0x60: {  	v9 =	vadd.s32 v10, v9;
	v10 =	vsel vm1, $0x1, v1;
	vm1 =	vlt.s32 v16, v5  }
0x61: {  	v9 =	vadd.s32 v10, v9;
	v10 =	vsel vm1, $0x1, v1;
	vm1 =	vlt.s32 v15, v5  }
0x62: {  	v9 =	vadd.s32 v10, v9;
	v10 =	vsel vm1, $0x1, v1;
	vm1 =	vlt.s32 v18, v5  }
0x63: {  	[tilespmem:$0x2480] =	vst v8;
	v11 =	vadd.s32 v17, v11;
	v9 =	vadd.s32 v10, v9;
	v10 =	vsel vm1, $0x1, v1  }
0x64: {  	s3 =	simm.s32 @!p0 $0x0;
	[tilespmem:$0x2400] =	vst v11;
	v9 =	vadd.s32 v10, v9  }
0x65: {  	s5 =	simm.s32 @!p0 $0x2400;
	s0 =	rddreg [dreg:$0x5];
	s6 =	simm.s32 @!p0 $0x3;
	[tilespmem:$0x2410] =	vst v9  }
0x66: {  	[hbm4b:s0+s3] =	stream.linear.scatter @!p0 [tilespmem:s5], [sflag:$0x3], $0x80, $0x38;
	[tilespmem:$0x12580] =	vst v63  }
0x67: {  	_ =	swait.ge @!p0 [sflag:s6], $0x80  }
0x68: {  	[sflag:s6] =	ssyncset.done @!p0 $0x0  }
0x69: {  	v7 =	vshll.u32 v7, $0x9;
	s5 =	simm.s32 @!p0 $0x2480;
	s0 =	rddreg [dreg:$0x6];
	[sflag:s6] =	ssyncadd.s32 @!p0 $0xFFFFFF80  }
0x6a: {  	v6 =	vadd.s32 v6, v7;
	[hbm4b:s0+s3] =	stream.linear.scatter @!p0 [tilespmem:s5], [sflag:$0x3], $0x80, $0x38;
	[tilespmem:$0x12580] =	vst v63  }
0x6b: {  	v7 =	vnsel vm0, $0x0, v6;
	_ =	swait.ge @!p0 [sflag:s6], $0x80  }
0x6c: {  	(xrf0) =	vadd.scan.msk.s32 $0xffff, v7;
	v7 =	vsel vm10, $0x0, v6  }
0x6d: {  	(xrf0) =	vadd.scan.msk.s32 $0xffff, v7;
	v7 =	vsel vm2, $0x0, v6  }
0x6e: {  	(xrf0) =	vadd.scan.msk.s32 $0xffff, v7;
	v7 =	vsel vm3, $0x0, v6  }
0x6f: {  	(xrf0) =	vadd.scan.msk.s32 $0xffff, v7;
	v7 =	vsel vm4, $0x0, v6  }
0x70: {  	(xrf0) =	vadd.scan.msk.s32 $0xffff, v7;
	v7 =	vsel vm5, $0x0, v6  }
0x71: {  	(xrf0) =	vadd.scan.msk.s32 $0xffff, v7;
	v7 =	vsel vm6, $0x0, v6  }
0x72: {  	v6 =	vsel vm7, $0x0, v6  }
0x73: {  	v8, _, _ =	vpop (xrf0);
	(xrf0) =	vadd.scan.msk.s32 $0xffff, v7  }
0x74: {  	(v2sf) =	vpush v8, $0xF;
	v7, _, _ =	vpop (xrf0);
	(xrf0) =	vadd.scan.msk.s32 $0xffff, v6  }
0x75: {  	(v2sf) =	vpush v7, $0xF;
	v6, _, _ =	vpop (xrf0)  }
0x76: {  	(v2sf) =	vpush v6, $0xF;
	v6, _, _ =	vpop (xrf0)  }
0x77: {  	(v2sf) =	vpush v6, $0xF;
	v6, _, _ =	vpop (xrf0)  }
0x78: {  	(v2sf) =	vpush v6, $0xF;
	v6, _, _ =	vpop (xrf0)  }
0x79: {  	(v2sf) =	vpush v6, $0xF;
	v6, _, _ =	vpop (xrf0)  }
0x7a: {  	s10 =	rddreg [dreg:$0x3];
	(v2sf) =	vpush v6, $0xF;
	v6, _, _ =	vpop (xrf0)  }
0x7b: {  	s8 =	simm.s32 $0x0;
	s5 =	sadd.s32 $0x0, s10;
	(v2sf) =	vpush v6, $0xF  }
0x7c: {  	s11 =	sand.u32 $0x40, s8;
	[sflag:s6] =	ssyncset.done @!p0 $0x0;
	s12 =	sand.u32 $0x1F80, s5  }
0x7d: {  	[sflag:s6] =	ssyncadd.s32 @!p0 $0xFFFFFF80;
	s3 =	sor.u32 s11, s12  }
0x7e: {  	v6 =	vld [tilespmem:s3+$0x0];
	_ =	sdelay $0x3  }
0x7f: {  	v7 =	vmov s5  }
0x80: {  	vm1 =	veq.s32 v7, v2;
	v7 =	vor.u32 s5, v2;
	vm15 =	veq.s32 v6, $0x2;
	s13 =	spop (v2sf)  }
0x81: {  	vm1 =	vmand vm1, vm8;
	vm13 =	veq.s32 v6, $0x0;
	v10 =	vsel vm15, $0x1, v1;
	s21 =	spop (v2sf)  }
0x82: {  	v8 =	vsel vm1, $0xFFFFFFFF, v1;
	vm11 =	veq.s32 v6, $0x1;
	v9 =	vsel vm13, $0x1, v1;
	(xrf0) =	vadd.scan.msk.s32 $0xffff, v10;
	s22 =	spop (v2sf)  }
0x83: {  	vm12 =	veq.s32 v6, $0x3;
	vm9 =	veq.s32 v6, $0x4;
	v11 =	vsel vm11, $0x1, v1;
	(xrf0) =	vadd.scan.msk.s32 $0xffff, v9;
	s20 =	spop (v2sf)  }
0x84: {  	vm1 =	veq.s32 v6, $0x5;
	vm14 =	veq.s32 v6, $0x7;
	v10 =	vsel vm12, $0x1, v1;
	(xrf0) =	vadd.scan.msk.s32 $0xffff, v11;
	s16 =	spop (v2sf)  }
0x85: {  	vm10 =	veq.s32 v6, $0x6;
	v12 =	vsel vm9, $0x1, v1;
	v17 =	vsel vm14, $0xFFFFFFFF, v1;
	(xrf0) =	vadd.scan.msk.s32 $0xffff, v10;
	s17 =	spop (v2sf)  }
0x86: {  	v13 =	vsel vm13, $0xFFFFFFFF, v1;
	v15 =	vsel vm10, $0x1, v1;
	v16 =	vsel vm1, $0xFFFFFFFF, v1;
	s14 =	spop (v2sf)  }
0x87: {  	v9 =	vsel vm1, $0x1, v1;
	v13 =	vadd.s32 s13, v13;
	v11 =	vsel vm15, $0xFFFFFFFF, v1;
	(xrf0) =	vadd.scan.msk.s32 $0xffff, v12;
	s9 =	spop (v2sf)  }
0x88: {  	(xrf0) =	vadd.scan.msk.s32 $0xffff, v9;
	v9 =	vadd.s32 s22, v11;
	v11 =	vadd.s32 s17, v16;
	v16 =	vadd.s32 s9, v17;
	v17, _, _ =	vpop (xrf0)  }
0x89: {  	v14 =	vsel vm12, $0xFFFFFFFF, v1;
	v6 =	vsel vm11, $0xFFFFFFFF, v1;
	v12 =	vsel vm14, $0x1, v1;
	(xrf0) =	vadd.scan.msk.s32 $0xffff, v15;
	v18, _, _ =	vpop (xrf0)  }
0x8a: {  	v10 =	vsel vm9, $0xFFFFFFFF, v1;
	v6 =	vadd.s32 s21, v6;
	(xrf0) =	vadd.scan.msk.s32 $0xffff, v12;
	v12 =	vadd.s32 v18, v13;
	v13, _, _ =	vpop (xrf0)  }
0x8b: {  	v14 =	vadd.s32 s20, v14;
	v10 =	vadd.s32 s16, v10;
	v15 =	vsel vm10, $0xFFFFFFFF, v1;
	v19, _, _ =	vpop (xrf0)  }
0x8c: {  	v9 =	vadd.s32 v17, v9;
	v6 =	vadd.s32 v13, v6;
	v14 =	vadd.s32 v19, v14  }
0x8d: {  	v9 =	vnsel vm15, $0x0, v9;
	v12 =	vnsel vm13, $0x0, v12;
	v6 =	vnsel vm11, $0x0, v6;
	v20, _, _ =	vpop (xrf0)  }
0x8e: {  	v6 =	vadd.s32 v6, v12;
	v12 =	vnsel vm12, $0x0, v14;
	v10 =	vadd.s32 v20, v10  }
0x8f: {  	(v2sf) =	vpush v13, $0xF;
	v6 =	vadd.s32 v9, v6;
	v9 =	vnsel vm9, $0x0, v10;
	v14, _, _ =	vpop (xrf0)  }
0x90: {  	v10 =	vadd.s32 s14, v15;
	v6 =	vadd.s32 v12, v6;
	v15, _, _ =	vpop (xrf0);
	v11 =	vadd.s32 v14, v11  }
0x91: {  	v6 =	vadd.s32 v9, v6;
	v10 =	vadd.s32 v15, v10;
	v12, _, _ =	vpop (xrf0);
	v9 =	vnsel vm1, $0x0, v11  }
0x92: {  	v10 =	vnsel vm10, $0x0, v10;
	v6 =	vadd.s32 v9, v6;
	v9 =	vadd.s32 v12, v16  }
0x93: {  	(v2sf) =	vpush v19, $0xF;
	v6 =	vadd.s32 v10, v6;
	v9 =	vnsel vm14, $0x0, v9  }
0x94: {  	s19 =	simm.s32 $0x2020;
	s23 =	simm.s32 $0x10;
	s24 =	sadd.s32 $0x10, s5;
	v7 =	vshrl.u32 v7, $0x1;
	(v2sf) =	vpush v14, $0xF;
	v6 =	vadd.s32 v9, v6  }
0x95: {  	s23 =	sand.u32 $0x50, s23;
	s25 =	sand.u32 $0x1F80, s24;
	s3 =	simm.s32 $0x2220;
	(v2sf) =	vpush v17, $0xF;
	[tilespmem:s19+$0xFFFFFFE0] =	vst v6;
	v6 =	vadd.s32 v8, v7  }
0x96: {  	s23 =	sor.u32 s23, s25;
	(v2sf) =	vpush v20, $0xF;
	[tilespmem:s3+$0xFFFFFFE0] =	vst v6  }
0x97: {  	(v2sf) =	vpush v15, $0xF;
	v6 =	vld [tilespmem:s23+$0x0]  }
0x98: {  	(v2sf) =	vpush v18, $0xF;
	_ =	sdelay $0x3  }
0x99: {  	vm14 =	veq.s32 v6, $0x2  }
0x9a: {  	vm12 =	veq.s32 v6, $0x1;
	v7 =	vsel vm14, $0x1, v1  }
0x9b: {  	(v2sf) =	vpush v12, $0xF;
	vm15 =	veq.s32 v6, $0x3;
	v8 =	vsel vm12, $0x1, v1;
	(xrf0) =	vadd.scan.msk.s32 $0xffff, v7  }
0x9c: {  	vm13 =	veq.s32 v6, $0x0;
	v7 =	vsel vm15, $0x1, v1;
	(xrf0) =	vadd.scan.msk.s32 $0xffff, v8  }
0x9d: {  	v8 =	vsel vm13, $0x1, v1;
	(xrf0) =	vadd.scan.msk.s32 $0xffff, v7  }
0x9e: {  	s15 =	spop (v2sf);
	vm1 =	veq.s32 v6, $0x4;
	vm11 =	veq.s32 v6, $0x5;
	(xrf0) =	vadd.scan.msk.s32 $0xffff, v8  }
0x9f: {  	s18 =	spop (v2sf);
	vm10 =	veq.s32 v6, $0x6;
	vm9 =	veq.s32 v6, $0x7;
	v7 =	vsel vm1, $0x1, v1  }
0xa0: {  	v6 =	vsel vm11, $0x1, v1;
	v9 =	vsel vm9, $0x1, v1;
	v10 =	vsel vm11, $0xFFFFFFFF, v1;
	s30 =	spop (v2sf);
	(xrf0) =	vadd.scan.msk.s32 $0xffff, v7  }
0xa1: {  	v12 =	vsel vm10, $0xFFFFFFFF, v1;
	v13 =	vsel vm12, $0xFFFFFFFF, v1;
	v14 =	vsel vm14, $0xFFFFFFFF, v1;
	s26 =	spop (v2sf);
	(xrf0) =	vadd.scan.msk.s32 $0xffff, v6;
	v11, _, _ =	vpop (xrf0)  }
0xa2: {  	v8 =	vsel vm10, $0x1, v1;
	s31 =	spop (v2sf);
	v7 =	vsel vm9, $0xFFFFFFFF, v1;
	v6 =	vsel vm1, $0xFFFFFFFF, v1;
	v15, _, _ =	vpop (xrf0)  }
0xa3: {  	s21 =	sadd.s32 s21, s15;
	s28 =	sadd.s32 s22, s26;
	s26 =	spop (v2sf);
	(xrf0) =	vadd.scan.msk.s32 $0xffff, v8;
	v8 =	vsel vm13, $0xFFFFFFFF, v1;
	v14 =	vadd.s32 v14, v11;
	v13 =	vadd.s32 v13, v15;
	v16, _, _ =	vpop (xrf0)  }
0xa4: {  	s29 =	spop (v2sf);
	(xrf0) =	vadd.scan.msk.s32 $0xffff, v9;
	v9 =	vsel vm15, $0xFFFFFFFF, v1;
	v14 =	vadd.s32 s28, v14;
	v13 =	vadd.s32 s21, v13;
	v17, _, _ =	vpop (xrf0)  }
0xa5: {  	s20 =	sadd.s32 s20, s18;
	s29 =	sadd.s32 s13, s29;
	v9 =	vadd.s32 v9, v16;
	v14 =	vnsel vm14, $0x0, v14;
	v8 =	vadd.s32 v8, v17  }
0xa6: {  	v9 =	vadd.s32 s20, v9;
	v18, _, _ =	vpop (xrf0);
	v13 =	vnsel vm12, $0x0, v13;
	v8 =	vadd.s32 s29, v8  }
0xa7: {  	s0 =	sadd.s32 s16, s31;
	v9 =	vnsel vm15, $0x0, v9;
	v19, _, _ =	vpop (xrf0);
	v6 =	vadd.s32 v6, v18;
	v8 =	vnsel vm13, $0x0, v8  }
0xa8: {  	s1 =	sadd.s32 s17, s30;
	v10 =	vadd.s32 v10, v19;
	v6 =	vadd.s32 s0, v6;
	v8 =	vadd.s32 v13, v8  }
0xa9: {  	v13, _, _ =	vpop (xrf0);
	v10 =	vadd.s32 s1, v10;
	v6 =	vnsel vm1, $0x0, v6;
	v8 =	vadd.s32 v14, v8  }
0xaa: {  	s4 =	sadd.s32 s14, s26;
	s2 =	spop (v2sf);
	v14, _, _ =	vpop (xrf0);
	v12 =	vadd.s32 v12, v13;
	v8 =	vadd.s32 v9, v8;
	v9 =	vnsel vm11, $0x0, v10  }
0xab: {  	s17 =	sadd.s32 s9, s2;
	v10 =	vadd.s32 s4, v12;
	v7 =	vadd.s32 v7, v14;
	v6 =	vadd.s32 v6, v8  }
0xac: {  	v8 =	vnsel vm10, $0x0, v10;
	v7 =	vadd.s32 s17, v7;
	v6 =	vadd.s32 v9, v6  }
0xad: {  	v7 =	vnsel vm9, $0x0, v7;
	v6 =	vadd.s32 v8, v6  }
0xae: {  	s10 =	sadd.s32 $0x20, s5;
	s11 =	simm.s32 $0x20;
	(v2sf) =	vpush v17, $0xF;
	v8 =	vor.u32 s24, v2;
	v6 =	vadd.s32 v7, v6  }
0xaf: {  	s12 =	sand.u32 $0x1F80, s10;
	s6 =	sand.u32 $0x60, s11;
	(v2sf) =	vpush v11, $0xF;
	[tilespmem:s19+$0xFFFFFFF0] =	vst v6;
	v6 =	vshrl.u32 v8, $0x1  }
0xb0: {  	s6 =	sor.u32 s6, s12;
	(v2sf) =	vpush v18, $0xF;
	[tilespmem:s3+$0xFFFFFFF0] =	vst v6  }
0xb1: {  	(v2sf) =	vpush v15, $0xF;
	v6 =	vld [tilespmem:s6+$0x0]  }
0xb2: {  	(v2sf) =	vpush v16, $0xF;
	_ =	sdelay $0x2  }
0xb3: {  	(v2sf) =	vpush v19, $0xF  }
0xb4: {  	vm15 =	veq.s32 v6, $0x2  }
0xb5: {  	(v2sf) =	vpush v13, $0xF;
	vm14 =	veq.s32 v6, $0x0;
	v7 =	vsel vm15, $0x1, v1  }
0xb6: {  	(v2sf) =	vpush v14, $0xF;
	vm13 =	veq.s32 v6, $0x1;
	v8 =	vsel vm14, $0x1, v1;
	(xrf0) =	vadd.scan.msk.s32 $0xffff, v7  }
0xb7: {  	vm12 =	veq.s32 v6, $0x3;
	v7 =	vsel vm13, $0x1, v1;
	(xrf0) =	vadd.scan.msk.s32 $0xffff, v8  }
0xb8: {  	vm1 =	veq.s32 v6, $0x4;
	v8 =	vsel vm12, $0x1, v1;
	(xrf0) =	vadd.scan.msk.s32 $0xffff, v7  }
0xb9: {  	vm10 =	veq.s32 v6, $0x6;
	v7 =	vsel vm1, $0x1, v1;
	(xrf0) =	vadd.scan.msk.s32 $0xffff, v8  }
0xba: {  	vm11 =	veq.s32 v6, $0x5;
	vm9 =	veq.s32 v6, $0x7;
	v6 =	vsel vm10, $0x1, v1;
	(xrf0) =	vadd.scan.msk.s32 $0xffff, v7  }
0xbb: {  	s13 =	spop (v2sf);
	v9 =	vsel vm11, $0xFFFFFFFF, v1;
	v10 =	vsel vm9, $0xFFFFFFFF, v1;
	v8 =	vsel vm11, $0x1, v1  }
0xbc: {  	s14 =	spop (v2sf);
	v11 =	vsel vm1, $0xFFFFFFFF, v1;
	v12 =	vsel vm10, $0xFFFFFFFF, v1;
	v14 =	vsel vm13, $0xFFFFFFFF, v1;
	(xrf0) =	vadd.scan.msk.s32 $0xffff, v8;
	v13, _, _ =	vpop (xrf0)  }
0xbd: {  	s15 =	spop (v2sf);
	v16 =	vsel vm12, $0xFFFFFFFF, v1;
	v8 =	vsel vm15, $0xFFFFFFFF, v1;
	(xrf0) =	vadd.scan.msk.s32 $0xffff, v6;
	v6 =	vsel vm14, $0xFFFFFFFF, v1;
	v15, _, _ =	vpop (xrf0)  }
0xbe: {  	s9 =	sadd.s32 s29, s13;
	s6 =	sadd.s32 s28, s14;
	s18 =	spop (v2sf);
	v7 =	vsel vm9, $0x1, v1;
	v8 =	vadd.s32 v8, v13;
	v6 =	vadd.s32 v6, v15;
	v17, _, _ =	vpop (xrf0)  }
0xbf: {  	s16 =	sadd.s32 s21, s18;
	s29 =	spop (v2sf);
	v8 =	vadd.s32 s6, v8;
	(xrf0) =	vadd.scan.msk.s32 $0xffff, v7;
	v6 =	vadd.s32 s9, v6;
	v7 =	vadd.s32 v14, v17;
	v14, _, _ =	vpop (xrf0)  }
0xc0: {  	s28 =	sadd.s32 s20, s29;
	v6 =	vnsel vm14, $0x0, v6;
	v7 =	vadd.s32 s16, v7;
	v16 =	vadd.s32 v16, v14;
	v18, _, _ =	vpop (xrf0)  }
0xc1: {  	s24 =	sadd.s32 s0, s15;
	v7 =	vnsel vm13, $0x0, v7;
	v16 =	vadd.s32 s28, v16;
	v11 =	vadd.s32 v11, v18  }
0xc2: {  	s0 =	spop (v2sf);
	v8 =	vnsel vm15, $0x0, v8;
	v19, _, _ =	vpop (xrf0);
	v6 =	vadd.s32 v7, v6;
	v11 =	vadd.s32 s24, v11  }
0xc3: {  	s8 =	sadd.s32 s1, s0;
	v7 =	vnsel vm12, $0x0, v16;
	v9 =	vadd.s32 v9, v19;
	v6 =	vadd.s32 v8, v6  }
0xc4: {  	s1 =	spop (v2sf);
	v8 =	vnsel vm1, $0x0, v11;
	v16, _, _ =	vpop (xrf0);
	v6 =	vadd.s32 v7, v6;
	v7 =	vadd.s32 s8, v9  }
0xc5: {  	s2 =	sadd.s32 s4, s1;
	s4 =	spop (v2sf);
	v9 =	vadd.s32 v12, v16;
	v11, _, _ =	vpop (xrf0);
	v6 =	vadd.s32 v8, v6;
	v7 =	vnsel vm11, $0x0, v7  }
0xc6: {  	s20 =	sadd.s32 s17, s4;
	v8 =	vadd.s32 s2, v9;
	v6 =	vadd.s32 v7, v6;
	v7 =	vadd.s32 v10, v11  }
0xc7: {  	v8 =	vnsel vm10, $0x0, v8;
	v7 =	vadd.s32 s20, v7  }
0xc8: {  	v6 =	vadd.s32 v8, v6;
	v7 =	vnsel vm9, $0x0, v7  }
0xc9: {  	s5 =	sadd.s32 $0x30, s5;
	(v2sf) =	vpush v18, $0xF;
	v8 =	vor.u32 s10, v2;
	s10 =	simm.s32 $0x30;
	v6 =	vadd.s32 v7, v6  }
0xca: {  	s11 =	sand.u32 $0x1F80, s5;
	(v2sf) =	vpush v16, $0xF;
	s17 =	sand.u32 $0x70, s10;
	[tilespmem:s19+$0x0] =	vst v6;
	v6 =	vshrl.u32 v8, $0x1  }
0xcb: {  	(v2sf) =	vpush v17, $0xF;
	s17 =	sor.u32 s17, s11;
	[tilespmem:s3+$0x0] =	vst v6  }
0xcc: {  	(v2sf) =	vpush v11, $0xF;
	v6 =	vld [tilespmem:s17+$0x0]  }
0xcd: {  	(v2sf) =	vpush v19, $0xF  }
0xce: {  	(v2sf) =	vpush v15, $0xF  }
0xcf: {  	(v2sf) =	vpush v14, $0xF;
	_ =	sdelay $0x1  }
0xd0: {  	vm9 =	veq.s32 v6, $0x5  }
0xd1: {  	vm15 =	veq.s32 v6, $0x4;
	v7 =	vsel vm9, $0x1, v1  }
0xd2: {  	v8 =	vsel vm15, $0x1, v1;
	(xrf0) =	vadd.scan.msk.s32 $0xffff, v7  }
0xd3: {  	(v2sf) =	vpush v13, $0xF;
	(xrf0) =	vadd.scan.msk.s32 $0xffff, v8;
	_ =	sdelay $0x1  }
0xd4: {  	vm1 =	veq.s32 v6, $0x3  }
0xd5: {  	v7 =	vsel vm1, $0x1, v1  }
0xd6: {  	s12 =	spop (v2sf);
	vm13 =	veq.s32 v6, $0x0;
	vm10 =	veq.s32 v6, $0x7;
	(xrf0) =	vadd.scan.msk.s32 $0xffff, v7  }
0xd7: {  	vm14 =	veq.s32 v6, $0x1;
	vm12 =	veq.s32 v6, $0x2;
	s13 =	spop (v2sf);
	v7 =	vsel vm10, $0x1, v1;
	v9, _, _ =	vpop (xrf0)  }
0xd8: {  	vm11 =	veq.s32 v6, $0x6;
	v6 =	vsel vm14, $0x1, v1;
	s14 =	spop (v2sf);
	(xrf0) =	vadd.scan.msk.s32 $0xffff, v7;
	v7 =	vsel vm15, $0xFFFFFFFF, v1;
	v12, _, _ =	vpop (xrf0)  }
0xd9: {  	s24 =	sadd.s32 s24, s12;
	v10 =	vsel vm13, $0x1, v1;
	v8 =	vsel vm11, $0x1, v1;
	s17 =	spop (v2sf);
	(xrf0) =	vadd.scan.msk.s32 $0xffff, v6;
	v7 =	vadd.s32 v7, v12  }
0xda: {  	v14 =	vsel vm9, $0xFFFFFFFF, v1;
	v15 =	vsel vm13, $0xFFFFFFFF, v1;
	s25 =	spop (v2sf);
	(xrf0) =	vadd.scan.msk.s32 $0xffff, v8;
	v7 =	vadd.s32 s24, v7  }
0xdb: {  	v16 =	vsel vm11, $0xFFFFFFFF, v1;
	s31 =	spop (v2sf);
	(xrf0) =	vadd.scan.msk.s32 $0xffff, v10;
	v8 =	vnsel vm15, $0x0, v7;
	v7 =	vsel vm12, $0x1, v1  }
0xdc: {  	v6 =	vsel vm1, $0xFFFFFFFF, v1;
	s15 =	spop (v2sf);
	(v2sf) =	vpush v9, $0xF;
	v10 =	vsel vm12, $0xFFFFFFFF, v1;
	v13, _, _ =	vpop (xrf0);
	(xrf0) =	vadd.scan.msk.s32 $0xffff, v7  }
0xdd: {  	s26 =	sadd.s32 s28, s15;
	v9 =	vadd.s32 v14, v9;
	(v2sf) =	vpush v12, $0xF;
	v6 =	vadd.s32 v6, v13  }
0xde: {  	(v2sf) =	vpush v13, $0xF;
	v12, _, _ =	vpop (xrf0);
	v13 =	vsel vm14, $0xFFFFFFFF, v1;
	v6 =	vadd.s32 s26, v6  }
0xdf: {  	v14, _, _ =	vpop (xrf0);
	(v2sf) =	vpush v12, $0xF;
	v11 =	vnsel vm1, $0x0, v6;
	v6 =	vor.u32 s5, v2  }
0xe0: {  	s30 =	sadd.s32 s2, s13;
	s23 =	sadd.s32 s16, s14;
	v7 =	vsel vm10, $0xFFFFFFFF, v1;
	v13 =	vadd.s32 v13, v14;
	(v2sf) =	vpush v14, $0xF;
	v17, _, _ =	vpop (xrf0)  }
0xe1: {  	s31 =	sadd.s32 s9, s31;
	s9 =	simm.s32 $0x2020;
	s18 =	spop (v2sf);
	v14 =	vadd.s32 s23, v13;
	v13 =	vadd.s32 v16, v17;
	v18, _, _ =	vpop (xrf0);
	(v2sf) =	vpush v17, $0xF  }
0xe2: {  	s28 =	sadd.s32 s6, s18;
	s6 =	simm.s32 $0x2220;
	s5 =	simm.s32 $0x40;
	v16 =	vadd.s32 v15, v18;
	v13 =	vadd.s32 s30, v13;
	(v2sf) =	vpush v18, $0xF;
	v15, _, _ =	vpop (xrf0)  }
.LBB2_4:
0xe3: {  	v16 =	vadd.s32 s31, v16;
	v10 =	vadd.s32 v10, v15  }
0xe4: {  	v14 =	vnsel vm14, $0x0, v14;
	v16 =	vnsel vm13, $0x0, v16;
	v10 =	vadd.s32 s28, v10  }
0xe5: {  	v14 =	vadd.s32 v14, v16;
	v10 =	vnsel vm12, $0x0, v10  }
0xe6: {  	s8 =	sadd.s32 s8, s25;
	v10 =	vadd.s32 v10, v14  }
0xe7: {  	v9 =	vadd.s32 s8, v9;
	v10 =	vadd.s32 v11, v10  }
0xe8: {  	s17 =	sadd.s32 s20, s17;
	v7 =	vadd.s32 v7, v12;
	v9 =	vnsel vm9, $0x0, v9;
	v8 =	vadd.s32 v8, v10  }
0xe9: {  	v7 =	vadd.s32 s17, v7;
	v8 =	vadd.s32 v9, v8;
	v9 =	vnsel vm11, $0x0, v13  }
0xea: {  	s16 =	smov.u32 s5;
	s29 =	rddreg [dreg:$0x3];
	v7 =	vnsel vm10, $0x0, v7;
	v8 =	vadd.s32 v9, v8  }
0xeb: {  	(v2sf) =	vpush v15, $0xF;
	s0 =	sadd.s32 s16, s29;
	v7 =	vadd.s32 v7, v8  }
0xec: {  	v6 =	vshrl.u32 v6, $0x1;
	s21 =	sand.u32 $0x40, s16;
	s22 =	sand.u32 $0x1F80, s0;
	[tilespmem:s9+$0x10] =	vst v7  }
0xed: {  	s13 =	sor.u32 s21, s22;
	[tilespmem:s6+$0x10] =	vst v6  }
0xee: {  	v6 =	vld [tilespmem:s13+$0x0];
	_ =	sdelay $0x1  }
0xef: {  	v8 =	vmov s0  }
0xf0: {  	v9 =	vor.u32 s0, v2;
	vm1 =	veq.s32 v8, v2  }
0xf1: {  	s11 =	spop (v2sf);
	v9 =	vshrl.u32 v9, $0x1;
	vm1 =	vmand vm1, vm8  }
0xf2: {  	s12 =	spop (v2sf);
	v10 =	vsel vm1, $0xFFFFFFFF, v1;
	vm13 =	veq.s32 v6, $0x0;
	vm15 =	veq.s32 v6, $0x2  }
0xf3: {  	s14 =	spop (v2sf);
	vm11 =	veq.s32 v6, $0x1;
	vm14 =	veq.s32 v6, $0x3;
	v13 =	vsel vm15, $0x1, v1  }
0xf4: {  	s1 =	spop (v2sf);
	vm1 =	veq.s32 v6, $0x4;
	vm9 =	veq.s32 v6, $0x5;
	v11 =	vsel vm13, $0x1, v1;
	(xrf0) =	vadd.scan.msk.s32 $0xffff, v13  }
0xf5: {  	s2 =	spop (v2sf);
	vm12 =	veq.s32 v6, $0x6;
	vm10 =	veq.s32 v6, $0x7;
	v12 =	vsel vm11, $0x1, v1;
	(xrf0) =	vadd.scan.msk.s32 $0xffff, v11  }
0xf6: {  	s10 =	spop (v2sf);
	v14 =	vsel vm1, $0x1, v1;
	v15 =	vsel vm9, $0x1, v1;
	v16 =	vsel vm15, $0xFFFFFFFF, v1;
	(xrf0) =	vadd.scan.msk.s32 $0xffff, v12  }
0xf7: {  	s13 =	spop (v2sf);
	v17 =	vsel vm12, $0x1, v1;
	v18 =	vsel vm1, $0xFFFFFFFF, v1;
	v13 =	vsel vm14, $0x1, v1  }
0xf8: {  	s22 =	sadd.s32 s24, s12;
	s18 =	sadd.s32 s26, s14;
	s14 =	sadd.s32 s31, s13;
	v19 =	vsel vm10, $0x1, v1;
	v22 =	vsel vm10, $0xFFFFFFFF, v1;
	v11 =	vsel vm13, $0xFFFFFFFF, v1;
	(xrf0) =	vadd.scan.msk.s32 $0xffff, v13  }
0xf9: {  	s31 =	spop (v2sf);
	v24 =	vadd.s32 s22, v18;
	v12 =	vsel vm14, $0xFFFFFFFF, v1;
	v11 =	vadd.s32 s14, v11;
	(xrf0) =	vadd.scan.msk.s32 $0xffff, v14  }
0xfa: {  	s20 =	sadd.s32 s8, s11;
	s8 =	sadd.s32 s23, s2;
	s28 =	sadd.s32 s28, s31;
	v13 =	vsel vm11, $0xFFFFFFFF, v1;
	v12 =	vadd.s32 s18, v12;
	v14 =	vsel vm9, $0xFFFFFFFF, v1;
	(xrf0) =	vadd.scan.msk.s32 $0xffff, v15;
	v20, _, _ =	vpop (xrf0)  }
0xfb: {  	s21 =	sadd.s32 s17, s1;
	v13 =	vadd.s32 s8, v13;
	v15 =	vadd.s32 s28, v16;
	v14 =	vadd.s32 s20, v14;
	(xrf0) =	vadd.scan.msk.s32 $0xffff, v17;
	v21, _, _ =	vpop (xrf0)  }
0xfc: {  	s12 =	sadd.s32 s30, s10;
	v16 =	vadd.s32 s21, v22;
	v17 =	vsel vm12, $0xFFFFFFFF, v1;
	v15 =	vadd.s32 v20, v15;
	(xrf0) =	vadd.scan.msk.s32 $0xffff, v19;
	v19, _, _ =	vpop (xrf0)  }
0xfd: {  	v52 =	vadd.s32 s12, v17;
	v11 =	vadd.s32 v21, v11;
	v13 =	vadd.s32 v19, v13  }
0xfe: {  	v15 =	vnsel vm15, $0x0, v15;
	v11 =	vnsel vm13, $0x0, v11;
	v51, _, _ =	vpop (xrf0);
	v13 =	vnsel vm11, $0x0, v13  }
0xff: {  	(v2sf) =	vpush v19, $0xF;
	v12 =	vadd.s32 v51, v12;
	v23, _, _ =	vpop (xrf0);
	v11 =	vadd.s32 v13, v11  }
0x100: {  	v12 =	vnsel vm14, $0x0, v12;
	v13 =	vadd.s32 v23, v24;
	v18, _, _ =	vpop (xrf0);
	v11 =	vadd.s32 v15, v11  }
0x101: {  	v13 =	vnsel vm1, $0x0, v13;
	v17, _, _ =	vpop (xrf0);
	v11 =	vadd.s32 v12, v11;
	v12 =	vadd.s32 v18, v14  }
0x102: {  	v14 =	vadd.s32 v17, v52;
	v15, _, _ =	vpop (xrf0);
	v11 =	vadd.s32 v13, v11;
	v12 =	vnsel vm9, $0x0, v12  }
0x103: {  	v13 =	vnsel vm12, $0x0, v14;
	v11 =	vadd.s32 v12, v11;
	v12 =	vadd.s32 v15, v16  }
0x104: {  	s19 =	sadd.s32 $0x80, s19;
	s30 =	sadd.s32 $0x30, s0;
	(v2sf) =	vpush v51, $0xF;
	v11 =	vadd.s32 v13, v11;
	v12 =	vnsel vm10, $0x0, v12  }
0x105: {  	s15 =	sadd.s32 $0x10, s0;
	s17 =	sand.u32 $0x1F80, s30;
	v6 =	vor.u32 s30, v2;
	s30 =	sadd.s32 $0x10, s16;
	(v2sf) =	vpush v18, $0xF;
	v11 =	vadd.s32 v12, v11  }
0x106: {  	s3 =	sadd.s32 $0x80, s3;
	s29 =	sand.u32 $0x1F80, s15;
	v9 =	vadd.s32 v10, v9;
	s30 =	sand.u32 $0x50, s30;
	(v2sf) =	vpush v20, $0xF;
	[tilespmem:s19+$0xFFFFFFE0] =	vst v11  }
0x107: {  	s29 =	sor.u32 s30, s29;
	(v2sf) =	vpush v23, $0xF;
	[tilespmem:s3+$0xFFFFFFE0] =	vst v9  }
0x108: {  	(v2sf) =	vpush v17, $0xF;
	v9 =	vld [tilespmem:s29+$0x0]  }
0x109: {  	(v2sf) =	vpush v21, $0xF;
	_ =	sdelay $0x3  }
0x10a: {  	vm1 =	veq.s32 v9, $0x2  }
0x10b: {  	vm14 =	veq.s32 v9, $0x1;
	v12 =	vsel vm1, $0x1, v1  }
0x10c: {  	(v2sf) =	vpush v15, $0xF;
	vm15 =	veq.s32 v9, $0x3;
	v11 =	vsel vm14, $0x1, v1;
	(xrf0) =	vadd.scan.msk.s32 $0xffff, v12  }
0x10d: {  	vm13 =	veq.s32 v9, $0x0;
	v12 =	vsel vm15, $0x1, v1;
	(xrf0) =	vadd.scan.msk.s32 $0xffff, v11  }
0x10e: {  	s4 =	sadd.s32 $0x20, s0;
	v8 =	vor.u32 s15, v2;
	v10 =	vsel vm13, $0x1, v1;
	(xrf0) =	vadd.scan.msk.s32 $0xffff, v12  }
0x10f: {  	v7 =	vor.u32 s4, v2;
	s15 =	spop (v2sf);
	vm11 =	veq.s32 v9, $0x4;
	vm10 =	veq.s32 v9, $0x5;
	(xrf0) =	vadd.scan.msk.s32 $0xffff, v10  }
0x110: {  	vm12 =	veq.s32 v9, $0x6;
	vm9 =	veq.s32 v9, $0x7;
	s31 =	spop (v2sf);
	v13 =	vsel vm11, $0x1, v1  }
0x111: {  	v14 =	vsel vm10, $0x1, v1;
	v9 =	vsel vm12, $0x1, v1;
	v16 =	vsel vm14, $0xFFFFFFFF, v1;
	s0 =	spop (v2sf);
	(xrf0) =	vadd.scan.msk.s32 $0xffff, v13  }
0x112: {  	v17 =	vsel vm1, $0xFFFFFFFF, v1;
	v11 =	vsel vm9, $0x1, v1;
	s30 =	spop (v2sf);
	v12 =	vsel vm11, $0xFFFFFFFF, v1;
	(xrf0) =	vadd.scan.msk.s32 $0xffff, v14;
	v15, _, _ =	vpop (xrf0)  }
0x113: {  	s11 =	sand.u32 $0x1F80, s4;
	s4 =	spop (v2sf);
	v10 =	vsel vm9, $0xFFFFFFFF, v1;
	v13 =	vsel vm10, $0xFFFFFFFF, v1;
	v14 =	vsel vm12, $0xFFFFFFFF, v1;
	(xrf0) =	vadd.scan.msk.s32 $0xffff, v9;
	v18, _, _ =	vpop (xrf0)  }
0x114: {  	s29 =	sadd.s32 s8, s15;
	s30 =	sadd.s32 s28, s30;
	s1 =	spop (v2sf);
	v9 =	vsel vm13, $0xFFFFFFFF, v1;
	(xrf0) =	vadd.scan.msk.s32 $0xffff, v11;
	v11 =	vadd.s32 v16, v18;
	v16 =	vadd.s32 v17, v15;
	v19, _, _ =	vpop (xrf0)  }
0x115: {  	s24 =	sadd.s32 s18, s31;
	s18 =	spop (v2sf);
	v17 =	vsel vm15, $0xFFFFFFFF, v1;
	v11 =	vadd.s32 s29, v11;
	v16 =	vadd.s32 s30, v16;
	v53, _, _ =	vpop (xrf0)  }
0x116: {  	s28 =	sadd.s32 s14, s18;
	v17 =	vadd.s32 v17, v19;
	v9 =	vadd.s32 v9, v53;
	v16 =	vnsel vm1, $0x0, v16  }
0x117: {  	v17 =	vadd.s32 s24, v17;
	v54, _, _ =	vpop (xrf0);
	v11 =	vnsel vm14, $0x0, v11;
	v9 =	vadd.s32 s28, v9  }
0x118: {  	s25 =	sadd.s32 s22, s4;
	v17 =	vnsel vm15, $0x0, v17;
	v55, _, _ =	vpop (xrf0);
	v12 =	vadd.s32 v12, v54;
	v9 =	vnsel vm13, $0x0, v9  }
0x119: {  	s20 =	sadd.s32 s20, s0;
	v56 =	vadd.s32 v13, v55;
	v57, _, _ =	vpop (xrf0);
	v9 =	vadd.s32 v11, v9;
	v11 =	vadd.s32 s25, v12  }
0x11a: {  	v12 =	vadd.s32 s20, v56;
	v14 =	vadd.s32 v14, v57;
	v9 =	vadd.s32 v16, v9  }
0x11b: {  	s2 =	sadd.s32 s12, s1;
	s31 =	spop (v2sf);
	v13, _, _ =	vpop (xrf0);
	v11 =	vnsel vm11, $0x0, v11;
	v12 =	vnsel vm10, $0x0, v12;
	v9 =	vadd.s32 v17, v9  }
0x11c: {  	s31 =	sadd.s32 s21, s31;
	v14 =	vadd.s32 s2, v14;
	v10 =	vadd.s32 v10, v13;
	v9 =	vadd.s32 v11, v9  }
0x11d: {  	v10 =	vadd.s32 s31, v10;
	v11 =	vnsel vm12, $0x0, v14;
	v9 =	vadd.s32 v12, v9  }
0x11e: {  	v10 =	vnsel vm9, $0x0, v10;
	v9 =	vadd.s32 v11, v9  }
0x11f: {  	s4 =	sadd.s32 $0x20, s16;
	(v2sf) =	vpush v53, $0xF;
	v9 =	vadd.s32 v10, v9  }
0x120: {  	v8 =	vshrl.u32 v8, $0x1;
	s0 =	sand.u32 $0x60, s4;
	(v2sf) =	vpush v15, $0xF;
	[tilespmem:s19+$0xFFFFFFF0] =	vst v9  }
0x121: {  	s0 =	sor.u32 s0, s11;
	(v2sf) =	vpush v54, $0xF;
	[tilespmem:s3+$0xFFFFFFF0] =	vst v8  }
0x122: {  	(v2sf) =	vpush v18, $0xF;
	v8 =	vld [tilespmem:s0+$0x0]  }
0x123: {  	(v2sf) =	vpush v19, $0xF  }
0x124: {  	(v2sf) =	vpush v55, $0xF  }
0x125: {  	(v2sf) =	vpush v57, $0xF  }
0x126: {  	(v2sf) =	vpush v13, $0xF  }
0x127: {  	vm1 =	veq.s32 v8, $0x2  }
0x128: {  	vm15 =	veq.s32 v8, $0x0;
	v11 =	vsel vm1, $0x1, v1  }
0x129: {  	vm13 =	veq.s32 v8, $0x1;
	v9 =	vsel vm15, $0x1, v1;
	(xrf0) =	vadd.scan.msk.s32 $0xffff, v11  }
0x12a: {  	v10 =	vsel vm13, $0x1, v1;
	(xrf0) =	vadd.scan.msk.s32 $0xffff, v9  }
0x12b: {  	vm14 =	veq.s32 v8, $0x3;
	(xrf0) =	vadd.scan.msk.s32 $0xffff, v10  }
0x12c: {  	vm12 =	veq.s32 v8, $0x4;
	vm10 =	veq.s32 v8, $0x5;
	v11 =	vsel vm14, $0x1, v1  }
0x12d: {  	vm11 =	veq.s32 v8, $0x6;
	vm9 =	veq.s32 v8, $0x7;
	v12 =	vsel vm12, $0x1, v1;
	(xrf0) =	vadd.scan.msk.s32 $0xffff, v11  }
0x12e: {  	s10 =	spop (v2sf);
	v13 =	vsel vm10, $0x1, v1;
	v8 =	vsel vm11, $0x1, v1;
	v14 =	vsel vm11, $0xFFFFFFFF, v1;
	(xrf0) =	vadd.scan.msk.s32 $0xffff, v12  }
0x12f: {  	s11 =	spop (v2sf);
	v16 =	vsel vm13, $0xFFFFFFFF, v1;
	v9 =	vsel vm9, $0x1, v1;
	v10 =	vsel vm10, $0xFFFFFFFF, v1;
	(xrf0) =	vadd.scan.msk.s32 $0xffff, v13;
	v15, _, _ =	vpop (xrf0)  }
0x130: {  	s12 =	spop (v2sf);
	v11 =	vsel vm9, $0xFFFFFFFF, v1;
	v12 =	vsel vm1, $0xFFFFFFFF, v1;
	(xrf0) =	vadd.scan.msk.s32 $0xffff, v8;
	v8 =	vsel vm15, $0xFFFFFFFF, v1;
	v17, _, _ =	vpop (xrf0)  }
0x131: {  	s21 =	sadd.s32 s30, s11;
	s13 =	spop (v2sf);
	v13 =	vsel vm12, $0xFFFFFFFF, v1;
	v12 =	vadd.s32 v12, v15;
	v8 =	vadd.s32 v8, v17;
	v18, _, _ =	vpop (xrf0)  }
0x132: {  	s22 =	sadd.s32 s28, s10;
	s23 =	sadd.s32 s29, s13;
	s14 =	spop (v2sf);
	(xrf0) =	vadd.scan.msk.s32 $0xffff, v9;
	v9 =	vadd.s32 s21, v12;
	v12 =	vsel vm14, $0xFFFFFFFF, v1;
	v16 =	vadd.s32 v16, v18  }
0x133: {  	s15 =	spop (v2sf);
	v8 =	vadd.s32 s22, v8;
	v9 =	vnsel vm1, $0x0, v9;
	v19, _, _ =	vpop (xrf0);
	v58 =	vadd.s32 s23, v16  }
0x134: {  	s28 =	sadd.s32 s24, s14;
	s18 =	spop (v2sf);
	v8 =	vnsel vm15, $0x0, v8;
	v12 =	vadd.s32 v12, v19;
	v59, _, _ =	vpop (xrf0);
	v60 =	vnsel vm13, $0x0, v58  }
0x135: {  	s1 =	sadd.s32 s25, s12;
	s29 =	spop (v2sf);
	v12 =	vadd.s32 s28, v12;
	v61 =	vadd.s32 v13, v59;
	(v2sf) =	vpush v59, $0xF  }
0x136: {  	v62, _, _ =	vpop (xrf0);
	v8 =	vadd.s32 v60, v8;
	v12 =	vnsel vm14, $0x0, v12;
	v63 =	vadd.s32 s1, v61  }
0x137: {  	s8 =	sadd.s32 s20, s15;
	v16, _, _ =	vpop (xrf0);
	v10 =	vadd.s32 v10, v62;
	v8 =	vadd.s32 v9, v8;
	v9 =	vnsel vm12, $0x0, v63  }
0x138: {  	s2 =	sadd.s32 s2, s18;
	v10 =	vadd.s32 s8, v10;
	v8 =	vadd.s32 v12, v8;
	v12 =	vadd.s32 v14, v16  }
0x139: {  	v13, _, _ =	vpop (xrf0);
	v8 =	vadd.s32 v9, v8;
	v9 =	vnsel vm10, $0x0, v10;
	v10 =	vadd.s32 s2, v12  }
0x13a: {  	s20 =	sadd.s32 s31, s29;
	v8 =	vadd.s32 v9, v8;
	v9 =	vnsel vm11, $0x0, v10;
	v10 =	vadd.s32 v11, v13  }
0x13b: {  	(v2sf) =	vpush v16, $0xF;
	v8 =	vadd.s32 v9, v8;
	v9 =	vadd.s32 s20, v10  }
0x13c: {  	(v2sf) =	vpush v18, $0xF;
	v9 =	vnsel vm9, $0x0, v9  }
0x13d: {  	s10 =	sadd.s32 $0x30, s16;
	(v2sf) =	vpush v13, $0xF;
	v8 =	vadd.s32 v9, v8  }
0x13e: {  	v7 =	vshrl.u32 v7, $0x1;
	s0 =	sand.u32 $0x70, s10;
	(v2sf) =	vpush v62, $0xF;
	[tilespmem:s19+$0x0] =	vst v8  }
0x13f: {  	s0 =	sor.u32 s0, s17;
	(v2sf) =	vpush v17, $0xF;
	[tilespmem:s3+$0x0] =	vst v7  }
0x140: {  	(v2sf) =	vpush v19, $0xF;
	v7 =	vld [tilespmem:s0+$0x0]  }
0x141: {  	(v2sf) =	vpush v15, $0xF;
	_ =	sdelay $0x3  }
0x142: {  	vm9 =	veq.s32 v7, $0x5  }
0x143: {  	vm1 =	veq.s32 v7, $0x4;
	v10 =	vsel vm9, $0x1, v1  }
0x144: {  	vm15 =	veq.s32 v7, $0x3;
	v9 =	vsel vm1, $0x1, v1;
	(xrf0) =	vadd.scan.msk.s32 $0xffff, v10  }
0x145: {  	vm13 =	veq.s32 v7, $0x0;
	vm10 =	veq.s32 v7, $0x7;
	v8 =	vsel vm15, $0x1, v1;
	(xrf0) =	vadd.scan.msk.s32 $0xffff, v9  }
0x146: {  	s11 =	spop (v2sf);
	vm14 =	veq.s32 v7, $0x1;
	vm12 =	veq.s32 v7, $0x2;
	v10 =	vsel vm10, $0x1, v1;
	(xrf0) =	vadd.scan.msk.s32 $0xffff, v8  }
0x147: {  	vm11 =	veq.s32 v7, $0x6;
	v11 =	vsel vm13, $0x1, v1;
	v7 =	vsel vm14, $0x1, v1;
	s12 =	spop (v2sf);
	(xrf0) =	vadd.scan.msk.s32 $0xffff, v10  }
0x148: {  	v12 =	vsel vm11, $0x1, v1;
	v13 =	vsel vm12, $0x1, v1;
	s13 =	spop (v2sf);
	(xrf0) =	vadd.scan.msk.s32 $0xffff, v7  }
0x149: {  	v17 =	vsel vm9, $0xFFFFFFFF, v1;
	v15 =	vsel vm13, $0xFFFFFFFF, v1;
	v14 =	vsel vm14, $0xFFFFFFFF, v1;
	s17 =	spop (v2sf);
	(xrf0) =	vadd.scan.msk.s32 $0xffff, v12  }
0x14a: {  	v18 =	vsel vm1, $0xFFFFFFFF, v1;
	s25 =	spop (v2sf);
	v10 =	vsel vm12, $0xFFFFFFFF, v1;
	v12 =	vsel vm15, $0xFFFFFFFF, v1;
	(xrf0) =	vadd.scan.msk.s32 $0xffff, v11;
	v11, _, _ =	vpop (xrf0)  }
0x14b: {  	s14 =	spop (v2sf);
	v7 =	vsel vm10, $0xFFFFFFFF, v1;
	v9 =	vadd.s32 v17, v11;
	(xrf0) =	vadd.scan.msk.s32 $0xffff, v13;
	v8, _, _ =	vpop (xrf0);
	(v2sf) =	vpush v11, $0xF  }
0x14c: {  	p1 =	sne.s32 s5, $0xC0;
	s24 =	sadd.s32 s1, s11;
	s15 =	spop (v2sf);
	v13 =	vsel vm11, $0xFFFFFFFF, v1;
	v11 =	vadd.s32 v18, v8;
	v16, _, _ =	vpop (xrf0);
	(v2sf) =	vpush v8, $0xF  }
.Ltmp1:
0x14d: {  	s26 =	sadd.s32 s28, s15;
	s18 =	spop (v2sf);
	v8 =	vadd.s32 v12, v16;
	v11 =	vadd.s32 s24, v11;
	(v2sf) =	vpush v16, $0xF;
	v12, _, _ =	vpop (xrf0);
	(pc) =	sbr.rel @p1 .LBB2_4-.Ltmp1, $4  }
0x14e: {  	v18 =	vadd.s32 s26, v8;
	v8 =	vnsel vm1, $0x0, v11;
	v17, _, _ =	vpop (xrf0);
	(v2sf) =	vpush v12, $0xF  }
0x14f: {  	s23 =	sadd.s32 s23, s13;
	v14 =	vadd.s32 v14, v17;
	v11 =	vnsel vm15, $0x0, v18;
	(v2sf) =	vpush v17, $0xF;
	v16, _, _ =	vpop (xrf0)  }
0x150: {  	s5 =	sadd.s32 $0x40, s5;
	s9 =	smov.u32 s19;
	s30 =	sadd.s32 s2, s12;
	v14 =	vadd.s32 s23, v14;
	v13 =	vadd.s32 v13, v16;
	v17, _, _ =	vpop (xrf0);
	(v2sf) =	vpush v16, $0xF  }
0x151: {  	s6 =	smov.u32 s3;
	s31 =	sadd.s32 s22, s14;
	s28 =	sadd.s32 s21, s18;
	v16 =	vadd.s32 v15, v17;
	v13 =	vadd.s32 s30, v13;
	(v2sf) =	vpush v17, $0xF;
	v15, _, _ =	vpop (xrf0)  }
0x152: {  	_ = 	snop  }
0x153: {  	(v2sf) =	vpush v15, $0xF  }
0x154: {  	v16 =	vadd.s32 s31, v16;
	v10 =	vadd.s32 v10, v15  }
0x155: {  	v14 =	vnsel vm14, $0x0, v14;
	v62 =	vnsel vm13, $0x0, v16;
	v10 =	vadd.s32 s28, v10  }
0x156: {  	v14 =	vadd.s32 v14, v62;
	v10 =	vnsel vm12, $0x0, v10  }
0x157: {  	s0 =	sadd.s32 s8, s25;
	v10 =	vadd.s32 v10, v14  }
0x158: {  	v9 =	vadd.s32 s0, v9;
	v10 =	vadd.s32 v11, v10  }
0x159: {  	v7 =	vadd.s32 v7, v12;
	s0 =	sadd.s32 s20, s17;
	v9 =	vnsel vm9, $0x0, v9;
	v8 =	vadd.s32 v8, v10  }
0x15a: {  	v63 =	vnsel vm11, $0x0, v13;
	v7 =	vadd.s32 s0, v7;
	v8 =	vadd.s32 v9, v8;
	s1 =	spop (v2sf)  }
0x15b: {  	v7 =	vnsel vm10, $0x0, v7;
	v8 =	vadd.s32 v63, v8;
	s24 =	spop (v2sf)  }
0x15c: {  	v7 =	vadd.s32 v7, v8;
	s1 =	spop (v2sf)  }
0x15d: {  	v6 =	vshrl.u32 v6, $0x1;
	s3 =	simm.s32 $0x0;
	[tilespmem:s9+$0x10] =	vst v7;
	s25 =	spop (v2sf)  }
0x15e: {  	s0 =	rddreg [dreg:$0x8];
	[tilespmem:s6+$0x10] =	vst v6;
	s1 =	simm.s32 $0x2000;
	s26 =	spop (v2sf)  }
0x15f: {  	[hbm4b:s0+s3] =	stream.linear.scatter [tilespmem:s1], [sflag:$0x3], $0x200, $0x38;
	[tilespmem:$0x12580] =	vst v63  }
0x160: {  	s28 =	spop (v2sf)  }
0x161: {  	s29 =	spop (v2sf)  }
0x162: {  	s31 =	simm.s32 $0x3;
	s30 =	spop (v2sf)  }
0x163: {  	_ =	swait.ge [sflag:s31], $0x200  }
0x164: {  	s10 =	rddreg [dreg:$0xa]  }
0x165: {  	s11 =	rddreg [dreg:$0xb]  }
0x166: {  	s12 =	rddreg [dreg:$0xc]  }
0x167: {  	s13 =	rddreg [dreg:$0xd]  }
0x168: {  	s14 =	rddreg [dreg:$0xe]  }
0x169: {  	[sflag:s31] =	ssyncset.done $0x0;
	s15 =	rddreg [dreg:$0xf]  }
0x16a: {  	s18 =	rddreg [dreg:$0x10];
	[sflag:s31] =	ssyncadd.s32 $0xFFFFFE00  }
0x16b: {  	s0 =	rddreg [dreg:$0x1]  }
.LBB2_6:
0x16c: {  	s5 =	sshra.s32 s3, $0x2  }
0x16d: {  	v6 =	vld [tilespmem:s5+$0x2200];
	_ =	sdelay $0x4  }
0x16e: {  	v7 =	vshll.u32 v6, $0x3  }
0x16f: {  	v6 =	vand.u32 $0x7, v6;
	v7 =	vand.u32 $0xFFFFFFC0, v7  }
0x170: {  	v8 =	vand.u32 $0x7, v2;
	v7 =	vor.u32 v6, v7;
	v6 =	vshrl.u32 v2, $0x3  }
0x171: {  	v9 =	vperm.xlane v7, v8;
	v6 =	vmul.u32 $0x8, v6;
	_ =	sdelay $0x1  }
0x172: {  	v9 =	vadd.s32 v6, v9;
	_ =	sdelay $0x3  }
0x173: {  	vm9 =	vmmov $0xffff;
	s28 =	simm.s32 $0x2580  }
0x174: {  	v10 =	vor.u32 $0x8, v2;
	[tilespmem:s28], [sflag:$0x1] =	stream.indirect_vreg.gather [hbm4b:s0+s7], $0x80, v9, vm9, $0xb8;
	[tilespmem:$0x12580] =	vst v63  }
0x175: {  	s29 =	simm.s32 $0x2D80;
	v7 =	vperm.xlane v7, v10  }
0x176: {  	[tilespmem:s29], [sflag:$0x1] =	stream.indirect_vreg.gather [hbm4b:s11+s7], $0x80, v9, vm9, $0xb8;
	[tilespmem:$0x12580] =	vst v63  }
0x177: {  	s30 =	simm.s32 $0x3580;
	v7 =	vadd.s32 v6, v7  }
0x178: {  	[tilespmem:s30], [sflag:$0x1] =	stream.indirect_vreg.gather [hbm4b:s12+s7], $0x80, v9, vm9, $0xb8;
	[tilespmem:$0x12580] =	vst v63  }
0x179: {  	s31 =	simm.s32 $0x3D80  }
0x17a: {  	[tilespmem:s31], [sflag:$0x1] =	stream.indirect_vreg.gather [hbm4b:s13+s7], $0x80, v9, vm9, $0xb8;
	[tilespmem:$0x12580] =	vst v63  }
0x17b: {  	s1 =	simm.s32 $0x4580  }
0x17c: {  	[tilespmem:s1], [sflag:$0x1] =	stream.indirect_vreg.gather [hbm4b:s0+s7], $0x80, v7, vm9, $0xb8;
	[tilespmem:$0x12580] =	vst v63  }
0x17d: {  	s4 =	simm.s32 $0x4D80  }
0x17e: {  	[tilespmem:s4], [sflag:$0x1] =	stream.indirect_vreg.gather [hbm4b:s11+s7], $0x80, v7, vm9, $0xb8;
	[tilespmem:$0x12580] =	vst v63  }
0x17f: {  	s6 =	simm.s32 $0x5580  }
0x180: {  	[tilespmem:s6], [sflag:$0x1] =	stream.indirect_vreg.gather [hbm4b:s12+s7], $0x80, v7, vm9, $0xb8;
	[tilespmem:$0x12580] =	vst v63  }
0x181: {  	s8 =	simm.s32 $0x5D80  }
0x182: {  	[tilespmem:s8], [sflag:$0x1] =	stream.indirect_vreg.gather [hbm4b:s13+s7], $0x80, v7, vm9, $0xb8;
	[tilespmem:$0x12580] =	vst v63  }
0x183: {  	v7 =	vld [tilespmem:s5+$0x2210];
	_ =	sdelay $0x4  }
0x184: {  	v57 =	vshll.u32 v7, $0x3  }
0x185: {  	v7 =	vand.u32 $0x7, v7;
	v9 =	vand.u32 $0xFFFFFFC0, v57  }
0x186: {  	v7 =	vor.u32 v7, v9  }
0x187: {  	v9 =	vperm.xlane v7, v8;
	_ =	sdelay $0x1  }
0x188: {  	v9 =	vadd.s32 v6, v9;
	_ =	sdelay $0x3  }
0x189: {  	s2 =	simm.s32 $0x6580  }
0x18a: {  	[tilespmem:s2], [sflag:$0x1] =	stream.indirect_vreg.gather [hbm4b:s0+s7], $0x80, v9, vm9, $0xb8;
	[tilespmem:$0x12580] =	vst v63  }
0x18b: {  	s9 =	simm.s32 $0x6D80;
	v7 =	vperm.xlane v7, v10  }
0x18c: {  	[tilespmem:s9], [sflag:$0x1] =	stream.indirect_vreg.gather [hbm4b:s11+s7], $0x80, v9, vm9, $0xb8;
	[tilespmem:$0x12580] =	vst v63  }
0x18d: {  	s16 =	simm.s32 $0x7580;
	v7 =	vadd.s32 v6, v7  }
0x18e: {  	[tilespmem:s16], [sflag:$0x1] =	stream.indirect_vreg.gather [hbm4b:s12+s7], $0x80, v9, vm9, $0xb8;
	[tilespmem:$0x12580] =	vst v63  }
0x18f: {  	s17 =	simm.s32 $0x7D80  }
0x190: {  	[tilespmem:s17], [sflag:$0x1] =	stream.indirect_vreg.gather [hbm4b:s13+s7], $0x80, v9, vm9, $0xb8;
	[tilespmem:$0x12580] =	vst v63  }
0x191: {  	s19 =	simm.s32 $0x8580  }
0x192: {  	[tilespmem:s19], [sflag:$0x1] =	stream.indirect_vreg.gather [hbm4b:s0+s7], $0x80, v7, vm9, $0xb8;
	[tilespmem:$0x12580] =	vst v63  }
0x193: {  	s20 =	simm.s32 $0x8D80  }
0x194: {  	[tilespmem:s20], [sflag:$0x1] =	stream.indirect_vreg.gather [hbm4b:s11+s7], $0x80, v7, vm9, $0xb8;
	[tilespmem:$0x12580] =	vst v63  }
0x195: {  	s21 =	simm.s32 $0x9580  }
0x196: {  	[tilespmem:s21], [sflag:$0x1] =	stream.indirect_vreg.gather [hbm4b:s12+s7], $0x80, v7, vm9, $0xb8;
	[tilespmem:$0x12580] =	vst v63  }
0x197: {  	s22 =	simm.s32 $0x9D80  }
0x198: {  	[tilespmem:s22], [sflag:$0x1] =	stream.indirect_vreg.gather [hbm4b:s13+s7], $0x80, v7, vm9, $0xb8;
	[tilespmem:$0x12580] =	vst v63  }
0x199: {  	v7 =	vld [tilespmem:s5+$0x2220];
	_ =	sdelay $0x4  }
0x19a: {  	v58 =	vshll.u32 v7, $0x3  }
0x19b: {  	v7 =	vand.u32 $0x7, v7;
	v9 =	vand.u32 $0xFFFFFFC0, v58  }
0x19c: {  	v7 =	vor.u32 v7, v9  }
0x19d: {  	v9 =	vperm.xlane v7, v8;
	_ =	sdelay $0x1  }
0x19e: {  	v9 =	vadd.s32 v6, v9;
	_ =	sdelay $0x3  }
0x19f: {  	s23 =	simm.s32 $0xA580  }
0x1a0: {  	[tilespmem:s23], [sflag:$0x1] =	stream.indirect_vreg.gather [hbm4b:s0+s7], $0x80, v9, vm9, $0xb8;
	[tilespmem:$0x12580] =	vst v63  }
0x1a1: {  	s24 =	simm.s32 $0xAD80;
	v7 =	vperm.xlane v7, v10  }
0x1a2: {  	[tilespmem:s24], [sflag:$0x1] =	stream.indirect_vreg.gather [hbm4b:s11+s7], $0x80, v9, vm9, $0xb8;
	[tilespmem:$0x12580] =	vst v63  }
0x1a3: {  	s25 =	simm.s32 $0xB580;
	v7 =	vadd.s32 v6, v7  }
0x1a4: {  	[tilespmem:s25], [sflag:$0x1] =	stream.indirect_vreg.gather [hbm4b:s12+s7], $0x80, v9, vm9, $0xb8;
	[tilespmem:$0x12580] =	vst v63  }
0x1a5: {  	s26 =	simm.s32 $0xBD80  }
0x1a6: {  	[tilespmem:s26], [sflag:$0x1] =	stream.indirect_vreg.gather [hbm4b:s13+s7], $0x80, v9, vm9, $0xb8;
	[tilespmem:$0x12580] =	vst v63  }
0x1a7: {  	s2 =	simm.s32 $0xC580  }
0x1a8: {  	[tilespmem:s2], [sflag:$0x1] =	stream.indirect_vreg.gather [hbm4b:s0+s7], $0x80, v7, vm9, $0xb8;
	[tilespmem:$0x12580] =	vst v63  }
0x1a9: {  	s2 =	simm.s32 $0xCD80  }
0x1aa: {  	[tilespmem:s2], [sflag:$0x1] =	stream.indirect_vreg.gather [hbm4b:s11+s7], $0x80, v7, vm9, $0xb8;
	[tilespmem:$0x12580] =	vst v63  }
0x1ab: {  	s2 =	simm.s32 $0xD580  }
0x1ac: {  	[tilespmem:s2], [sflag:$0x1] =	stream.indirect_vreg.gather [hbm4b:s12+s7], $0x80, v7, vm9, $0xb8;
	[tilespmem:$0x12580] =	vst v63  }
0x1ad: {  	s2 =	simm.s32 $0xDD80  }
0x1ae: {  	[tilespmem:s2], [sflag:$0x1] =	stream.indirect_vreg.gather [hbm4b:s13+s7], $0x80, v7, vm9, $0xb8;
	[tilespmem:$0x12580] =	vst v63  }
0x1af: {  	v7 =	vld [tilespmem:s5+$0x2230];
	_ =	sdelay $0x4  }
0x1b0: {  	v59 =	vshll.u32 v7, $0x3  }
0x1b1: {  	v7 =	vand.u32 $0x7, v7;
	v9 =	vand.u32 $0xFFFFFFC0, v59  }
0x1b2: {  	v7 =	vor.u32 v7, v9  }
0x1b3: {  	v9 =	vperm.xlane v7, v8;
	_ =	sdelay $0x1  }
0x1b4: {  	v9 =	vadd.s32 v6, v9;
	_ =	sdelay $0x3  }
0x1b5: {  	s2 =	simm.s32 $0xE580  }
0x1b6: {  	[tilespmem:s2], [sflag:$0x1] =	stream.indirect_vreg.gather [hbm4b:s0+s7], $0x80, v9, vm9, $0xb8;
	[tilespmem:$0x12580] =	vst v63  }
0x1b7: {  	v7 =	vperm.xlane v7, v10;
	s2 =	simm.s32 $0xED80  }
0x1b8: {  	[tilespmem:s2], [sflag:$0x1] =	stream.indirect_vreg.gather [hbm4b:s11+s7], $0x80, v9, vm9, $0xb8;
	[tilespmem:$0x12580] =	vst v63  }
0x1b9: {  	v7 =	vadd.s32 v6, v7;
	s2 =	simm.s32 $0xF580  }
0x1ba: {  	[tilespmem:s2], [sflag:$0x1] =	stream.indirect_vreg.gather [hbm4b:s12+s7], $0x80, v9, vm9, $0xb8;
	[tilespmem:$0x12580] =	vst v63  }
0x1bb: {  	s2 =	simm.s32 $0xFD80  }
0x1bc: {  	[tilespmem:s2], [sflag:$0x1] =	stream.indirect_vreg.gather [hbm4b:s13+s7], $0x80, v9, vm9, $0xb8;
	[tilespmem:$0x12580] =	vst v63  }
0x1bd: {  	s2 =	simm.s32 $0x10580  }
0x1be: {  	[tilespmem:s2], [sflag:$0x1] =	stream.indirect_vreg.gather [hbm4b:s0+s7], $0x80, v7, vm9, $0xb8;
	[tilespmem:$0x12580] =	vst v63  }
0x1bf: {  	s2 =	simm.s32 $0x10D80  }
0x1c0: {  	[tilespmem:s2], [sflag:$0x1] =	stream.indirect_vreg.gather [hbm4b:s11+s7], $0x80, v7, vm9, $0xb8;
	[tilespmem:$0x12580] =	vst v63  }
0x1c1: {  	s2 =	simm.s32 $0x11580  }
0x1c2: {  	[tilespmem:s2], [sflag:$0x1] =	stream.indirect_vreg.gather [hbm4b:s12+s7], $0x80, v7, vm9, $0xb8;
	[tilespmem:$0x12580] =	vst v63  }
0x1c3: {  	s2 =	simm.s32 $0x11D80  }
0x1c4: {  	[tilespmem:s2], [sflag:$0x1] =	stream.indirect_vreg.gather [hbm4b:s13+s7], $0x80, v7, vm9, $0xb8;
	[tilespmem:$0x12580] =	vst v63  }
0x1c5: {  	s2 =	simm.s32 $0x1  }
0x1c6: {  	_ =	swait.ge [sflag:s2], $0x10000  }
0x1c7: {  	[sflag:s2] =	ssyncset.done $0x0  }
0x1c8: {  	[sflag:s2] =	ssyncadd.s32 $0xFFFF0000  }
0x1c9: {  	v7 =	vld [tilespmem:s5+$0x2000];
	_ =	sdelay $0x4  }
0x1ca: {  	v60 =	vshll.u32 v7, $0x3  }
0x1cb: {  	v7 =	vand.u32 $0x7, v7;
	v9 =	vand.u32 $0xFFFFFFC0, v60  }
0x1cc: {  	v7 =	vor.u32 v7, v9  }
0x1cd: {  	v9 =	vperm.xlane v7, v8;
	_ =	sdelay $0x1  }
0x1ce: {  	v9 =	vadd.s32 v6, v9;
	_ =	sdelay $0x4  }
0x1cf: {  	[hbm4b:s10+s7] =	stream.indirect_vreg.scatter [tilespmem:s28], [sflag:$0x2], $0x80, v9, vm9, $0xb8;
	[tilespmem:$0x12580] =	vst v63  }
0x1d0: {  	v7 =	vperm.xlane v7, v10  }
0x1d1: {  	[hbm4b:s14+s7] =	stream.indirect_vreg.scatter [tilespmem:s29], [sflag:$0x2], $0x80, v9, vm9, $0xb8;
	[tilespmem:$0x12580] =	vst v63  }
0x1d2: {  	v7 =	vadd.s32 v6, v7  }
0x1d3: {  	[hbm4b:s15+s7] =	stream.indirect_vreg.scatter [tilespmem:s30], [sflag:$0x2], $0x80, v9, vm9, $0xb8;
	[tilespmem:$0x12580] =	vst v63  }
0x1d4: {  	_ = 	snop  }
0x1d5: {  	[hbm4b:s18+s7] =	stream.indirect_vreg.scatter [tilespmem:s31], [sflag:$0x2], $0x80, v9, vm9, $0xb8;
	[tilespmem:$0x12580] =	vst v63  }
0x1d6: {  	_ = 	snop  }
0x1d7: {  	[hbm4b:s10+s7] =	stream.indirect_vreg.scatter [tilespmem:s1], [sflag:$0x2], $0x80, v7, vm9, $0xb8;
	[tilespmem:$0x12580] =	vst v63  }
0x1d8: {  	_ = 	snop  }
0x1d9: {  	[hbm4b:s14+s7] =	stream.indirect_vreg.scatter [tilespmem:s4], [sflag:$0x2], $0x80, v7, vm9, $0xb8;
	[tilespmem:$0x12580] =	vst v63  }
0x1da: {  	_ = 	snop  }
0x1db: {  	[hbm4b:s15+s7] =	stream.indirect_vreg.scatter [tilespmem:s6], [sflag:$0x2], $0x80, v7, vm9, $0xb8;
	[tilespmem:$0x12580] =	vst v63  }
0x1dc: {  	_ = 	snop  }
0x1dd: {  	[hbm4b:s18+s7] =	stream.indirect_vreg.scatter [tilespmem:s8], [sflag:$0x2], $0x80, v7, vm9, $0xb8;
	[tilespmem:$0x12580] =	vst v63  }
0x1de: {  	v7 =	vld [tilespmem:s5+$0x2010];
	_ =	sdelay $0x4  }
0x1df: {  	v61 =	vshll.u32 v7, $0x3  }
0x1e0: {  	v7 =	vand.u32 $0x7, v7;
	v9 =	vand.u32 $0xFFFFFFC0, v61  }
0x1e1: {  	v7 =	vor.u32 v7, v9  }
0x1e2: {  	v9 =	vperm.xlane v7, v8;
	_ =	sdelay $0x1  }
0x1e3: {  	v9 =	vadd.s32 v6, v9;
	_ =	sdelay $0x3  }
0x1e4: {  	s8 =	simm.s32 $0x6580  }
0x1e5: {  	[hbm4b:s10+s7] =	stream.indirect_vreg.scatter [tilespmem:s8], [sflag:$0x2], $0x80, v9, vm9, $0xb8;
	[tilespmem:$0x12580] =	vst v63  }
0x1e6: {  	v7 =	vperm.xlane v7, v10  }
0x1e7: {  	[hbm4b:s14+s7] =	stream.indirect_vreg.scatter [tilespmem:s9], [sflag:$0x2], $0x80, v9, vm9, $0xb8;
	[tilespmem:$0x12580] =	vst v63  }
0x1e8: {  	v7 =	vadd.s32 v6, v7  }
0x1e9: {  	[hbm4b:s15+s7] =	stream.indirect_vreg.scatter [tilespmem:s16], [sflag:$0x2], $0x80, v9, vm9, $0xb8;
	[tilespmem:$0x12580] =	vst v63  }
0x1ea: {  	_ = 	snop  }
0x1eb: {  	[hbm4b:s18+s7] =	stream.indirect_vreg.scatter [tilespmem:s17], [sflag:$0x2], $0x80, v9, vm9, $0xb8;
	[tilespmem:$0x12580] =	vst v63  }
0x1ec: {  	_ = 	snop  }
0x1ed: {  	[hbm4b:s10+s7] =	stream.indirect_vreg.scatter [tilespmem:s19], [sflag:$0x2], $0x80, v7, vm9, $0xb8;
	[tilespmem:$0x12580] =	vst v63  }
0x1ee: {  	_ = 	snop  }
0x1ef: {  	[hbm4b:s14+s7] =	stream.indirect_vreg.scatter [tilespmem:s20], [sflag:$0x2], $0x80, v7, vm9, $0xb8;
	[tilespmem:$0x12580] =	vst v63  }
0x1f0: {  	_ = 	snop  }
0x1f1: {  	[hbm4b:s15+s7] =	stream.indirect_vreg.scatter [tilespmem:s21], [sflag:$0x2], $0x80, v7, vm9, $0xb8;
	[tilespmem:$0x12580] =	vst v63  }
0x1f2: {  	_ = 	snop  }
0x1f3: {  	[hbm4b:s18+s7] =	stream.indirect_vreg.scatter [tilespmem:s22], [sflag:$0x2], $0x80, v7, vm9, $0xb8;
	[tilespmem:$0x12580] =	vst v63  }
0x1f4: {  	v7 =	vld [tilespmem:s5+$0x2020];
	_ =	sdelay $0x4  }
0x1f5: {  	v62 =	vshll.u32 v7, $0x3  }
0x1f6: {  	v7 =	vand.u32 $0x7, v7;
	v9 =	vand.u32 $0xFFFFFFC0, v62  }
0x1f7: {  	v7 =	vor.u32 v7, v9  }
0x1f8: {  	v9 =	vperm.xlane v7, v8;
	_ =	sdelay $0x1  }
0x1f9: {  	v9 =	vadd.s32 v6, v9;
	_ =	sdelay $0x4  }
0x1fa: {  	[hbm4b:s10+s7] =	stream.indirect_vreg.scatter [tilespmem:s23], [sflag:$0x2], $0x80, v9, vm9, $0xb8;
	[tilespmem:$0x12580] =	vst v63  }
0x1fb: {  	v7 =	vperm.xlane v7, v10  }
0x1fc: {  	[hbm4b:s14+s7] =	stream.indirect_vreg.scatter [tilespmem:s24], [sflag:$0x2], $0x80, v9, vm9, $0xb8;
	[tilespmem:$0x12580] =	vst v63  }
0x1fd: {  	v7 =	vadd.s32 v6, v7  }
0x1fe: {  	[hbm4b:s15+s7] =	stream.indirect_vreg.scatter [tilespmem:s25], [sflag:$0x2], $0x80, v9, vm9, $0xb8;
	[tilespmem:$0x12580] =	vst v63  }
0x1ff: {  	_ = 	snop  }
0x200: {  	[hbm4b:s18+s7] =	stream.indirect_vreg.scatter [tilespmem:s26], [sflag:$0x2], $0x80, v9, vm9, $0xb8;
	[tilespmem:$0x12580] =	vst v63  }
0x201: {  	s17 =	simm.s32 $0xC580  }
0x202: {  	[hbm4b:s10+s7] =	stream.indirect_vreg.scatter [tilespmem:s17], [sflag:$0x2], $0x80, v7, vm9, $0xb8;
	[tilespmem:$0x12580] =	vst v63  }
0x203: {  	s19 =	simm.s32 $0xCD80  }
0x204: {  	[hbm4b:s14+s7] =	stream.indirect_vreg.scatter [tilespmem:s19], [sflag:$0x2], $0x80, v7, vm9, $0xb8;
	[tilespmem:$0x12580] =	vst v63  }
0x205: {  	s20 =	simm.s32 $0xD580  }
0x206: {  	[hbm4b:s15+s7] =	stream.indirect_vreg.scatter [tilespmem:s20], [sflag:$0x2], $0x80, v7, vm9, $0xb8;
	[tilespmem:$0x12580] =	vst v63  }
0x207: {  	s21 =	simm.s32 $0xDD80  }
0x208: {  	[hbm4b:s18+s7] =	stream.indirect_vreg.scatter [tilespmem:s21], [sflag:$0x2], $0x80, v7, vm9, $0xb8;
	[tilespmem:$0x12580] =	vst v63  }
0x209: {  	v7 =	vld [tilespmem:s5+$0x2030];
	_ =	sdelay $0x4  }
0x20a: {  	v63 =	vshll.u32 v7, $0x3  }
0x20b: {  	v7 =	vand.u32 $0x7, v7;
	v9 =	vand.u32 $0xFFFFFFC0, v63  }
0x20c: {  	v7 =	vor.u32 v7, v9  }
0x20d: {  	v8 =	vperm.xlane v7, v8;
	_ =	sdelay $0x1  }
0x20e: {  	v8 =	vadd.s32 v6, v8;
	_ =	sdelay $0x3  }
0x20f: {  	s22 =	simm.s32 $0xE580  }
0x210: {  	[hbm4b:s10+s7] =	stream.indirect_vreg.scatter [tilespmem:s22], [sflag:$0x2], $0x80, v8, vm9, $0xb8;
	[tilespmem:$0x12580] =	vst v63  }
0x211: {  	s23 =	simm.s32 $0xED80;
	v7 =	vperm.xlane v7, v10  }
0x212: {  	[hbm4b:s14+s7] =	stream.indirect_vreg.scatter [tilespmem:s23], [sflag:$0x2], $0x80, v8, vm9, $0xb8;
	[tilespmem:$0x12580] =	vst v63  }
0x213: {  	s24 =	simm.s32 $0xF580;
	v6 =	vadd.s32 v6, v7  }
0x214: {  	[hbm4b:s15+s7] =	stream.indirect_vreg.scatter [tilespmem:s24], [sflag:$0x2], $0x80, v8, vm9, $0xb8;
	[tilespmem:$0x12580] =	vst v63  }
0x215: {  	s25 =	simm.s32 $0xFD80  }
0x216: {  	[hbm4b:s18+s7] =	stream.indirect_vreg.scatter [tilespmem:s25], [sflag:$0x2], $0x80, v8, vm9, $0xb8;
	[tilespmem:$0x12580] =	vst v63  }
0x217: {  	s26 =	simm.s32 $0x10580  }
0x218: {  	[hbm4b:s10+s7] =	stream.indirect_vreg.scatter [tilespmem:s26], [sflag:$0x2], $0x80, v6, vm9, $0xb8;
	[tilespmem:$0x12580] =	vst v63  }
0x219: {  	s28 =	simm.s32 $0x10D80  }
0x21a: {  	[hbm4b:s14+s7] =	stream.indirect_vreg.scatter [tilespmem:s28], [sflag:$0x2], $0x80, v6, vm9, $0xb8;
	[tilespmem:$0x12580] =	vst v63  }
0x21b: {  	p1 =	sne.s32 s3, $0x600;
	s29 =	simm.s32 $0x11580  }
0x21c: {  	[hbm4b:s15+s7] =	stream.indirect_vreg.scatter [tilespmem:s29], [sflag:$0x2], $0x80, v6, vm9, $0xb8;
	[tilespmem:$0x12580] =	vst v63  }
.Ltmp2:
0x21d: {  	s30 =	simm.s32 $0x11D80;
	s31 =	simm.s32 $0x2;
	(pc) =	sbr.rel @p1 .LBB2_6-.Ltmp2, $4  }
0x21e: {  	[hbm4b:s18+s7] =	stream.indirect_vreg.scatter [tilespmem:s30], [sflag:$0x2], $0x80, v6, vm9, $0xb8;
	[tilespmem:$0x12580] =	vst v63  }
0x21f: {  	_ =	swait.ge [sflag:s31], $0x10000  }
0x220: {  	[sflag:s31] =	ssyncset.done $0x0  }
0x221: {  	s3 =	sadd.s32 $0x200, s3;
	[sflag:s31] =	ssyncadd.s32 $0xFFFF0000  }
0x222: {  	s3 =	rddreg [dreg:$0x11]  }
0x223: {  	s0 =	rddreg [dreg:$0x9];
	s3 =	sadd.s32 $0x1, s3  }
0x224: {  	p1 =	sne.s32 s3, s0  }
.Ltmp3:
0x225: {  	_ = 	snop;
	(pc) =	sbr.rel @p1 .LBB2_1-.Ltmp3, $2  }
0x226: {  	_ =	sdelay $0x2  }
0x227: {  	s6 =	rddreg [dreg:$0x7];
	s4 =	simm.s32 $0x2500;
	s5 =	simm.s32 $0x3  }
0x228: {  	_ =	sfence.sel $0x180000  }
0x229: {  	[bflag:$0x0] =	sbarrier.arrive $0xFFFF  }
0x22a: {  	_ =	strace $0x90000047  }
0x22b: {  	s0 =	stileid.u32;
	[bflag:$0x2] =	sbarrier.arrive $0xFFFF  }
0x22c: {  	p0 =	sne.s32 s0, $0x0;
	s0 =	rddreg [dreg:$0x2]  }
0x22d: {  	s0 =	sadd.s32 @!p0 $0x100000, s0  }
0x22e: {  	[sflag:s0] =	ssyncadd.tile.s32 @!p0 $0x1;
	_ =	shalt  }
.Lfunc_end2:
_tile_overlayer_lowered:
.L_overlay_start_2:
0x22f: {  	(tag) =	ssettag $0x2  }
0x230: {  	s0 =	rddreg [dreg:$0x0];
	s2 =	stileid.u32  }
0x231: {  	s1 =	rddreg [dreg:$0x1];
	p0 =	sne.s32 s2, $0x0  }
0x232: {  	s3 =	rddreg [dreg:$0x2];
	[bflag:$0x3] =	sbarrier.arrive $0xFFFF;
	s2 =	simm.s32 @!p0 $0x1C03  }
0x233: {  	[timem:s3], [sflag:s2] =	dma.local @!p0 [hbm:s0], s1  }
0x234: {  	s0 =	simm.s32 @!p0 $0x3  }
0x235: {  	_ =	swait.ge @!p0 [sflag:s0], s1  }
0x236: {  	s1 =	ssub.s32 @!p0 $0x0, s1;
	[sflag:s0] =	ssyncset.done @!p0 $0x0  }
0x237: {  	[sflag:s0] =	ssyncadd.s32 @!p0 s1  }
0x238: {  	[bflag:$0x3] =	sbarrier.arrive $0xFFFF  }
0x239: {  	_ =	shalt  }

</sc_bundles>
